<compile_context>
chip_gen: v7x
topology: tpu7x:2x2x1
jax: 0.10.2.dev20260603
libtpu: 0.0.44.dev20260713+nightly
codegen_flags: <defaults>
</compile_context>

<pallas_src>
import functools

import jax
import jax.numpy as jnp
import numpy as np
from jax import lax
from jax.experimental import pallas as pl
from jax.experimental.pallas import tpu as pltpu
from jax.experimental.pallas import tpu_sc as plsc

KNN = 16
CUTOFF = 5.0
PB = 256


def _knn_body(pos_ref, posT_ref, nbr_ref, rbf_ref, *, P, num_rbf):
    b = pl.program_id(0)
    i = pl.program_id(1)
    xd = pos_ref[0]
    xs = posT_ref[0]
    xd0, xd1, xd2 = xd[:, 0:1], xd[:, 1:2], xd[:, 2:3]
    xs0, xs1, xs2 = xs[0:1, :], xs[1:2, :], xs[2:3, :]
    d2 = (xd0 - xs0) ** 2 + (xd1 - xs1) ** 2 + (xd2 - xs2) ** 2
    col = lax.broadcasted_iota(jnp.int32, (PB, P), 1)
    rowg = i * PB + lax.broadcasted_iota(jnp.int32, (PB, P), 0)
    d2 = jnp.where(col == rowg, 1e9, d2)
    col_f = col.astype(jnp.float32)

    centers = lax.broadcasted_iota(
        jnp.int32, (1, num_rbf), 1).astype(jnp.float32) * jnp.float32(
            CUTOFF / (num_rbf - 1))
    gamma = jnp.float32(num_rbf / CUTOFF)

    rs = []
    for k in range(KNN):
        m = jnp.min(d2, axis=1, keepdims=True)
        idxf = jnp.min(jnp.where(d2 == m, col_f, jnp.float32(P)),
                       axis=1, keepdims=True)
        onehot = col_f == idxf
        rs.append(jnp.sqrt(m + 1e-12))
        nbr_ref[0, :, k:k + 1] = idxf.astype(jnp.int32) + b * P
        d2 = jnp.where(onehot, 1e9, d2)

    r_all = jnp.concatenate(rs, axis=1)
    env_all = 0.5 * (jnp.cos(jnp.float32(np.pi) *
                             jnp.clip(r_all / CUTOFF, 0.0, 1.0)) + 1.0)
    for k in range(KNN):
        rbf_k = jnp.exp(-gamma * (rs[k] - centers) ** 2) * env_all[:, k:k + 1]
        rbf_ref[0, k] = rbf_k


def _edge_body(psrc_ref, pos_ref, rhb_ref, *, C):
    ps = psrc_ref[0]
    xd = pos_ref[0]
    rel = ps[..., 0:3] - xd[None, :, :]
    r = jnp.sqrt(rel[..., 0:1] ** 2 + rel[..., 1:2] ** 2 +
                 rel[..., 2:3] ** 2 + 1e-12)
    rh = rel / r
    rhb_ref[0] = jnp.concatenate(
        [jnp.broadcast_to(rh[..., 0:1], (KNN, PB, C)),
         jnp.broadcast_to(rh[..., 1:2], (KNN, PB, C)),
         jnp.broadcast_to(rh[..., 2:3], (KNN, PB, C))], axis=2)


def _layer_body(g_ref, rbf_ref, rhb_ref, tbl_ref,
                W1_ref, b1_ref, W2_ref, b2_ref,
                Wg_ref, bg_ref, Wcat_ref, out_ref, *, C):
    rb2 = rbf_ref[0].reshape(KNN * PB, rbf_ref.shape[-1])
    h = rb2 @ W1_ref[...] + b1_ref[...]
    h = h * jax.nn.sigmoid(h)
    w2d = h @ W2_ref[...] + b2_ref[...]
    w = w2d.reshape(KNN, PB, 8 * C)
    wss = w[..., 0:C]
    wvs = w[..., C:2 * C]
    wsv3 = w[..., 2 * C:5 * C]
    wvv3 = w[..., 5 * C:8 * C]
    G = g_ref[0]
    s = G[..., 0:C]
    V = G[..., C:4 * C]
    RB = rhb_ref[0]
    VR = V * RB
    vdot = VR[..., 0:C] + VR[..., C:2 * C] + VR[..., 2 * C:3 * C]
    msg_s = wss * s + wvs * vdot
    sr = wsv3 * RB
    msg_v = wvv3 * V + sr * jnp.concatenate([s, s, s], axis=2)
    inv_k = jnp.float32(1.0 / KNN)
    agg_s = jnp.sum(msg_s, axis=0) * inv_k
    agg_v = jnp.sum(msg_v, axis=0) * inv_k
    gate = jax.nn.sigmoid(agg_s @ Wg_ref[...] + bg_ref[...])
    lhs = jnp.concatenate(
        [agg_s * jax.nn.sigmoid(agg_s),
         gate * agg_v[:, 0:C],
         gate * agg_v[:, C:2 * C],
         gate * agg_v[:, 2 * C:3 * C]], axis=0)
    mm = lhs @ Wcat_ref[...]
    upd = jnp.concatenate(
        [mm[0:PB, 0:C], mm[PB:2 * PB, C:2 * C],
         mm[2 * PB:3 * PB, C:2 * C], mm[3 * PB:4 * PB, C:2 * C]], axis=1)
    out_ref[0] = tbl_ref[0] + upd


def _layer0_body(rbf_ref, rhb_ref, emb_ref,
                 W1_ref, b1_ref, W2_ref, b2_ref,
                 Wg_ref, bg_ref, Wcat_ref, out_ref, *, C):
    rb2 = rbf_ref[0].reshape(KNN * PB, rbf_ref.shape[-1])
    h = rb2 @ W1_ref[...] + b1_ref[...]
    h = h * jax.nn.sigmoid(h)
    w2d = h @ W2_ref[...] + b2_ref[...]
    w = w2d.reshape(KNN, PB, 8 * C)
    wss = w[..., 0:C]
    wsv3 = w[..., 2 * C:5 * C]
    RB = rhb_ref[0]
    emb = emb_ref[...]
    msg_s = wss * emb[0:1, None, 0:C]
    msg_v = (wsv3 * RB) * emb[0:1, None, C:4 * C]
    inv_k = jnp.float32(1.0 / KNN)
    agg_s = jnp.sum(msg_s, axis=0) * inv_k
    agg_v = jnp.sum(msg_v, axis=0) * inv_k
    gate = jax.nn.sigmoid(agg_s @ Wg_ref[...] + bg_ref[...])
    lhs = jnp.concatenate(
        [agg_s * jax.nn.sigmoid(agg_s),
         gate * agg_v[:, 0:C],
         gate * agg_v[:, C:2 * C],
         gate * agg_v[:, 2 * C:3 * C]], axis=0)
    mm = lhs @ Wcat_ref[...]
    upd = jnp.concatenate(
        [mm[0:PB, 0:C] + emb[0:1, 0:C], mm[PB:2 * PB, C:2 * C],
         mm[2 * PB:3 * PB, C:2 * C], mm[3 * PB:4 * PB, C:2 * C]], axis=1)
    out_ref[0] = upd


def _readout_body(tbl_ref, Wc1_ref, bc1_ref, Wc2_ref, bc2_ref,
                  Wc3_ref, bc3_ref, out_ref, *, C):
    s = tbl_ref[0][:, 0:C]
    pooled = jnp.mean(s, axis=0, keepdims=True)
    h = pooled @ Wc1_ref[...] + bc1_ref[...]
    h = h * jax.nn.sigmoid(h)
    h = h @ Wc2_ref[...] + bc2_ref[...]
    h = h * jax.nn.sigmoid(h)
    out_ref[0] = h @ Wc3_ref[...] + bc3_ref[...]


def _make_sc_gather(R, D, n_workers, chunk, tc_tiling=True):
    per_w = R // n_workers
    n_chunks = per_w // chunk
    mesh = plsc.VectorSubcoreMesh(core_axis_name="c", subcore_axis_name="s")
    info = plsc.get_sparse_core_info()
    nc = info.num_cores

    @functools.partial(
        pl.kernel, mesh=mesh,
        out_type=jax.ShapeDtypeStruct((R, D), jnp.float32),
        compiler_params=pltpu.CompilerParams(use_tc_tiling_on_sc=tc_tiling),
        scratch_types=[
            pltpu.VMEM((chunk,), jnp.int32),
            pltpu.VMEM((chunk,), jnp.int32),
            pltpu.VMEM((chunk, D), jnp.float32),
            pltpu.VMEM((chunk, D), jnp.float32),
            pltpu.SemaphoreType.DMA,
            pltpu.SemaphoreType.DMA,
            pltpu.SemaphoreType.DMA,
            pltpu.SemaphoreType.DMA,
        ],
    )
    def gather_k(table_hbm, idx_hbm, out_hbm, idx_v0, idx_v1,
                 rows_v0, rows_v1, g0, g1, s0, s1):
        assert n_chunks % 2 == 0 and n_chunks >= 2
        wid = lax.axis_index("s") * nc + lax.axis_index("c")
        idx_v = (idx_v0, idx_v1)
        rows_v = (rows_v0, rows_v1)
        gsem = (g0, g1)
        ssem = (s0, s1)

        def start(j, slot):
            base = pl.multiple_of(wid * per_w + j * chunk, 8)
            pltpu.sync_copy(idx_hbm.at[pl.ds(base, chunk)], idx_v[slot])
            pltpu.async_copy(table_hbm.at[idx_v[slot]], rows_v[slot],
                             gsem[slot])

        def wait_scatter(j, slot):
            base = pl.multiple_of(wid * per_w + j * chunk, 8)
            pltpu.make_async_copy(rows_v[slot], out_hbm.at[pl.ds(base, chunk)],
                                  ssem[slot]).wait()

        start(0, 0)

        def body(jj, carry):
            for b in range(2):
                j = 2 * jj + b
                nb = 1 - b

                @pl.when(j + 1 < n_chunks)
                def _():
                    @pl.when(j >= 1)
                    def _():
                        wait_scatter(j - 1, nb)
                    start(j + 1, nb)

                base = pl.multiple_of(wid * per_w + j * chunk, 8)
                pltpu.make_async_copy(table_hbm.at[idx_v[b]], rows_v[b],
                                      gsem[b]).wait()
                pltpu.async_copy(rows_v[b], out_hbm.at[pl.ds(base, chunk)],
                                 ssem[b])
            return carry

        lax.fori_loop(0, n_chunks // 2, body, 0)
        wait_scatter(n_chunks - 2, 0)
        wait_scatter(n_chunks - 1, 1)

    return gather_k


def kernel(batch, embed_w, W1, b1, W2, b2, Wg, bg, Wms, Wmv,
           Wc1, bc1, Wc2, bc2, Wc3, bc3):
    B, P, _ = batch.shape
    C = embed_w.shape[1]
    num_rbf = W1.shape[1]
    RH = W1.shape[2]
    L = W1.shape[0]
    ncls = Wc3.shape[1]
    nblk = P // PB

    batchT = jnp.transpose(batch, (0, 2, 1))

    nbr, rbf = pl.pallas_call(
        functools.partial(_knn_body, P=P, num_rbf=num_rbf),
        grid=(B, nblk),
        in_specs=[
            pl.BlockSpec((1, PB, 3), lambda b, i: (b, i, 0)),
            pl.BlockSpec((1, 3, P), lambda b, i: (b, 0, 0)),
        ],
        out_specs=[
            pl.BlockSpec((1, PB, KNN), lambda b, i: (b, i, 0)),
            pl.BlockSpec((1, KNN, PB, num_rbf), lambda b, i: (b, 0, i, 0)),
        ],
        out_shape=[
            jax.ShapeDtypeStruct((B, P, KNN), jnp.int32),
            jax.ShapeDtypeStruct((B, KNN, P, num_rbf), jnp.float32),
        ],
    )(batch, batchT)

    idx = jnp.transpose(nbr, (0, 2, 1)).reshape(B * P * KNN)
    R = B * P * KNN
    D = 4 * C
    sc_gather = _make_sc_gather(R, D, 32, 256)
    sc_gather_pos = _make_sc_gather(R, 16, 32, 512, tc_tiling=False)

    pos_table = jnp.pad(batch.reshape(B * P, 3), ((0, 0), (0, 13)))
    psrc = sc_gather_pos(pos_table, idx)

    rhb = pl.pallas_call(
        functools.partial(_edge_body, C=C),
        grid=(B, nblk),
        in_specs=[
            pl.BlockSpec((1, KNN, PB, 16), lambda b, i: (b, 0, i, 0)),
            pl.BlockSpec((1, PB, 3), lambda b, i: (b, i, 0)),
        ],
        out_specs=pl.BlockSpec((1, KNN, PB, 3 * C), lambda b, i: (b, 0, i, 0)),
        out_shape=jax.ShapeDtypeStruct((B, KNN, P, 3 * C), jnp.float32),
    )(psrc.reshape(B, KNN, P, 16), batch)

    emb4 = jnp.concatenate([embed_w, embed_w, embed_w, embed_w], axis=1)

    full = lambda shape: pl.BlockSpec(shape, lambda b, i: tuple(0 for _ in shape))
    def make_layer_call(nb):
        return pl.pallas_call(
            functools.partial(_layer_body, C=C),
            grid=(nb, nblk),
            in_specs=[
                pl.BlockSpec((1, KNN, PB, 4 * C), lambda b, i: (b, 0, i, 0)),
                pl.BlockSpec((1, KNN, PB, num_rbf), lambda b, i: (b, 0, i, 0)),
                pl.BlockSpec((1, KNN, PB, 3 * C), lambda b, i: (b, 0, i, 0)),
                pl.BlockSpec((1, PB, 4 * C), lambda b, i: (b, i, 0)),
                full((num_rbf, RH)), full((1, RH)),
                full((RH, 8 * C)), full((1, 8 * C)),
                full((C, C)), full((1, C)), full((C, 2 * C)),
            ],
            out_specs=pl.BlockSpec((1, PB, 4 * C), lambda b, i: (b, i, 0)),
            out_shape=jax.ShapeDtypeStruct((nb, P, 4 * C), jnp.float32),
        )

    layer_call = make_layer_call(B)

    layer0_call = pl.pallas_call(
        functools.partial(_layer0_body, C=C),
        grid=(B, nblk),
        in_specs=[
            pl.BlockSpec((1, KNN, PB, num_rbf), lambda b, i: (b, 0, i, 0)),
            pl.BlockSpec((1, KNN, PB, 3 * C), lambda b, i: (b, 0, i, 0)),
            full((1, 4 * C)),
            full((num_rbf, RH)), full((1, RH)),
            full((RH, 8 * C)), full((1, 8 * C)),
            full((C, C)), full((1, C)), full((C, 2 * C)),
        ],
        out_specs=pl.BlockSpec((1, PB, 4 * C), lambda b, i: (b, i, 0)),
        out_shape=jax.ShapeDtypeStruct((B, P, 4 * C), jnp.float32),
    )

    table = None
    for l in range(L):
        W2l, b2l = W2[l], b2[l]
        W2rep = jnp.concatenate(
            [W2l[:, 0:2 * C],
             W2l[:, 2 * C:3 * C], W2l[:, 2 * C:3 * C], W2l[:, 2 * C:3 * C],
             W2l[:, 3 * C:4 * C], W2l[:, 3 * C:4 * C], W2l[:, 3 * C:4 * C]],
            axis=1)
        b2rep = jnp.concatenate(
            [b2l[0:2 * C],
             b2l[2 * C:3 * C], b2l[2 * C:3 * C], b2l[2 * C:3 * C],
             b2l[3 * C:4 * C], b2l[3 * C:4 * C], b2l[3 * C:4 * C]])
        Wcat = jnp.concatenate([Wms[l], Wmv[l]], axis=1)
        if l == 0:
            table3 = layer0_call(
                rbf, rhb, emb4,
                W1[l], b1[l][None, :], W2rep, b2rep[None, :],
                Wg[l], bg[l][None, :], Wcat)
        else:
            g = sc_gather(table, idx)
            table3 = layer_call(
                g.reshape(B, KNN, P, 4 * C),
                rbf, rhb, table.reshape(B, P, 4 * C),
                W1[l], b1[l][None, :], W2rep, b2rep[None, :],
                Wg[l], bg[l][None, :], Wcat)
        table = table3.reshape(B * P, 4 * C)

    out = pl.pallas_call(
        functools.partial(_readout_body, C=C),
        grid=(B,),
        in_specs=[
            pl.BlockSpec((1, P, 4 * C), lambda b: (b, 0, 0)),
            pl.BlockSpec((C, 128), lambda b: (0, 0)),
            pl.BlockSpec((1, 128), lambda b: (0, 0)),
            pl.BlockSpec((128, 64), lambda b: (0, 0)),
            pl.BlockSpec((1, 64), lambda b: (0, 0)),
            pl.BlockSpec((64, ncls), lambda b: (0, 0)),
            pl.BlockSpec((1, ncls), lambda b: (0, 0)),
        ],
        out_specs=pl.BlockSpec((1, 1, ncls), lambda b: (b, 0, 0)),
        out_shape=jax.ShapeDtypeStruct((B, 1, ncls), jnp.float32),
    )(table.reshape(B, P, 4 * C), Wc1, bc1[None, :], Wc2, bc2[None, :],
      Wc3, bc3[None, :])

    return out.reshape(B, ncls)

# --- scband reference (transcript-rebuilt; emitter-appended) ---
"""Pipeline reference for scband-tensor-field-network-16552803958988 (READ-ONLY COPY).

The authoritative reference and input builder live on the scoring server;
editing this copy changes nothing except your own understanding.
"""

import jax, jax.numpy as jnp
import numpy as np

B, P, K = 8, 2048, 16
C = 32
NUM_RBF = 32
CUTOFF = 5.0
L = 4
RH = 64
NUM_CLASSES = 10


def setup_inputs(seed: int = 0) -> dict:
    key = jax.random.key(seed)
    ks = jax.random.split(key, 16)
    batch = jax.random.normal(ks[0], (B, P, 3), dtype=jnp.float32) * 2.0
    embed_w = jax.random.normal(ks[1], (1, C), dtype=jnp.float32) * 0.1
    W1 = jax.random.normal(ks[2], (L, NUM_RBF, RH), dtype=jnp.float32) * (1.0 / np.sqrt(NUM_RBF))
    b1 = jnp.zeros((L, RH), dtype=jnp.float32)
    W2 = jax.random.normal(ks[3], (L, RH, 4 * C), dtype=jnp.float32) * (1.0 / np.sqrt(RH))
    b2 = jnp.zeros((L, 4 * C), dtype=jnp.float32)
    Wg = jax.random.normal(ks[4], (L, C, C), dtype=jnp.float32) * (1.0 / np.sqrt(C))
    bg = jnp.zeros((L, C), dtype=jnp.float32)
    Wms = jax.random.normal(ks[5], (L, C, C), dtype=jnp.float32) * (1.0 / np.sqrt(C))
    Wmv = jax.random.normal(ks[6], (L, C, C), dtype=jnp.float32) * (1.0 / np.sqrt(C))
    Wc1 = jax.random.normal(ks[7], (C, 128), dtype=jnp.float32) * (1.0 / np.sqrt(C))
    bc1 = jnp.zeros((128,), dtype=jnp.float32)
    Wc2 = jax.random.normal(ks[8], (128, 64), dtype=jnp.float32) * (1.0 / np.sqrt(128))
    bc2 = jnp.zeros((64,), dtype=jnp.float32)
    Wc3 = jax.random.normal(ks[9], (64, NUM_CLASSES), dtype=jnp.float32) * (1.0 / np.sqrt(64))
    bc3 = jnp.zeros((NUM_CLASSES,), dtype=jnp.float32)
    return dict(batch=batch, embed_w=embed_w, W1=W1, b1=b1, W2=W2, b2=b2,
                Wg=Wg, bg=bg, Wms=Wms, Wmv=Wmv,
                Wc1=Wc1, bc1=bc1, Wc2=Wc2, bc2=bc2, Wc3=Wc3, bc3=bc3)


def _cloud_forward(pos, embed_w, W1, b1, W2, b2, Wg, bg, Wms, Wmv,
                   Wc1, bc1, Wc2, bc2, Wc3, bc3):
    # kNN graph (brute force, exclude self)
    d2 = jnp.sum((pos[:, None, :] - pos[None, :, :]) ** 2, axis=-1)
    d2 = d2 + jnp.eye(P, dtype=pos.dtype) * 1e9
    _, nbr = jax.lax.top_k(-d2, K)                 # [P, K] nearest neighbors
    src = nbr.reshape(-1)                          # [E]
    dst = jnp.repeat(jnp.arange(P), K)             # [E]
    rel = pos[src] - pos[dst]                      # [E, 3]
    r = jnp.sqrt(jnp.sum(rel * rel, axis=-1) + 1e-12)
    rhat = rel / r[:, None]                        # l=1 spherical harmonics (up to norm)
    centers = jnp.linspace(0.0, CUTOFF, NUM_RBF)
    gamma = NUM_RBF / CUTOFF
    rbf = jnp.exp(-gamma * (r[:, None] - centers[None, :]) ** 2)
    env = 0.5 * (jnp.cos(jnp.pi * jnp.clip(r / CUTOFF, 0.0, 1.0)) + 1.0)
    rbf = rbf * env[:, None]                       # [E, NUM_RBF]

    s = jnp.ones((P, 1), dtype=pos.dtype) @ embed_w   # l=0 features [P, C]
    v = jnp.zeros((P, C, 3), dtype=pos.dtype)         # l=1 features [P, C, 3]

    for l in range(L):
        h = jax.nn.silu(rbf @ W1[l] + b1[l])
        w = h @ W2[l] + b2[l]                      # [E, 4C] radial weights per TP path
        wss, wvs, wsv, wvv = jnp.split(w, 4, axis=-1)
        s_src = s[src]                             # gather [E, C]
        v_src = v[src]                             # gather [E, C, 3]
        # 0->0 and 1->0 paths (scalar messages)
        m_s = wss * s_src + wvs * jnp.einsum('ecd,ed->ec', v_src, rhat)
        # 0->1 and 1->1 paths (vector messages)
        m_v = wsv[:, :, None] * s_src[:, :, None] * rhat[:, None, :] + wvv[:, :, None] * v_src
        agg_s = jax.ops.segment_sum(m_s, dst, num_segments=P) / K
        agg_v = jax.ops.segment_sum(m_v, dst, num_segments=P) / K
        # gated nonlinearity (equivariant)
        gate = jax.nn.sigmoid(agg_s @ Wg[l] + bg[l])
        ns = jax.nn.silu(agg_s)
        nv = agg_v * gate[:, :, None]
        # channel mix
        ns = ns @ Wms[l]
        nv = jnp.einsum('pcd,ce->ped', nv, Wmv[l])
        # residual
        s = s + ns
        v = v + nv

    pooled = jnp.mean(s, axis=0)                   # invariant readout
    h = jax.nn.silu(pooled @ Wc1 + bc1)
    h = jax.nn.silu(h @ Wc2 + bc2)
    return h @ Wc3 + bc3


def reference(batch, embed_w, W1, b1, W2, b2, Wg, bg, Wms, Wmv,
              Wc1, bc1, Wc2, bc2, Wc3, bc3):
    f = lambda pos: _cloud_forward(pos, embed_w, W1, b1, W2, b2, Wg, bg,
                                   Wms, Wmv, Wc1, bc1, Wc2, bc2, Wc3, bc3)
    return jax.vmap(f)(batch)                      # [B, NUM_CLASSES]

if __name__ == "__main__":
    import jax
    _d = setup_inputs()
    print(jax.jit(kernel)(*tuple(_d.values())))

</pallas_src>

<mosaic_0001>
#map = affine_map<(d0, d1) -> (0, 0)>
#map1 = affine_map<(d0, d1) -> (0)>
module attributes {stable_mosaic.version = 14 : i64} {
  func.func @gather_k(%arg0: i32, %arg1: i32, %arg2: memref<16384x16xf32, #tpu.memory_space<hbm>>, %arg3: memref<262144xi32, #tpu.memory_space<hbm>>, %arg4: memref<262144x16xf32, #tpu.memory_space<hbm>>, %arg5: memref<512xi32, #tpu.memory_space<vmem>>, %arg6: memref<512xi32, #tpu.memory_space<vmem>>, %arg7: memref<512x16xf32, #tpu.memory_space<vmem>>, %arg8: memref<512x16xf32, #tpu.memory_space<vmem>>, %arg9: memref<!tpu.dma_semaphore, #tpu.memory_space<semaphore_mem>>, %arg10: memref<!tpu.dma_semaphore, #tpu.memory_space<semaphore_mem>>, %arg11: memref<!tpu.dma_semaphore, #tpu.memory_space<semaphore_mem>>, %arg12: memref<!tpu.dma_semaphore, #tpu.memory_space<semaphore_mem>>) attributes {dimension_semantics = [#tpu.dimension_semantics<core_parallel>, #tpu.dimension_semantics<subcore_parallel>], iteration_bounds = array<i64: 2, 16>, scalar_prefetch = 0 : i64, scratch_operands = 8 : i64, tpu.core_type = #tpu.core_type<sc_vector_subcore>, window_params = [{transform_indices = #map}, {transform_indices = #map1}, {transform_indices = #map}]} {
    %mul3A = arith.constant 2 : i32
    %mul3A_0 = arith.muli %arg1, %mul3A : i32
    %add3A = arith.addi %mul3A_0, %arg0 : i32
    %mul3A_1 = arith.constant 8192 : i32
    %mul3A_2 = arith.muli %add3A, %mul3A_1 : i32
    %add3A_3 = arith.constant 0 : i32
    %add3A_4 = arith.addi %mul3A_2, %add3A_3 : i32
    %multiple_of3A = tpu.assume_multiple %add3A_4, 8 : i32
    "tpu.region"() ({
      %run_scoped3A = tpu.sem_alloc : memref<!tpu.dma_semaphore, #tpu.memory_space<semaphore_mem>>
      %dma_start3A_29 = tpu.memref_slice %arg3[%multiple_of3A] : memref<262144xi32, #tpu.memory_space<hbm>> -> memref<512xi32, #tpu.memory_space<hbm>>
      %dma_start3A_30 = tpu.memref_slice %arg3[%multiple_of3A] : memref<262144xi32, #tpu.memory_space<hbm>> -> memref<512xi32, #tpu.memory_space<hbm>>
      tpu.enqueue_dma source(%dma_start3A_30 : memref<512xi32, #tpu.memory_space<hbm>>) target(%arg5 : memref<512xi32, #tpu.memory_space<vmem>>) target_semaphore(%run_scoped3A : memref<!tpu.dma_semaphore, #tpu.memory_space<semaphore_mem>>)
      %dma_wait3A_31 = tpu.memref_slice %arg3[%multiple_of3A] : memref<262144xi32, #tpu.memory_space<hbm>> -> memref<512xi32, #tpu.memory_space<hbm>>
      %dma_wait3A_32 = tpu.memref_slice %arg3[%multiple_of3A] : memref<262144xi32, #tpu.memory_space<hbm>> -> memref<512xi32, #tpu.memory_space<hbm>>
      tpu.wait_dma2 semaphore(%run_scoped3A : memref<!tpu.dma_semaphore, #tpu.memory_space<semaphore_mem>>) src(%dma_wait3A_32 : memref<512xi32, #tpu.memory_space<hbm>>) dst(%arg5 : memref<512xi32, #tpu.memory_space<vmem>>)
      tpu.yield
    }) : () -> ()
    %dma_start3A = arith.constant 0 : i32
    %dma_start3A_5 = arith.constant 0 : i32
    %dma_start3A_6 = tpu.memref_slice %arg2[%dma_start3A, %dma_start3A_5] : memref<16384x16xf32, #tpu.memory_space<hbm>> -> memref<16384x16xf32, #tpu.memory_space<hbm>>
    tpu.enqueue_indirect_dma source(%dma_start3A_6 : memref<16384x16xf32, #tpu.memory_space<hbm>>) target(%arg7 : memref<512x16xf32, #tpu.memory_space<vmem>>) offsets(%arg5 : memref<512xi32, #tpu.memory_space<vmem>>) semaphore(%arg9 : memref<!tpu.dma_semaphore, #tpu.memory_space<semaphore_mem>>)
    %scan3A = arith.constant 0 : i32
    %scan3A_7 = arith.constant 0 : i32
    %scan3A_8 = arith.constant 8 : i32
    %scan3A_9 = arith.addi %scan3A_7, %scan3A_8 : i32
    %scan3A_10 = arith.constant 1 : i32
    scf.for %scan3A_29 = %scan3A_7 to %scan3A_9 step %scan3A_10  : i32 {
      %mul3A_30 = arith.constant 2 : i32
      %mul3A_31 = arith.muli %mul3A_30, %scan3A_29 : i32
      %add3A_32 = arith.constant 0 : i32
      %add3A_33 = arith.addi %mul3A_31, %add3A_32 : i32
      %add3A_34 = arith.constant 1 : i32
      %add3A_35 = arith.addi %add3A_33, %add3A_34 : i32
      %lt3A = arith.constant 16 : i32
      %lt3A_36 = arith.cmpi slt, %add3A_35, %lt3A : i32
      %convert_element_type3A = arith.extui %lt3A_36 : i1 to i32
      %cond3A = arith.constant 0 : i32
      %cond3A_37 = arith.cmpi ne, %convert_element_type3A, %cond3A : i32
      scf.if %cond3A_37 {
        %ge3A = arith.constant 1 : i32
        %ge3A_75 = arith.cmpi sge, %add3A_33, %ge3A : i32
        %convert_element_type3A_76 = arith.extui %ge3A_75 : i1 to i32
        %cond3A_77 = arith.constant 0 : i32
        %cond3A_78 = arith.cmpi ne, %convert_element_type3A_76, %cond3A_77 : i32
        scf.if %cond3A_78 {
          %sub3A = arith.constant 1 : i32
          %sub3A_90 = arith.subi %add3A_33, %sub3A : i32
          %mul3A_91 = arith.constant 8192 : i32
          %mul3A_92 = arith.muli %add3A, %mul3A_91 : i32
          %mul3A_93 = arith.constant 512 : i32
          %mul3A_94 = arith.muli %sub3A_90, %mul3A_93 : i32
          %add3A_95 = arith.addi %mul3A_92, %mul3A_94 : i32
          %multiple_of3A_96 = tpu.assume_multiple %add3A_95, 8 : i32
          %dma_wait3A_97 = arith.constant 0 : i32
          %dma_wait3A_98 = tpu.memref_slice %arg4[%multiple_of3A_96, %dma_wait3A_97] : memref<262144x16xf32, #tpu.memory_space<hbm>> -> memref<512x16xf32, #tpu.memory_space<hbm>>
          %dma_wait3A_99 = arith.constant 0 : i32
          %dma_wait3A_100 = tpu.memref_slice %arg4[%multiple_of3A_96, %dma_wait3A_99] : memref<262144x16xf32, #tpu.memory_space<hbm>> -> memref<512x16xf32, #tpu.memory_space<hbm>>
          tpu.wait_dma2 semaphore(%arg12 : memref<!tpu.dma_semaphore, #tpu.memory_space<semaphore_mem>>) src(%arg8 : memref<512x16xf32, #tpu.memory_space<vmem>>) dst(%dma_wait3A_100 : memref<512x16xf32, #tpu.memory_space<hbm>>)
        } else {
        }
        %add3A_79 = arith.constant 1 : i32
        %add3A_80 = arith.addi %add3A_33, %add3A_79 : i32
        %mul3A_81 = arith.constant 8192 : i32
        %mul3A_82 = arith.muli %add3A, %mul3A_81 : i32
        %mul3A_83 = arith.constant 512 : i32
        %mul3A_84 = arith.muli %add3A_80, %mul3A_83 : i32
        %add3A_85 = arith.addi %mul3A_82, %mul3A_84 : i32
        %multiple_of3A_86 = tpu.assume_multiple %add3A_85, 8 : i32
        "tpu.region"() ({
          %run_scoped3A = tpu.sem_alloc : memref<!tpu.dma_semaphore, #tpu.memory_space<semaphore_mem>>
          %dma_start3A_90 = tpu.memref_slice %arg3[%multiple_of3A_86] : memref<262144xi32, #tpu.memory_space<hbm>> -> memref<512xi32, #tpu.memory_space<hbm>>
          %dma_start3A_91 = tpu.memref_slice %arg3[%multiple_of3A_86] : memref<262144xi32, #tpu.memory_space<hbm>> -> memref<512xi32, #tpu.memory_space<hbm>>
          tpu.enqueue_dma source(%dma_start3A_91 : memref<512xi32, #tpu.memory_space<hbm>>) target(%arg6 : memref<512xi32, #tpu.memory_space<vmem>>) target_semaphore(%run_scoped3A : memref<!tpu.dma_semaphore, #tpu.memory_space<semaphore_mem>>)
          %dma_wait3A_92 = tpu.memref_slice %arg3[%multiple_of3A_86] : memref<262144xi32, #tpu.memory_space<hbm>> -> memref<512xi32, #tpu.memory_space<hbm>>
          %dma_wait3A_93 = tpu.memref_slice %arg3[%multiple_of3A_86] : memref<262144xi32, #tpu.memory_space<hbm>> -> memref<512xi32, #tpu.memory_space<hbm>>
          tpu.wait_dma2 semaphore(%run_scoped3A : memref<!tpu.dma_semaphore, #tpu.memory_space<semaphore_mem>>) src(%dma_wait3A_93 : memref<512xi32, #tpu.memory_space<hbm>>) dst(%arg6 : memref<512xi32, #tpu.memory_space<vmem>>)
          tpu.yield
        }) : () -> ()
        %dma_start3A_87 = arith.constant 0 : i32
        %dma_start3A_88 = arith.constant 0 : i32
        %dma_start3A_89 = tpu.memref_slice %arg2[%dma_start3A_87, %dma_start3A_88] : memref<16384x16xf32, #tpu.memory_space<hbm>> -> memref<16384x16xf32, #tpu.memory_space<hbm>>
        tpu.enqueue_indirect_dma source(%dma_start3A_89 : memref<16384x16xf32, #tpu.memory_space<hbm>>) target(%arg8 : memref<512x16xf32, #tpu.memory_space<vmem>>) offsets(%arg6 : memref<512xi32, #tpu.memory_space<vmem>>) semaphore(%arg10 : memref<!tpu.dma_semaphore, #tpu.memory_space<semaphore_mem>>)
      } else {
      }
      %mul3A_38 = arith.constant 8192 : i32
      %mul3A_39 = arith.muli %add3A, %mul3A_38 : i32
      %mul3A_40 = arith.constant 512 : i32
      %mul3A_41 = arith.muli %add3A_33, %mul3A_40 : i32
      %add3A_42 = arith.addi %mul3A_39, %mul3A_41 : i32
      %multiple_of3A_43 = tpu.assume_multiple %add3A_42, 8 : i32
      %dma_wait3A_44 = arith.constant 0 : i32
      %dma_wait3A_45 = arith.constant 0 : i32
      %dma_wait3A_46 = tpu.memref_slice %arg2[%dma_wait3A_44, %dma_wait3A_45] : memref<16384x16xf32, #tpu.memory_space<hbm>> -> memref<16384x16xf32, #tpu.memory_space<hbm>>
      tpu.wait_indirect_dma semaphore(%arg9 : memref<!tpu.dma_semaphore, #tpu.memory_space<semaphore_mem>>) src(%dma_wait3A_46 : memref<16384x16xf32, #tpu.memory_space<hbm>>) dst(%arg7 : memref<512x16xf32, #tpu.memory_space<vmem>>)
      %dma_start3A_47 = arith.constant 0 : i32
      %dma_start3A_48 = tpu.memref_slice %arg4[%multiple_of3A_43, %dma_start3A_47] : memref<262144x16xf32, #tpu.memory_space<hbm>> -> memref<512x16xf32, #tpu.memory_space<hbm>>
      %dma_start3A_49 = arith.constant 0 : i32
      %dma_start3A_50 = tpu.memref_slice %arg4[%multiple_of3A_43, %dma_start3A_49] : memref<262144x16xf32, #tpu.memory_space<hbm>> -> memref<512x16xf32, #tpu.memory_space<hbm>>
      tpu.enqueue_dma source(%arg7 : memref<512x16xf32, #tpu.memory_space<vmem>>) target(%dma_start3A_50 : memref<512x16xf32, #tpu.memory_space<hbm>>) target_semaphore(%arg11 : memref<!tpu.dma_semaphore, #tpu.memory_space<semaphore_mem>>)
      %mul3A_51 = arith.constant 2 : i32
      %mul3A_52 = arith.muli %mul3A_51, %scan3A_29 : i32
      %add3A_53 = arith.constant 1 : i32
      %add3A_54 = arith.addi %mul3A_52, %add3A_53 : i32
      %add3A_55 = arith.constant 1 : i32
      %add3A_56 = arith.addi %add3A_54, %add3A_55 : i32
      %lt3A_57 = arith.constant 16 : i32
      %lt3A_58 = arith.cmpi slt, %add3A_56, %lt3A_57 : i32
      %convert_element_type3A_59 = arith.extui %lt3A_58 : i1 to i32
      %cond3A_60 = arith.constant 0 : i32
      %cond3A_61 = arith.cmpi ne, %convert_element_type3A_59, %cond3A_60 : i32
      scf.if %cond3A_61 {
        %ge3A = arith.constant 1 : i32
        %ge3A_75 = arith.cmpi sge, %add3A_54, %ge3A : i32
        %convert_element_type3A_76 = arith.extui %ge3A_75 : i1 to i32
        %cond3A_77 = arith.constant 0 : i32
        %cond3A_78 = arith.cmpi ne, %convert_element_type3A_76, %cond3A_77 : i32
        scf.if %cond3A_78 {
          %sub3A = arith.constant 1 : i32
          %sub3A_90 = arith.subi %add3A_54, %sub3A : i32
          %mul3A_91 = arith.constant 8192 : i32
          %mul3A_92 = arith.muli %add3A, %mul3A_91 : i32
          %mul3A_93 = arith.constant 512 : i32
          %mul3A_94 = arith.muli %sub3A_90, %mul3A_93 : i32
          %add3A_95 = arith.addi %mul3A_92, %mul3A_94 : i32
          %multiple_of3A_96 = tpu.assume_multiple %add3A_95, 8 : i32
          %dma_wait3A_97 = arith.constant 0 : i32
          %dma_wait3A_98 = tpu.memref_slice %arg4[%multiple_of3A_96, %dma_wait3A_97] : memref<262144x16xf32, #tpu.memory_space<hbm>> -> memref<512x16xf32, #tpu.memory_space<hbm>>
          %dma_wait3A_99 = arith.constant 0 : i32
          %dma_wait3A_100 = tpu.memref_slice %arg4[%multiple_of3A_96, %dma_wait3A_99] : memref<262144x16xf32, #tpu.memory_space<hbm>> -> memref<512x16xf32, #tpu.memory_space<hbm>>
          tpu.wait_dma2 semaphore(%arg11 : memref<!tpu.dma_semaphore, #tpu.memory_space<semaphore_mem>>) src(%arg7 : memref<512x16xf32, #tpu.memory_space<vmem>>) dst(%dma_wait3A_100 : memref<512x16xf32, #tpu.memory_space<hbm>>)
        } else {
        }
        %add3A_79 = arith.constant 1 : i32
        %add3A_80 = arith.addi %add3A_54, %add3A_79 : i32
        %mul3A_81 = arith.constant 8192 : i32
        %mul3A_82 = arith.muli %add3A, %mul3A_81 : i32
        %mul3A_83 = arith.constant 512 : i32
        %mul3A_84 = arith.muli %add3A_80, %mul3A_83 : i32
        %add3A_85 = arith.addi %mul3A_82, %mul3A_84 : i32
        %multiple_of3A_86 = tpu.assume_multiple %add3A_85, 8 : i32
        "tpu.region"() ({
          %run_scoped3A = tpu.sem_alloc : memref<!tpu.dma_semaphore, #tpu.memory_space<semaphore_mem>>
          %dma_start3A_90 = tpu.memref_slice %arg3[%multiple_of3A_86] : memref<262144xi32, #tpu.memory_space<hbm>> -> memref<512xi32, #tpu.memory_space<hbm>>
          %dma_start3A_91 = tpu.memref_slice %arg3[%multiple_of3A_86] : memref<262144xi32, #tpu.memory_space<hbm>> -> memref<512xi32, #tpu.memory_space<hbm>>
          tpu.enqueue_dma source(%dma_start3A_91 : memref<512xi32, #tpu.memory_space<hbm>>) target(%arg5 : memref<512xi32, #tpu.memory_space<vmem>>) target_semaphore(%run_scoped3A : memref<!tpu.dma_semaphore, #tpu.memory_space<semaphore_mem>>)
          %dma_wait3A_92 = tpu.memref_slice %arg3[%multiple_of3A_86] : memref<262144xi32, #tpu.memory_space<hbm>> -> memref<512xi32, #tpu.memory_space<hbm>>
          %dma_wait3A_93 = tpu.memref_slice %arg3[%multiple_of3A_86] : memref<262144xi32, #tpu.memory_space<hbm>> -> memref<512xi32, #tpu.memory_space<hbm>>
          tpu.wait_dma2 semaphore(%run_scoped3A : memref<!tpu.dma_semaphore, #tpu.memory_space<semaphore_mem>>) src(%dma_wait3A_93 : memref<512xi32, #tpu.memory_space<hbm>>) dst(%arg5 : memref<512xi32, #tpu.memory_space<vmem>>)
          tpu.yield
        }) : () -> ()
        %dma_start3A_87 = arith.constant 0 : i32
        %dma_start3A_88 = arith.constant 0 : i32
        %dma_start3A_89 = tpu.memref_slice %arg2[%dma_start3A_87, %dma_start3A_88] : memref<16384x16xf32, #tpu.memory_space<hbm>> -> memref<16384x16xf32, #tpu.memory_space<hbm>>
        tpu.enqueue_indirect_dma source(%dma_start3A_89 : memref<16384x16xf32, #tpu.memory_space<hbm>>) target(%arg7 : memref<512x16xf32, #tpu.memory_space<vmem>>) offsets(%arg5 : memref<512xi32, #tpu.memory_space<vmem>>) semaphore(%arg9 : memref<!tpu.dma_semaphore, #tpu.memory_space<semaphore_mem>>)
      } else {
      }
      %mul3A_62 = arith.constant 8192 : i32
      %mul3A_63 = arith.muli %add3A, %mul3A_62 : i32
      %mul3A_64 = arith.constant 512 : i32
      %mul3A_65 = arith.muli %add3A_54, %mul3A_64 : i32
      %add3A_66 = arith.addi %mul3A_63, %mul3A_65 : i32
      %multiple_of3A_67 = tpu.assume_multiple %add3A_66, 8 : i32
      %dma_wait3A_68 = arith.constant 0 : i32
      %dma_wait3A_69 = arith.constant 0 : i32
      %dma_wait3A_70 = tpu.memref_slice %arg2[%dma_wait3A_68, %dma_wait3A_69] : memref<16384x16xf32, #tpu.memory_space<hbm>> -> memref<16384x16xf32, #tpu.memory_space<hbm>>
      tpu.wait_indirect_dma semaphore(%arg10 : memref<!tpu.dma_semaphore, #tpu.memory_space<semaphore_mem>>) src(%dma_wait3A_70 : memref<16384x16xf32, #tpu.memory_space<hbm>>) dst(%arg8 : memref<512x16xf32, #tpu.memory_space<vmem>>)
      %dma_start3A_71 = arith.constant 0 : i32
      %dma_start3A_72 = tpu.memref_slice %arg4[%multiple_of3A_67, %dma_start3A_71] : memref<262144x16xf32, #tpu.memory_space<hbm>> -> memref<512x16xf32, #tpu.memory_space<hbm>>
      %dma_start3A_73 = arith.constant 0 : i32
      %dma_start3A_74 = tpu.memref_slice %arg4[%multiple_of3A_67, %dma_start3A_73] : memref<262144x16xf32, #tpu.memory_space<hbm>> -> memref<512x16xf32, #tpu.memory_space<hbm>>
      tpu.enqueue_dma source(%arg8 : memref<512x16xf32, #tpu.memory_space<vmem>>) target(%dma_start3A_74 : memref<512x16xf32, #tpu.memory_space<hbm>>) target_semaphore(%arg12 : memref<!tpu.dma_semaphore, #tpu.memory_space<semaphore_mem>>)
    }
    %scan3A_11 = arith.constant 8 : i32
    %mul3A_12 = arith.constant 8192 : i32
    %mul3A_13 = arith.muli %add3A, %mul3A_12 : i32
    %add3A_14 = arith.constant 7168 : i32
    %add3A_15 = arith.addi %mul3A_13, %add3A_14 : i32
    %multiple_of3A_16 = tpu.assume_multiple %add3A_15, 8 : i32
    %dma_wait3A = arith.constant 0 : i32
    %dma_wait3A_17 = tpu.memref_slice %arg4[%multiple_of3A_16, %dma_wait3A] : memref<262144x16xf32, #tpu.memory_space<hbm>> -> memref<512x16xf32, #tpu.memory_space<hbm>>
    %dma_wait3A_18 = arith.constant 0 : i32
    %dma_wait3A_19 = tpu.memref_slice %arg4[%multiple_of3A_16, %dma_wait3A_18] : memref<262144x16xf32, #tpu.memory_space<hbm>> -> memref<512x16xf32, #tpu.memory_space<hbm>>
    tpu.wait_dma2 semaphore(%arg11 : memref<!tpu.dma_semaphore, #tpu.memory_space<semaphore_mem>>) src(%arg7 : memref<512x16xf32, #tpu.memory_space<vmem>>) dst(%dma_wait3A_19 : memref<512x16xf32, #tpu.memory_space<hbm>>)
    %mul3A_20 = arith.constant 8192 : i32
    %mul3A_21 = arith.muli %add3A, %mul3A_20 : i32
    %add3A_22 = arith.constant 7680 : i32
    %add3A_23 = arith.addi %mul3A_21, %add3A_22 : i32
    %multiple_of3A_24 = tpu.assume_multiple %add3A_23, 8 : i32
    %dma_wait3A_25 = arith.constant 0 : i32
    %dma_wait3A_26 = tpu.memref_slice %arg4[%multiple_of3A_24, %dma_wait3A_25] : memref<262144x16xf32, #tpu.memory_space<hbm>> -> memref<512x16xf32, #tpu.memory_space<hbm>>
    %dma_wait3A_27 = arith.constant 0 : i32
    %dma_wait3A_28 = tpu.memref_slice %arg4[%multiple_of3A_24, %dma_wait3A_27] : memref<262144x16xf32, #tpu.memory_space<hbm>> -> memref<512x16xf32, #tpu.memory_space<hbm>>
    tpu.wait_dma2 semaphore(%arg12 : memref<!tpu.dma_semaphore, #tpu.memory_space<semaphore_mem>>) src(%arg8 : memref<512x16xf32, #tpu.memory_space<vmem>>) dst(%dma_wait3A_28 : memref<512x16xf32, #tpu.memory_space<hbm>>)
    return
  }
}

#map = affine_map<(d0, d1) -> (0, 0)>
#map1 = affine_map<(d0, d1) -> (0)>
module attributes {stable_mosaic.version = 14 : i64} {
  func.func @gather_k(%arg0: i32, %arg1: i32, %arg2: memref<16384x128xf32, #tpu.memory_space<hbm>>, %arg3: memref<262144xi32, #tpu.memory_space<hbm>>, %arg4: memref<262144x128xf32, #tpu.memory_space<hbm>>, %arg5: memref<256xi32, #tpu.memory_space<vmem>>, %arg6: memref<256xi32, #tpu.memory_space<vmem>>, %arg7: memref<256x128xf32, #tpu.memory_space<vmem>>, %arg8: memref<256x128xf32, #tpu.memory_space<vmem>>, %arg9: memref<!tpu.dma_semaphore, #tpu.memory_space<semaphore_mem>>, %arg10: memref<!tpu.dma_semaphore, #tpu.memory_space<semaphore_mem>>, %arg11: memref<!tpu.dma_semaphore, #tpu.memory_space<semaphore_mem>>, %arg12: memref<!tpu.dma_semaphore, #tpu.memory_space<semaphore_mem>>) attributes {dimension_semantics = [#tpu.dimension_semantics<core_parallel>, #tpu.dimension_semantics<subcore_parallel>], iteration_bounds = array<i64: 2, 16>, scalar_prefetch = 0 : i64, scratch_operands = 8 : i64, tpu.core_type = #tpu.core_type<sc_vector_subcore>, window_params = [{transform_indices = #map}, {transform_indices = #map1}, {transform_indices = #map}]} {
    %mul3A = arith.constant 2 : i32
    %mul3A_0 = arith.muli %arg1, %mul3A : i32
    %add3A = arith.addi %mul3A_0, %arg0 : i32
    %mul3A_1 = arith.constant 8192 : i32
    %mul3A_2 = arith.muli %add3A, %mul3A_1 : i32
    %add3A_3 = arith.constant 0 : i32
    %add3A_4 = arith.addi %mul3A_2, %add3A_3 : i32
    %multiple_of3A = tpu.assume_multiple %add3A_4, 8 : i32
    "tpu.region"() ({
      %run_scoped3A = tpu.sem_alloc : memref<!tpu.dma_semaphore, #tpu.memory_space<semaphore_mem>>
      %dma_start3A_29 = tpu.memref_slice %arg3[%multiple_of3A] : memref<262144xi32, #tpu.memory_space<hbm>> -> memref<256xi32, #tpu.memory_space<hbm>>
      %dma_start3A_30 = tpu.memref_slice %arg3[%multiple_of3A] : memref<262144xi32, #tpu.memory_space<hbm>> -> memref<256xi32, #tpu.memory_space<hbm>>
      tpu.enqueue_dma source(%dma_start3A_30 : memref<256xi32, #tpu.memory_space<hbm>>) target(%arg5 : memref<256xi32, #tpu.memory_space<vmem>>) target_semaphore(%run_scoped3A : memref<!tpu.dma_semaphore, #tpu.memory_space<semaphore_mem>>)
      %dma_wait3A_31 = tpu.memref_slice %arg3[%multiple_of3A] : memref<262144xi32, #tpu.memory_space<hbm>> -> memref<256xi32, #tpu.memory_space<hbm>>
      %dma_wait3A_32 = tpu.memref_slice %arg3[%multiple_of3A] : memref<262144xi32, #tpu.memory_space<hbm>> -> memref<256xi32, #tpu.memory_space<hbm>>
      tpu.wait_dma2 semaphore(%run_scoped3A : memref<!tpu.dma_semaphore, #tpu.memory_space<semaphore_mem>>) src(%dma_wait3A_32 : memref<256xi32, #tpu.memory_space<hbm>>) dst(%arg5 : memref<256xi32, #tpu.memory_space<vmem>>)
      tpu.yield
    }) : () -> ()
    %dma_start3A = arith.constant 0 : i32
    %dma_start3A_5 = arith.constant 0 : i32
    %dma_start3A_6 = tpu.memref_slice %arg2[%dma_start3A, %dma_start3A_5] : memref<16384x128xf32, #tpu.memory_space<hbm>> -> memref<16384x128xf32, #tpu.memory_space<hbm>>
    tpu.enqueue_indirect_dma source(%dma_start3A_6 : memref<16384x128xf32, #tpu.memory_space<hbm>>) target(%arg7 : memref<256x128xf32, #tpu.memory_space<vmem>>) offsets(%arg5 : memref<256xi32, #tpu.memory_space<vmem>>) semaphore(%arg9 : memref<!tpu.dma_semaphore, #tpu.memory_space<semaphore_mem>>)
    %scan3A = arith.constant 0 : i32
    %scan3A_7 = arith.constant 0 : i32
    %scan3A_8 = arith.constant 16 : i32
    %scan3A_9 = arith.addi %scan3A_7, %scan3A_8 : i32
    %scan3A_10 = arith.constant 1 : i32
    scf.for %scan3A_29 = %scan3A_7 to %scan3A_9 step %scan3A_10  : i32 {
      %mul3A_30 = arith.constant 2 : i32
      %mul3A_31 = arith.muli %mul3A_30, %scan3A_29 : i32
      %add3A_32 = arith.constant 0 : i32
      %add3A_33 = arith.addi %mul3A_31, %add3A_32 : i32
      %add3A_34 = arith.constant 1 : i32
      %add3A_35 = arith.addi %add3A_33, %add3A_34 : i32
      %lt3A = arith.constant 32 : i32
      %lt3A_36 = arith.cmpi slt, %add3A_35, %lt3A : i32
      %convert_element_type3A = arith.extui %lt3A_36 : i1 to i32
      %cond3A = arith.constant 0 : i32
      %cond3A_37 = arith.cmpi ne, %convert_element_type3A, %cond3A : i32
      scf.if %cond3A_37 {
        %ge3A = arith.constant 1 : i32
        %ge3A_75 = arith.cmpi sge, %add3A_33, %ge3A : i32
        %convert_element_type3A_76 = arith.extui %ge3A_75 : i1 to i32
        %cond3A_77 = arith.constant 0 : i32
        %cond3A_78 = arith.cmpi ne, %convert_element_type3A_76, %cond3A_77 : i32
        scf.if %cond3A_78 {
          %sub3A = arith.constant 1 : i32
          %sub3A_90 = arith.subi %add3A_33, %sub3A : i32
          %mul3A_91 = arith.constant 8192 : i32
          %mul3A_92 = arith.muli %add3A, %mul3A_91 : i32
          %mul3A_93 = arith.constant 256 : i32
          %mul3A_94 = arith.muli %sub3A_90, %mul3A_93 : i32
          %add3A_95 = arith.addi %mul3A_92, %mul3A_94 : i32
          %multiple_of3A_96 = tpu.assume_multiple %add3A_95, 8 : i32
          %dma_wait3A_97 = arith.constant 0 : i32
          %dma_wait3A_98 = tpu.memref_slice %arg4[%multiple_of3A_96, %dma_wait3A_97] : memref<262144x128xf32, #tpu.memory_space<hbm>> -> memref<256x128xf32, #tpu.memory_space<hbm>>
          %dma_wait3A_99 = arith.constant 0 : i32
          %dma_wait3A_100 = tpu.memref_slice %arg4[%multiple_of3A_96, %dma_wait3A_99] : memref<262144x128xf32, #tpu.memory_space<hbm>> -> memref<256x128xf32, #tpu.memory_space<hbm>>
          tpu.wait_dma2 semaphore(%arg12 : memref<!tpu.dma_semaphore, #tpu.memory_space<semaphore_mem>>) src(%arg8 : memref<256x128xf32, #tpu.memory_space<vmem>>) dst(%dma_wait3A_100 : memref<256x128xf32, #tpu.memory_space<hbm>>)
        } else {
        }
        %add3A_79 = arith.constant 1 : i32
        %add3A_80 = arith.addi %add3A_33, %add3A_79 : i32
        %mul3A_81 = arith.constant 8192 : i32
        %mul3A_82 = arith.muli %add3A, %mul3A_81 : i32
        %mul3A_83 = arith.constant 256 : i32
        %mul3A_84 = arith.muli %add3A_80, %mul3A_83 : i32
        %add3A_85 = arith.addi %mul3A_82, %mul3A_84 : i32
        %multiple_of3A_86 = tpu.assume_multiple %add3A_85, 8 : i32
        "tpu.region"() ({
          %run_scoped3A = tpu.sem_alloc : memref<!tpu.dma_semaphore, #tpu.memory_space<semaphore_mem>>
          %dma_start3A_90 = tpu.memref_slice %arg3[%multiple_of3A_86] : memref<262144xi32, #tpu.memory_space<hbm>> -> memref<256xi32, #tpu.memory_space<hbm>>
          %dma_start3A_91 = tpu.memref_slice %arg3[%multiple_of3A_86] : memref<262144xi32, #tpu.memory_space<hbm>> -> memref<256xi32, #tpu.memory_space<hbm>>
          tpu.enqueue_dma source(%dma_start3A_91 : memref<256xi32, #tpu.memory_space<hbm>>) target(%arg6 : memref<256xi32, #tpu.memory_space<vmem>>) target_semaphore(%run_scoped3A : memref<!tpu.dma_semaphore, #tpu.memory_space<semaphore_mem>>)
          %dma_wait3A_92 = tpu.memref_slice %arg3[%multiple_of3A_86] : memref<262144xi32, #tpu.memory_space<hbm>> -> memref<256xi32, #tpu.memory_space<hbm>>
          %dma_wait3A_93 = tpu.memref_slice %arg3[%multiple_of3A_86] : memref<262144xi32, #tpu.memory_space<hbm>> -> memref<256xi32, #tpu.memory_space<hbm>>
          tpu.wait_dma2 semaphore(%run_scoped3A : memref<!tpu.dma_semaphore, #tpu.memory_space<semaphore_mem>>) src(%dma_wait3A_93 : memref<256xi32, #tpu.memory_space<hbm>>) dst(%arg6 : memref<256xi32, #tpu.memory_space<vmem>>)
          tpu.yield
        }) : () -> ()
        %dma_start3A_87 = arith.constant 0 : i32
        %dma_start3A_88 = arith.constant 0 : i32
        %dma_start3A_89 = tpu.memref_slice %arg2[%dma_start3A_87, %dma_start3A_88] : memref<16384x128xf32, #tpu.memory_space<hbm>> -> memref<16384x128xf32, #tpu.memory_space<hbm>>
        tpu.enqueue_indirect_dma source(%dma_start3A_89 : memref<16384x128xf32, #tpu.memory_space<hbm>>) target(%arg8 : memref<256x128xf32, #tpu.memory_space<vmem>>) offsets(%arg6 : memref<256xi32, #tpu.memory_space<vmem>>) semaphore(%arg10 : memref<!tpu.dma_semaphore, #tpu.memory_space<semaphore_mem>>)
      } else {
      }
      %mul3A_38 = arith.constant 8192 : i32
      %mul3A_39 = arith.muli %add3A, %mul3A_38 : i32
      %mul3A_40 = arith.constant 256 : i32
      %mul3A_41 = arith.muli %add3A_33, %mul3A_40 : i32
      %add3A_42 = arith.addi %mul3A_39, %mul3A_41 : i32
      %multiple_of3A_43 = tpu.assume_multiple %add3A_42, 8 : i32
      %dma_wait3A_44 = arith.constant 0 : i32
      %dma_wait3A_45 = arith.constant 0 : i32
      %dma_wait3A_46 = tpu.memref_slice %arg2[%dma_wait3A_44, %dma_wait3A_45] : memref<16384x128xf32, #tpu.memory_space<hbm>> -> memref<16384x128xf32, #tpu.memory_space<hbm>>
      tpu.wait_indirect_dma semaphore(%arg9 : memref<!tpu.dma_semaphore, #tpu.memory_space<semaphore_mem>>) src(%dma_wait3A_46 : memref<16384x128xf32, #tpu.memory_space<hbm>>) dst(%arg7 : memref<256x128xf32, #tpu.memory_space<vmem>>)
      %dma_start3A_47 = arith.constant 0 : i32
      %dma_start3A_48 = tpu.memref_slice %arg4[%multiple_of3A_43, %dma_start3A_47] : memref<262144x128xf32, #tpu.memory_space<hbm>> -> memref<256x128xf32, #tpu.memory_space<hbm>>
      %dma_start3A_49 = arith.constant 0 : i32
      %dma_start3A_50 = tpu.memref_slice %arg4[%multiple_of3A_43, %dma_start3A_49] : memref<262144x128xf32, #tpu.memory_space<hbm>> -> memref<256x128xf32, #tpu.memory_space<hbm>>
      tpu.enqueue_dma source(%arg7 : memref<256x128xf32, #tpu.memory_space<vmem>>) target(%dma_start3A_50 : memref<256x128xf32, #tpu.memory_space<hbm>>) target_semaphore(%arg11 : memref<!tpu.dma_semaphore, #tpu.memory_space<semaphore_mem>>)
      %mul3A_51 = arith.constant 2 : i32
      %mul3A_52 = arith.muli %mul3A_51, %scan3A_29 : i32
      %add3A_53 = arith.constant 1 : i32
      %add3A_54 = arith.addi %mul3A_52, %add3A_53 : i32
      %add3A_55 = arith.constant 1 : i32
      %add3A_56 = arith.addi %add3A_54, %add3A_55 : i32
      %lt3A_57 = arith.constant 32 : i32
      %lt3A_58 = arith.cmpi slt, %add3A_56, %lt3A_57 : i32
      %convert_element_type3A_59 = arith.extui %lt3A_58 : i1 to i32
      %cond3A_60 = arith.constant 0 : i32
      %cond3A_61 = arith.cmpi ne, %convert_element_type3A_59, %cond3A_60 : i32
      scf.if %cond3A_61 {
        %ge3A = arith.constant 1 : i32
        %ge3A_75 = arith.cmpi sge, %add3A_54, %ge3A : i32
        %convert_element_type3A_76 = arith.extui %ge3A_75 : i1 to i32
        %cond3A_77 = arith.constant 0 : i32
        %cond3A_78 = arith.cmpi ne, %convert_element_type3A_76, %cond3A_77 : i32
        scf.if %cond3A_78 {
          %sub3A = arith.constant 1 : i32
          %sub3A_90 = arith.subi %add3A_54, %sub3A : i32
          %mul3A_91 = arith.constant 8192 : i32
          %mul3A_92 = arith.muli %add3A, %mul3A_91 : i32
          %mul3A_93 = arith.constant 256 : i32
          %mul3A_94 = arith.muli %sub3A_90, %mul3A_93 : i32
          %add3A_95 = arith.addi %mul3A_92, %mul3A_94 : i32
          %multiple_of3A_96 = tpu.assume_multiple %add3A_95, 8 : i32
          %dma_wait3A_97 = arith.constant 0 : i32
          %dma_wait3A_98 = tpu.memref_slice %arg4[%multiple_of3A_96, %dma_wait3A_97] : memref<262144x128xf32, #tpu.memory_space<hbm>> -> memref<256x128xf32, #tpu.memory_space<hbm>>
          %dma_wait3A_99 = arith.constant 0 : i32
          %dma_wait3A_100 = tpu.memref_slice %arg4[%multiple_of3A_96, %dma_wait3A_99] : memref<262144x128xf32, #tpu.memory_space<hbm>> -> memref<256x128xf32, #tpu.memory_space<hbm>>
          tpu.wait_dma2 semaphore(%arg11 : memref<!tpu.dma_semaphore, #tpu.memory_space<semaphore_mem>>) src(%arg7 : memref<256x128xf32, #tpu.memory_space<vmem>>) dst(%dma_wait3A_100 : memref<256x128xf32, #tpu.memory_space<hbm>>)
        } else {
        }
        %add3A_79 = arith.constant 1 : i32
        %add3A_80 = arith.addi %add3A_54, %add3A_79 : i32
        %mul3A_81 = arith.constant 8192 : i32
        %mul3A_82 = arith.muli %add3A, %mul3A_81 : i32
        %mul3A_83 = arith.constant 256 : i32
        %mul3A_84 = arith.muli %add3A_80, %mul3A_83 : i32
        %add3A_85 = arith.addi %mul3A_82, %mul3A_84 : i32
        %multiple_of3A_86 = tpu.assume_multiple %add3A_85, 8 : i32
        "tpu.region"() ({
          %run_scoped3A = tpu.sem_alloc : memref<!tpu.dma_semaphore, #tpu.memory_space<semaphore_mem>>
          %dma_start3A_90 = tpu.memref_slice %arg3[%multiple_of3A_86] : memref<262144xi32, #tpu.memory_space<hbm>> -> memref<256xi32, #tpu.memory_space<hbm>>
          %dma_start3A_91 = tpu.memref_slice %arg3[%multiple_of3A_86] : memref<262144xi32, #tpu.memory_space<hbm>> -> memref<256xi32, #tpu.memory_space<hbm>>
          tpu.enqueue_dma source(%dma_start3A_91 : memref<256xi32, #tpu.memory_space<hbm>>) target(%arg5 : memref<256xi32, #tpu.memory_space<vmem>>) target_semaphore(%run_scoped3A : memref<!tpu.dma_semaphore, #tpu.memory_space<semaphore_mem>>)
          %dma_wait3A_92 = tpu.memref_slice %arg3[%multiple_of3A_86] : memref<262144xi32, #tpu.memory_space<hbm>> -> memref<256xi32, #tpu.memory_space<hbm>>
          %dma_wait3A_93 = tpu.memref_slice %arg3[%multiple_of3A_86] : memref<262144xi32, #tpu.memory_space<hbm>> -> memref<256xi32, #tpu.memory_space<hbm>>
          tpu.wait_dma2 semaphore(%run_scoped3A : memref<!tpu.dma_semaphore, #tpu.memory_space<semaphore_mem>>) src(%dma_wait3A_93 : memref<256xi32, #tpu.memory_space<hbm>>) dst(%arg5 : memref<256xi32, #tpu.memory_space<vmem>>)
          tpu.yield
        }) : () -> ()
        %dma_start3A_87 = arith.constant 0 : i32
        %dma_start3A_88 = arith.constant 0 : i32
        %dma_start3A_89 = tpu.memref_slice %arg2[%dma_start3A_87, %dma_start3A_88] : memref<16384x128xf32, #tpu.memory_space<hbm>> -> memref<16384x128xf32, #tpu.memory_space<hbm>>
        tpu.enqueue_indirect_dma source(%dma_start3A_89 : memref<16384x128xf32, #tpu.memory_space<hbm>>) target(%arg7 : memref<256x128xf32, #tpu.memory_space<vmem>>) offsets(%arg5 : memref<256xi32, #tpu.memory_space<vmem>>) semaphore(%arg9 : memref<!tpu.dma_semaphore, #tpu.memory_space<semaphore_mem>>)
      } else {
      }
      %mul3A_62 = arith.constant 8192 : i32
      %mul3A_63 = arith.muli %add3A, %mul3A_62 : i32
      %mul3A_64 = arith.constant 256 : i32
      %mul3A_65 = arith.muli %add3A_54, %mul3A_64 : i32
      %add3A_66 = arith.addi %mul3A_63, %mul3A_65 : i32
      %multiple_of3A_67 = tpu.assume_multiple %add3A_66, 8 : i32
      %dma_wait3A_68 = arith.constant 0 : i32
      %dma_wait3A_69 = arith.constant 0 : i32
      %dma_wait3A_70 = tpu.memref_slice %arg2[%dma_wait3A_68, %dma_wait3A_69] : memref<16384x128xf32, #tpu.memory_space<hbm>> -> memref<16384x128xf32, #tpu.memory_space<hbm>>
      tpu.wait_indirect_dma semaphore(%arg10 : memref<!tpu.dma_semaphore, #tpu.memory_space<semaphore_mem>>) src(%dma_wait3A_70 : memref<16384x128xf32, #tpu.memory_space<hbm>>) dst(%arg8 : memref<256x128xf32, #tpu.memory_space<vmem>>)
      %dma_start3A_71 = arith.constant 0 : i32
      %dma_start3A_72 = tpu.memref_slice %arg4[%multiple_of3A_67, %dma_start3A_71] : memref<262144x128xf32, #tpu.memory_space<hbm>> -> memref<256x128xf32, #tpu.memory_space<hbm>>
      %dma_start3A_73 = arith.constant 0 : i32
      %dma_start3A_74 = tpu.memref_slice %arg4[%multiple_of3A_67, %dma_start3A_73] : memref<262144x128xf32, #tpu.memory_space<hbm>> -> memref<256x128xf32, #tpu.memory_space<hbm>>
      tpu.enqueue_dma source(%arg8 : memref<256x128xf32, #tpu.memory_space<vmem>>) target(%dma_start3A_74 : memref<256x128xf32, #tpu.memory_space<hbm>>) target_semaphore(%arg12 : memref<!tpu.dma_semaphore, #tpu.memory_space<semaphore_mem>>)
    }
    %scan3A_11 = arith.constant 16 : i32
    %mul3A_12 = arith.constant 8192 : i32
    %mul3A_13 = arith.muli %add3A, %mul3A_12 : i32
    %add3A_14 = arith.constant 7680 : i32
    %add3A_15 = arith.addi %mul3A_13, %add3A_14 : i32
    %multiple_of3A_16 = tpu.assume_multiple %add3A_15, 8 : i32
    %dma_wait3A = arith.constant 0 : i32
    %dma_wait3A_17 = tpu.memref_slice %arg4[%multiple_of3A_16, %dma_wait3A] : memref<262144x128xf32, #tpu.memory_space<hbm>> -> memref<256x128xf32, #tpu.memory_space<hbm>>
    %dma_wait3A_18 = arith.constant 0 : i32
    %dma_wait3A_19 = tpu.memref_slice %arg4[%multiple_of3A_16, %dma_wait3A_18] : memref<262144x128xf32, #tpu.memory_space<hbm>> -> memref<256x128xf32, #tpu.memory_space<hbm>>
    tpu.wait_dma2 semaphore(%arg11 : memref<!tpu.dma_semaphore, #tpu.memory_space<semaphore_mem>>) src(%arg7 : memref<256x128xf32, #tpu.memory_space<vmem>>) dst(%dma_wait3A_19 : memref<256x128xf32, #tpu.memory_space<hbm>>)
    %mul3A_20 = arith.constant 8192 : i32
    %mul3A_21 = arith.muli %add3A, %mul3A_20 : i32
    %add3A_22 = arith.constant 7936 : i32
    %add3A_23 = arith.addi %mul3A_21, %add3A_22 : i32
    %multiple_of3A_24 = tpu.assume_multiple %add3A_23, 8 : i32
    %dma_wait3A_25 = arith.constant 0 : i32
    %dma_wait3A_26 = tpu.memref_slice %arg4[%multiple_of3A_24, %dma_wait3A_25] : memref<262144x128xf32, #tpu.memory_space<hbm>> -> memref<256x128xf32, #tpu.memory_space<hbm>>
    %dma_wait3A_27 = arith.constant 0 : i32
    %dma_wait3A_28 = tpu.memref_slice %arg4[%multiple_of3A_24, %dma_wait3A_27] : memref<262144x128xf32, #tpu.memory_space<hbm>> -> memref<256x128xf32, #tpu.memory_space<hbm>>
    tpu.wait_dma2 semaphore(%arg12 : memref<!tpu.dma_semaphore, #tpu.memory_space<semaphore_mem>>) src(%arg8 : memref<256x128xf32, #tpu.memory_space<vmem>>) dst(%dma_wait3A_28 : memref<256x128xf32, #tpu.memory_space<hbm>>)
    return
  }
}

#map = affine_map<(d0, d1) -> (0, 0)>
#map1 = affine_map<(d0, d1) -> (0)>
module attributes {stable_mosaic.version = 14 : i64} {
  func.func @gather_k(%arg0: i32, %arg1: i32, %arg2: memref<16384x128xf32, #tpu.memory_space<hbm>>, %arg3: memref<262144xi32, #tpu.memory_space<hbm>>, %arg4: memref<262144x128xf32, #tpu.memory_space<hbm>>, %arg5: memref<256xi32, #tpu.memory_space<vmem>>, %arg6: memref<256xi32, #tpu.memory_space<vmem>>, %arg7: memref<256x128xf32, #tpu.memory_space<vmem>>, %arg8: memref<256x128xf32, #tpu.memory_space<vmem>>, %arg9: memref<!tpu.dma_semaphore, #tpu.memory_space<semaphore_mem>>, %arg10: memref<!tpu.dma_semaphore, #tpu.memory_space<semaphore_mem>>, %arg11: memref<!tpu.dma_semaphore, #tpu.memory_space<semaphore_mem>>, %arg12: memref<!tpu.dma_semaphore, #tpu.memory_space<semaphore_mem>>) attributes {dimension_semantics = [#tpu.dimension_semantics<core_parallel>, #tpu.dimension_semantics<subcore_parallel>], iteration_bounds = array<i64: 2, 16>, scalar_prefetch = 0 : i64, scratch_operands = 8 : i64, tpu.core_type = #tpu.core_type<sc_vector_subcore>, window_params = [{transform_indices = #map}, {transform_indices = #map1}, {transform_indices = #map}]} {
    %mul3A = arith.constant 2 : i32
    %mul3A_0 = arith.muli %arg1, %mul3A : i32
    %add3A = arith.addi %mul3A_0, %arg0 : i32
    %mul3A_1 = arith.constant 8192 : i32
    %mul3A_2 = arith.muli %add3A, %mul3A_1 : i32
    %add3A_3 = arith.constant 0 : i32
    %add3A_4 = arith.addi %mul3A_2, %add3A_3 : i32
    %multiple_of3A = tpu.assume_multiple %add3A_4, 8 : i32
    "tpu.region"() ({
      %run_scoped3A = tpu.sem_alloc : memref<!tpu.dma_semaphore, #tpu.memory_space<semaphore_mem>>
      %dma_start3A_29 = tpu.memref_slice %arg3[%multiple_of3A] : memref<262144xi32, #tpu.memory_space<hbm>> -> memref<256xi32, #tpu.memory_space<hbm>>
      %dma_start3A_30 = tpu.memref_slice %arg3[%multiple_of3A] : memref<262144xi32, #tpu.memory_space<hbm>> -> memref<256xi32, #tpu.memory_space<hbm>>
      tpu.enqueue_dma source(%dma_start3A_30 : memref<256xi32, #tpu.memory_space<hbm>>) target(%arg5 : memref<256xi32, #tpu.memory_space<vmem>>) target_semaphore(%run_scoped3A : memref<!tpu.dma_semaphore, #tpu.memory_space<semaphore_mem>>)
      %dma_wait3A_31 = tpu.memref_slice %arg3[%multiple_of3A] : memref<262144xi32, #tpu.memory_space<hbm>> -> memref<256xi32, #tpu.memory_space<hbm>>
      %dma_wait3A_32 = tpu.memref_slice %arg3[%multiple_of3A] : memref<262144xi32, #tpu.memory_space<hbm>> -> memref<256xi32, #tpu.memory_space<hbm>>
      tpu.wait_dma2 semaphore(%run_scoped3A : memref<!tpu.dma_semaphore, #tpu.memory_space<semaphore_mem>>) src(%dma_wait3A_32 : memref<256xi32, #tpu.memory_space<hbm>>) dst(%arg5 : memref<256xi32, #tpu.memory_space<vmem>>)
      tpu.yield
    }) : () -> ()
    %dma_start3A = arith.constant 0 : i32
    %dma_start3A_5 = arith.constant 0 : i32
    %dma_start3A_6 = tpu.memref_slice %arg2[%dma_start3A, %dma_start3A_5] : memref<16384x128xf32, #tpu.memory_space<hbm>> -> memref<16384x128xf32, #tpu.memory_space<hbm>>
    tpu.enqueue_indirect_dma source(%dma_start3A_6 : memref<16384x128xf32, #tpu.memory_space<hbm>>) target(%arg7 : memref<256x128xf32, #tpu.memory_space<vmem>>) offsets(%arg5 : memref<256xi32, #tpu.memory_space<vmem>>) semaphore(%arg9 : memref<!tpu.dma_semaphore, #tpu.memory_space<semaphore_mem>>)
    %scan3A = arith.constant 0 : i32
    %scan3A_7 = arith.constant 0 : i32
    %scan3A_8 = arith.constant 16 : i32
    %scan3A_9 = arith.addi %scan3A_7, %scan3A_8 : i32
    %scan3A_10 = arith.constant 1 : i32
    scf.for %scan3A_29 = %scan3A_7 to %scan3A_9 step %scan3A_10  : i32 {
      %mul3A_30 = arith.constant 2 : i32
      %mul3A_31 = arith.muli %mul3A_30, %scan3A_29 : i32
      %add3A_32 = arith.constant 0 : i32
      %add3A_33 = arith.addi %mul3A_31, %add3A_32 : i32
      %add3A_34 = arith.constant 1 : i32
      %add3A_35 = arith.addi %add3A_33, %add3A_34 : i32
      %lt3A = arith.constant 32 : i32
      %lt3A_36 = arith.cmpi slt, %add3A_35, %lt3A : i32
      %convert_element_type3A = arith.extui %lt3A_36 : i1 to i32
      %cond3A = arith.constant 0 : i32
      %cond3A_37 = arith.cmpi ne, %convert_element_type3A, %cond3A : i32
      scf.if %cond3A_37 {
        %ge3A = arith.constant 1 : i32
        %ge3A_75 = arith.cmpi sge, %add3A_33, %ge3A : i32
        %convert_element_type3A_76 = arith.extui %ge3A_75 : i1 to i32
        %cond3A_77 = arith.constant 0 : i32
        %cond3A_78 = arith.cmpi ne, %convert_element_type3A_76, %cond3A_77 : i32
        scf.if %cond3A_78 {
          %sub3A = arith.constant 1 : i32
          %sub3A_90 = arith.subi %add3A_33, %sub3A : i32
          %mul3A_91 = arith.constant 8192 : i32
          %mul3A_92 = arith.muli %add3A, %mul3A_91 : i32
          %mul3A_93 = arith.constant 256 : i32
          %mul3A_94 = arith.muli %sub3A_90, %mul3A_93 : i32
          %add3A_95 = arith.addi %mul3A_92, %mul3A_94 : i32
          %multiple_of3A_96 = tpu.assume_multiple %add3A_95, 8 : i32
          %dma_wait3A_97 = arith.constant 0 : i32
          %dma_wait3A_98 = tpu.memref_slice %arg4[%multiple_of3A_96, %dma_wait3A_97] : memref<262144x128xf32, #tpu.memory_space<hbm>> -> memref<256x128xf32, #tpu.memory_space<hbm>>
          %dma_wait3A_99 = arith.constant 0 : i32
          %dma_wait3A_100 = tpu.memref_slice %arg4[%multiple_of3A_96, %dma_wait3A_99] : memref<262144x128xf32, #tpu.memory_space<hbm>> -> memref<256x128xf32, #tpu.memory_space<hbm>>
          tpu.wait_dma2 semaphore(%arg12 : memref<!tpu.dma_semaphore, #tpu.memory_space<semaphore_mem>>) src(%arg8 : memref<256x128xf32, #tpu.memory_space<vmem>>) dst(%dma_wait3A_100 : memref<256x128xf32, #tpu.memory_space<hbm>>)
        } else {
        }
        %add3A_79 = arith.constant 1 : i32
        %add3A_80 = arith.addi %add3A_33, %add3A_79 : i32
        %mul3A_81 = arith.constant 8192 : i32
        %mul3A_82 = arith.muli %add3A, %mul3A_81 : i32
        %mul3A_83 = arith.constant 256 : i32
        %mul3A_84 = arith.muli %add3A_80, %mul3A_83 : i32
        %add3A_85 = arith.addi %mul3A_82, %mul3A_84 : i32
        %multiple_of3A_86 = tpu.assume_multiple %add3A_85, 8 : i32
        "tpu.region"() ({
          %run_scoped3A = tpu.sem_alloc : memref<!tpu.dma_semaphore, #tpu.memory_space<semaphore_mem>>
          %dma_start3A_90 = tpu.memref_slice %arg3[%multiple_of3A_86] : memref<262144xi32, #tpu.memory_space<hbm>> -> memref<256xi32, #tpu.memory_space<hbm>>
          %dma_start3A_91 = tpu.memref_slice %arg3[%multiple_of3A_86] : memref<262144xi32, #tpu.memory_space<hbm>> -> memref<256xi32, #tpu.memory_space<hbm>>
          tpu.enqueue_dma source(%dma_start3A_91 : memref<256xi32, #tpu.memory_space<hbm>>) target(%arg6 : memref<256xi32, #tpu.memory_space<vmem>>) target_semaphore(%run_scoped3A : memref<!tpu.dma_semaphore, #tpu.memory_space<semaphore_mem>>)
          %dma_wait3A_92 = tpu.memref_slice %arg3[%multiple_of3A_86] : memref<262144xi32, #tpu.memory_space<hbm>> -> memref<256xi32, #tpu.memory_space<hbm>>
          %dma_wait3A_93 = tpu.memref_slice %arg3[%multiple_of3A_86] : memref<262144xi32, #tpu.memory_space<hbm>> -> memref<256xi32, #tpu.memory_space<hbm>>
          tpu.wait_dma2 semaphore(%run_scoped3A : memref<!tpu.dma_semaphore, #tpu.memory_space<semaphore_mem>>) src(%dma_wait3A_93 : memref<256xi32, #tpu.memory_space<hbm>>) dst(%arg6 : memref<256xi32, #tpu.memory_space<vmem>>)
          tpu.yield
        }) : () -> ()
        %dma_start3A_87 = arith.constant 0 : i32
        %dma_start3A_88 = arith.constant 0 : i32
        %dma_start3A_89 = tpu.memref_slice %arg2[%dma_start3A_87, %dma_start3A_88] : memref<16384x128xf32, #tpu.memory_space<hbm>> -> memref<16384x128xf32, #tpu.memory_space<hbm>>
        tpu.enqueue_indirect_dma source(%dma_start3A_89 : memref<16384x128xf32, #tpu.memory_space<hbm>>) target(%arg8 : memref<256x128xf32, #tpu.memory_space<vmem>>) offsets(%arg6 : memref<256xi32, #tpu.memory_space<vmem>>) semaphore(%arg10 : memref<!tpu.dma_semaphore, #tpu.memory_space<semaphore_mem>>)
      } else {
      }
      %mul3A_38 = arith.constant 8192 : i32
      %mul3A_39 = arith.muli %add3A, %mul3A_38 : i32
      %mul3A_40 = arith.constant 256 : i32
      %mul3A_41 = arith.muli %add3A_33, %mul3A_40 : i32
      %add3A_42 = arith.addi %mul3A_39, %mul3A_41 : i32
      %multiple_of3A_43 = tpu.assume_multiple %add3A_42, 8 : i32
      %dma_wait3A_44 = arith.constant 0 : i32
      %dma_wait3A_45 = arith.constant 0 : i32
      %dma_wait3A_46 = tpu.memref_slice %arg2[%dma_wait3A_44, %dma_wait3A_45] : memref<16384x128xf32, #tpu.memory_space<hbm>> -> memref<16384x128xf32, #tpu.memory_space<hbm>>
      tpu.wait_indirect_dma semaphore(%arg9 : memref<!tpu.dma_semaphore, #tpu.memory_space<semaphore_mem>>) src(%dma_wait3A_46 : memref<16384x128xf32, #tpu.memory_space<hbm>>) dst(%arg7 : memref<256x128xf32, #tpu.memory_space<vmem>>)
      %dma_start3A_47 = arith.constant 0 : i32
      %dma_start3A_48 = tpu.memref_slice %arg4[%multiple_of3A_43, %dma_start3A_47] : memref<262144x128xf32, #tpu.memory_space<hbm>> -> memref<256x128xf32, #tpu.memory_space<hbm>>
      %dma_start3A_49 = arith.constant 0 : i32
      %dma_start3A_50 = tpu.memref_slice %arg4[%multiple_of3A_43, %dma_start3A_49] : memref<262144x128xf32, #tpu.memory_space<hbm>> -> memref<256x128xf32, #tpu.memory_space<hbm>>
      tpu.enqueue_dma source(%arg7 : memref<256x128xf32, #tpu.memory_space<vmem>>) target(%dma_start3A_50 : memref<256x128xf32, #tpu.memory_space<hbm>>) target_semaphore(%arg11 : memref<!tpu.dma_semaphore, #tpu.memory_space<semaphore_mem>>)
      %mul3A_51 = arith.constant 2 : i32
      %mul3A_52 = arith.muli %mul3A_51, %scan3A_29 : i32
      %add3A_53 = arith.constant 1 : i32
      %add3A_54 = arith.addi %mul3A_52, %add3A_53 : i32
      %add3A_55 = arith.constant 1 : i32
      %add3A_56 = arith.addi %add3A_54, %add3A_55 : i32
      %lt3A_57 = arith.constant 32 : i32
      %lt3A_58 = arith.cmpi slt, %add3A_56, %lt3A_57 : i32
      %convert_element_type3A_59 = arith.extui %lt3A_58 : i1 to i32
      %cond3A_60 = arith.constant 0 : i32
      %cond3A_61 = arith.cmpi ne, %convert_element_type3A_59, %cond3A_60 : i32
      scf.if %cond3A_61 {
        %ge3A = arith.constant 1 : i32
        %ge3A_75 = arith.cmpi sge, %add3A_54, %ge3A : i32
        %convert_element_type3A_76 = arith.extui %ge3A_75 : i1 to i32
        %cond3A_77 = arith.constant 0 : i32
        %cond3A_78 = arith.cmpi ne, %convert_element_type3A_76, %cond3A_77 : i32
        scf.if %cond3A_78 {
          %sub3A = arith.constant 1 : i32
          %sub3A_90 = arith.subi %add3A_54, %sub3A : i32
          %mul3A_91 = arith.constant 8192 : i32
          %mul3A_92 = arith.muli %add3A, %mul3A_91 : i32
          %mul3A_93 = arith.constant 256 : i32
          %mul3A_94 = arith.muli %sub3A_90, %mul3A_93 : i32
          %add3A_95 = arith.addi %mul3A_92, %mul3A_94 : i32
          %multiple_of3A_96 = tpu.assume_multiple %add3A_95, 8 : i32
          %dma_wait3A_97 = arith.constant 0 : i32
          %dma_wait3A_98 = tpu.memref_slice %arg4[%multiple_of3A_96, %dma_wait3A_97] : memref<262144x128xf32, #tpu.memory_space<hbm>> -> memref<256x128xf32, #tpu.memory_space<hbm>>
          %dma_wait3A_99 = arith.constant 0 : i32
          %dma_wait3A_100 = tpu.memref_slice %arg4[%multiple_of3A_96, %dma_wait3A_99] : memref<262144x128xf32, #tpu.memory_space<hbm>> -> memref<256x128xf32, #tpu.memory_space<hbm>>
          tpu.wait_dma2 semaphore(%arg11 : memref<!tpu.dma_semaphore, #tpu.memory_space<semaphore_mem>>) src(%arg7 : memref<256x128xf32, #tpu.memory_space<vmem>>) dst(%dma_wait3A_100 : memref<256x128xf32, #tpu.memory_space<hbm>>)
        } else {
        }
        %add3A_79 = arith.constant 1 : i32
        %add3A_80 = arith.addi %add3A_54, %add3A_79 : i32
        %mul3A_81 = arith.constant 8192 : i32
        %mul3A_82 = arith.muli %add3A, %mul3A_81 : i32
        %mul3A_83 = arith.constant 256 : i32
        %mul3A_84 = arith.muli %add3A_80, %mul3A_83 : i32
        %add3A_85 = arith.addi %mul3A_82, %mul3A_84 : i32
        %multiple_of3A_86 = tpu.assume_multiple %add3A_85, 8 : i32
        "tpu.region"() ({
          %run_scoped3A = tpu.sem_alloc : memref<!tpu.dma_semaphore, #tpu.memory_space<semaphore_mem>>
          %dma_start3A_90 = tpu.memref_slice %arg3[%multiple_of3A_86] : memref<262144xi32, #tpu.memory_space<hbm>> -> memref<256xi32, #tpu.memory_space<hbm>>
          %dma_start3A_91 = tpu.memref_slice %arg3[%multiple_of3A_86] : memref<262144xi32, #tpu.memory_space<hbm>> -> memref<256xi32, #tpu.memory_space<hbm>>
          tpu.enqueue_dma source(%dma_start3A_91 : memref<256xi32, #tpu.memory_space<hbm>>) target(%arg5 : memref<256xi32, #tpu.memory_space<vmem>>) target_semaphore(%run_scoped3A : memref<!tpu.dma_semaphore, #tpu.memory_space<semaphore_mem>>)
          %dma_wait3A_92 = tpu.memref_slice %arg3[%multiple_of3A_86] : memref<262144xi32, #tpu.memory_space<hbm>> -> memref<256xi32, #tpu.memory_space<hbm>>
          %dma_wait3A_93 = tpu.memref_slice %arg3[%multiple_of3A_86] : memref<262144xi32, #tpu.memory_space<hbm>> -> memref<256xi32, #tpu.memory_space<hbm>>
          tpu.wait_dma2 semaphore(%run_scoped3A : memref<!tpu.dma_semaphore, #tpu.memory_space<semaphore_mem>>) src(%dma_wait3A_93 : memref<256xi32, #tpu.memory_space<hbm>>) dst(%arg5 : memref<256xi32, #tpu.memory_space<vmem>>)
          tpu.yield
        }) : () -> ()
        %dma_start3A_87 = arith.constant 0 : i32
        %dma_start3A_88 = arith.constant 0 : i32
        %dma_start3A_89 = tpu.memref_slice %arg2[%dma_start3A_87, %dma_start3A_88] : memref<16384x128xf32, #tpu.memory_space<hbm>> -> memref<16384x128xf32, #tpu.memory_space<hbm>>
        tpu.enqueue_indirect_dma source(%dma_start3A_89 : memref<16384x128xf32, #tpu.memory_space<hbm>>) target(%arg7 : memref<256x128xf32, #tpu.memory_space<vmem>>) offsets(%arg5 : memref<256xi32, #tpu.memory_space<vmem>>) semaphore(%arg9 : memref<!tpu.dma_semaphore, #tpu.memory_space<semaphore_mem>>)
      } else {
      }
      %mul3A_62 = arith.constant 8192 : i32
      %mul3A_63 = arith.muli %add3A, %mul3A_62 : i32
      %mul3A_64 = arith.constant 256 : i32
      %mul3A_65 = arith.muli %add3A_54, %mul3A_64 : i32
      %add3A_66 = arith.addi %mul3A_63, %mul3A_65 : i32
      %multiple_of3A_67 = tpu.assume_multiple %add3A_66, 8 : i32
      %dma_wait3A_68 = arith.constant 0 : i32
      %dma_wait3A_69 = arith.constant 0 : i32
      %dma_wait3A_70 = tpu.memref_slice %arg2[%dma_wait3A_68, %dma_wait3A_69] : memref<16384x128xf32, #tpu.memory_space<hbm>> -> memref<16384x128xf32, #tpu.memory_space<hbm>>
      tpu.wait_indirect_dma semaphore(%arg10 : memref<!tpu.dma_semaphore, #tpu.memory_space<semaphore_mem>>) src(%dma_wait3A_70 : memref<16384x128xf32, #tpu.memory_space<hbm>>) dst(%arg8 : memref<256x128xf32, #tpu.memory_space<vmem>>)
      %dma_start3A_71 = arith.constant 0 : i32
      %dma_start3A_72 = tpu.memref_slice %arg4[%multiple_of3A_67, %dma_start3A_71] : memref<262144x128xf32, #tpu.memory_space<hbm>> -> memref<256x128xf32, #tpu.memory_space<hbm>>
      %dma_start3A_73 = arith.constant 0 : i32
      %dma_start3A_74 = tpu.memref_slice %arg4[%multiple_of3A_67, %dma_start3A_73] : memref<262144x128xf32, #tpu.memory_space<hbm>> -> memref<256x128xf32, #tpu.memory_space<hbm>>
      tpu.enqueue_dma source(%arg8 : memref<256x128xf32, #tpu.memory_space<vmem>>) target(%dma_start3A_74 : memref<256x128xf32, #tpu.memory_space<hbm>>) target_semaphore(%arg12 : memref<!tpu.dma_semaphore, #tpu.memory_space<semaphore_mem>>)
    }
    %scan3A_11 = arith.constant 16 : i32
    %mul3A_12 = arith.constant 8192 : i32
    %mul3A_13 = arith.muli %add3A, %mul3A_12 : i32
    %add3A_14 = arith.constant 7680 : i32
    %add3A_15 = arith.addi %mul3A_13, %add3A_14 : i32
    %multiple_of3A_16 = tpu.assume_multiple %add3A_15, 8 : i32
    %dma_wait3A = arith.constant 0 : i32
    %dma_wait3A_17 = tpu.memref_slice %arg4[%multiple_of3A_16, %dma_wait3A] : memref<262144x128xf32, #tpu.memory_space<hbm>> -> memref<256x128xf32, #tpu.memory_space<hbm>>
    %dma_wait3A_18 = arith.constant 0 : i32
    %dma_wait3A_19 = tpu.memref_slice %arg4[%multiple_of3A_16, %dma_wait3A_18] : memref<262144x128xf32, #tpu.memory_space<hbm>> -> memref<256x128xf32, #tpu.memory_space<hbm>>
    tpu.wait_dma2 semaphore(%arg11 : memref<!tpu.dma_semaphore, #tpu.memory_space<semaphore_mem>>) src(%arg7 : memref<256x128xf32, #tpu.memory_space<vmem>>) dst(%dma_wait3A_19 : memref<256x128xf32, #tpu.memory_space<hbm>>)
    %mul3A_20 = arith.constant 8192 : i32
    %mul3A_21 = arith.muli %add3A, %mul3A_20 : i32
    %add3A_22 = arith.constant 7936 : i32
    %add3A_23 = arith.addi %mul3A_21, %add3A_22 : i32
    %multiple_of3A_24 = tpu.assume_multiple %add3A_23, 8 : i32
    %dma_wait3A_25 = arith.constant 0 : i32
    %dma_wait3A_26 = tpu.memref_slice %arg4[%multiple_of3A_24, %dma_wait3A_25] : memref<262144x128xf32, #tpu.memory_space<hbm>> -> memref<256x128xf32, #tpu.memory_space<hbm>>
    %dma_wait3A_27 = arith.constant 0 : i32
    %dma_wait3A_28 = tpu.memref_slice %arg4[%multiple_of3A_24, %dma_wait3A_27] : memref<262144x128xf32, #tpu.memory_space<hbm>> -> memref<256x128xf32, #tpu.memory_space<hbm>>
    tpu.wait_dma2 semaphore(%arg12 : memref<!tpu.dma_semaphore, #tpu.memory_space<semaphore_mem>>) src(%arg8 : memref<256x128xf32, #tpu.memory_space<vmem>>) dst(%dma_wait3A_28 : memref<256x128xf32, #tpu.memory_space<hbm>>)
    return
  }
}

#map = affine_map<(d0, d1) -> (0, 0)>
#map1 = affine_map<(d0, d1) -> (0)>
module attributes {stable_mosaic.version = 14 : i64} {
  func.func @gather_k(%arg0: i32, %arg1: i32, %arg2: memref<16384x128xf32, #tpu.memory_space<hbm>>, %arg3: memref<262144xi32, #tpu.memory_space<hbm>>, %arg4: memref<262144x128xf32, #tpu.memory_space<hbm>>, %arg5: memref<256xi32, #tpu.memory_space<vmem>>, %arg6: memref<256xi32, #tpu.memory_space<vmem>>, %arg7: memref<256x128xf32, #tpu.memory_space<vmem>>, %arg8: memref<256x128xf32, #tpu.memory_space<vmem>>, %arg9: memref<!tpu.dma_semaphore, #tpu.memory_space<semaphore_mem>>, %arg10: memref<!tpu.dma_semaphore, #tpu.memory_space<semaphore_mem>>, %arg11: memref<!tpu.dma_semaphore, #tpu.memory_space<semaphore_mem>>, %arg12: memref<!tpu.dma_semaphore, #tpu.memory_space<semaphore_mem>>) attributes {dimension_semantics = [#tpu.dimension_semantics<core_parallel>, #tpu.dimension_semantics<subcore_parallel>], iteration_bounds = array<i64: 2, 16>, scalar_prefetch = 0 : i64, scratch_operands = 8 : i64, tpu.core_type = #tpu.core_type<sc_vector_subcore>, window_params = [{transform_indices = #map}, {transform_indices = #map1}, {transform_indices = #map}]} {
    %mul3A = arith.constant 2 : i32
    %mul3A_0 = arith.muli %arg1, %mul3A : i32
    %add3A = arith.addi %mul3A_0, %arg0 : i32
    %mul3A_1 = arith.constant 8192 : i32
    %mul3A_2 = arith.muli %add3A, %mul3A_1 : i32
    %add3A_3 = arith.constant 0 : i32
    %add3A_4 = arith.addi %mul3A_2, %add3A_3 : i32
    %multiple_of3A = tpu.assume_multiple %add3A_4, 8 : i32
    "tpu.region"() ({
      %run_scoped3A = tpu.sem_alloc : memref<!tpu.dma_semaphore, #tpu.memory_space<semaphore_mem>>
      %dma_start3A_29 = tpu.memref_slice %arg3[%multiple_of3A] : memref<262144xi32, #tpu.memory_space<hbm>> -> memref<256xi32, #tpu.memory_space<hbm>>
      %dma_start3A_30 = tpu.memref_slice %arg3[%multiple_of3A] : memref<262144xi32, #tpu.memory_space<hbm>> -> memref<256xi32, #tpu.memory_space<hbm>>
      tpu.enqueue_dma source(%dma_start3A_30 : memref<256xi32, #tpu.memory_space<hbm>>) target(%arg5 : memref<256xi32, #tpu.memory_space<vmem>>) target_semaphore(%run_scoped3A : memref<!tpu.dma_semaphore, #tpu.memory_space<semaphore_mem>>)
      %dma_wait3A_31 = tpu.memref_slice %arg3[%multiple_of3A] : memref<262144xi32, #tpu.memory_space<hbm>> -> memref<256xi32, #tpu.memory_space<hbm>>
      %dma_wait3A_32 = tpu.memref_slice %arg3[%multiple_of3A] : memref<262144xi32, #tpu.memory_space<hbm>> -> memref<256xi32, #tpu.memory_space<hbm>>
      tpu.wait_dma2 semaphore(%run_scoped3A : memref<!tpu.dma_semaphore, #tpu.memory_space<semaphore_mem>>) src(%dma_wait3A_32 : memref<256xi32, #tpu.memory_space<hbm>>) dst(%arg5 : memref<256xi32, #tpu.memory_space<vmem>>)
      tpu.yield
    }) : () -> ()
    %dma_start3A = arith.constant 0 : i32
    %dma_start3A_5 = arith.constant 0 : i32
    %dma_start3A_6 = tpu.memref_slice %arg2[%dma_start3A, %dma_start3A_5] : memref<16384x128xf32, #tpu.memory_space<hbm>> -> memref<16384x128xf32, #tpu.memory_space<hbm>>
    tpu.enqueue_indirect_dma source(%dma_start3A_6 : memref<16384x128xf32, #tpu.memory_space<hbm>>) target(%arg7 : memref<256x128xf32, #tpu.memory_space<vmem>>) offsets(%arg5 : memref<256xi32, #tpu.memory_space<vmem>>) semaphore(%arg9 : memref<!tpu.dma_semaphore, #tpu.memory_space<semaphore_mem>>)
    %scan3A = arith.constant 0 : i32
    %scan3A_7 = arith.constant 0 : i32
    %scan3A_8 = arith.constant 16 : i32
    %scan3A_9 = arith.addi %scan3A_7, %scan3A_8 : i32
    %scan3A_10 = arith.constant 1 : i32
    scf.for %scan3A_29 = %scan3A_7 to %scan3A_9 step %scan3A_10  : i32 {
      %mul3A_30 = arith.constant 2 : i32
      %mul3A_31 = arith.muli %mul3A_30, %scan3A_29 : i32
      %add3A_32 = arith.constant 0 : i32
      %add3A_33 = arith.addi %mul3A_31, %add3A_32 : i32
      %add3A_34 = arith.constant 1 : i32
      %add3A_35 = arith.addi %add3A_33, %add3A_34 : i32
      %lt3A = arith.constant 32 : i32
      %lt3A_36 = arith.cmpi slt, %add3A_35, %lt3A : i32
      %convert_element_type3A = arith.extui %lt3A_36 : i1 to i32
      %cond3A = arith.constant 0 : i32
      %cond3A_37 = arith.cmpi ne, %convert_element_type3A, %cond3A : i32
      scf.if %cond3A_37 {
        %ge3A = arith.constant 1 : i32
        %ge3A_75 = arith.cmpi sge, %add3A_33, %ge3A : i32
        %convert_element_type3A_76 = arith.extui %ge3A_75 : i1 to i32
        %cond3A_77 = arith.constant 0 : i32
        %cond3A_78 = arith.cmpi ne, %convert_element_type3A_76, %cond3A_77 : i32
        scf.if %cond3A_78 {
          %sub3A = arith.constant 1 : i32
          %sub3A_90 = arith.subi %add3A_33, %sub3A : i32
          %mul3A_91 = arith.constant 8192 : i32
          %mul3A_92 = arith.muli %add3A, %mul3A_91 : i32
          %mul3A_93 = arith.constant 256 : i32
          %mul3A_94 = arith.muli %sub3A_90, %mul3A_93 : i32
          %add3A_95 = arith.addi %mul3A_92, %mul3A_94 : i32
          %multiple_of3A_96 = tpu.assume_multiple %add3A_95, 8 : i32
          %dma_wait3A_97 = arith.constant 0 : i32
          %dma_wait3A_98 = tpu.memref_slice %arg4[%multiple_of3A_96, %dma_wait3A_97] : memref<262144x128xf32, #tpu.memory_space<hbm>> -> memref<256x128xf32, #tpu.memory_space<hbm>>
          %dma_wait3A_99 = arith.constant 0 : i32
          %dma_wait3A_100 = tpu.memref_slice %arg4[%multiple_of3A_96, %dma_wait3A_99] : memref<262144x128xf32, #tpu.memory_space<hbm>> -> memref<256x128xf32, #tpu.memory_space<hbm>>
          tpu.wait_dma2 semaphore(%arg12 : memref<!tpu.dma_semaphore, #tpu.memory_space<semaphore_mem>>) src(%arg8 : memref<256x128xf32, #tpu.memory_space<vmem>>) dst(%dma_wait3A_100 : memref<256x128xf32, #tpu.memory_space<hbm>>)
        } else {
        }
        %add3A_79 = arith.constant 1 : i32
        %add3A_80 = arith.addi %add3A_33, %add3A_79 : i32
        %mul3A_81 = arith.constant 8192 : i32
        %mul3A_82 = arith.muli %add3A, %mul3A_81 : i32
        %mul3A_83 = arith.constant 256 : i32
        %mul3A_84 = arith.muli %add3A_80, %mul3A_83 : i32
        %add3A_85 = arith.addi %mul3A_82, %mul3A_84 : i32
        %multiple_of3A_86 = tpu.assume_multiple %add3A_85, 8 : i32
        "tpu.region"() ({
          %run_scoped3A = tpu.sem_alloc : memref<!tpu.dma_semaphore, #tpu.memory_space<semaphore_mem>>
          %dma_start3A_90 = tpu.memref_slice %arg3[%multiple_of3A_86] : memref<262144xi32, #tpu.memory_space<hbm>> -> memref<256xi32, #tpu.memory_space<hbm>>
          %dma_start3A_91 = tpu.memref_slice %arg3[%multiple_of3A_86] : memref<262144xi32, #tpu.memory_space<hbm>> -> memref<256xi32, #tpu.memory_space<hbm>>
          tpu.enqueue_dma source(%dma_start3A_91 : memref<256xi32, #tpu.memory_space<hbm>>) target(%arg6 : memref<256xi32, #tpu.memory_space<vmem>>) target_semaphore(%run_scoped3A : memref<!tpu.dma_semaphore, #tpu.memory_space<semaphore_mem>>)
          %dma_wait3A_92 = tpu.memref_slice %arg3[%multiple_of3A_86] : memref<262144xi32, #tpu.memory_space<hbm>> -> memref<256xi32, #tpu.memory_space<hbm>>
          %dma_wait3A_93 = tpu.memref_slice %arg3[%multiple_of3A_86] : memref<262144xi32, #tpu.memory_space<hbm>> -> memref<256xi32, #tpu.memory_space<hbm>>
          tpu.wait_dma2 semaphore(%run_scoped3A : memref<!tpu.dma_semaphore, #tpu.memory_space<semaphore_mem>>) src(%dma_wait3A_93 : memref<256xi32, #tpu.memory_space<hbm>>) dst(%arg6 : memref<256xi32, #tpu.memory_space<vmem>>)
          tpu.yield
        }) : () -> ()
        %dma_start3A_87 = arith.constant 0 : i32
        %dma_start3A_88 = arith.constant 0 : i32
        %dma_start3A_89 = tpu.memref_slice %arg2[%dma_start3A_87, %dma_start3A_88] : memref<16384x128xf32, #tpu.memory_space<hbm>> -> memref<16384x128xf32, #tpu.memory_space<hbm>>
        tpu.enqueue_indirect_dma source(%dma_start3A_89 : memref<16384x128xf32, #tpu.memory_space<hbm>>) target(%arg8 : memref<256x128xf32, #tpu.memory_space<vmem>>) offsets(%arg6 : memref<256xi32, #tpu.memory_space<vmem>>) semaphore(%arg10 : memref<!tpu.dma_semaphore, #tpu.memory_space<semaphore_mem>>)
      } else {
      }
      %mul3A_38 = arith.constant 8192 : i32
      %mul3A_39 = arith.muli %add3A, %mul3A_38 : i32
      %mul3A_40 = arith.constant 256 : i32
      %mul3A_41 = arith.muli %add3A_33, %mul3A_40 : i32
      %add3A_42 = arith.addi %mul3A_39, %mul3A_41 : i32
      %multiple_of3A_43 = tpu.assume_multiple %add3A_42, 8 : i32
      %dma_wait3A_44 = arith.constant 0 : i32
      %dma_wait3A_45 = arith.constant 0 : i32
      %dma_wait3A_46 = tpu.memref_slice %arg2[%dma_wait3A_44, %dma_wait3A_45] : memref<16384x128xf32, #tpu.memory_space<hbm>> -> memref<16384x128xf32, #tpu.memory_space<hbm>>
      tpu.wait_indirect_dma semaphore(%arg9 : memref<!tpu.dma_semaphore, #tpu.memory_space<semaphore_mem>>) src(%dma_wait3A_46 : memref<16384x128xf32, #tpu.memory_space<hbm>>) dst(%arg7 : memref<256x128xf32, #tpu.memory_space<vmem>>)
      %dma_start3A_47 = arith.constant 0 : i32
      %dma_start3A_48 = tpu.memref_slice %arg4[%multiple_of3A_43, %dma_start3A_47] : memref<262144x128xf32, #tpu.memory_space<hbm>> -> memref<256x128xf32, #tpu.memory_space<hbm>>
      %dma_start3A_49 = arith.constant 0 : i32
      %dma_start3A_50 = tpu.memref_slice %arg4[%multiple_of3A_43, %dma_start3A_49] : memref<262144x128xf32, #tpu.memory_space<hbm>> -> memref<256x128xf32, #tpu.memory_space<hbm>>
      tpu.enqueue_dma source(%arg7 : memref<256x128xf32, #tpu.memory_space<vmem>>) target(%dma_start3A_50 : memref<256x128xf32, #tpu.memory_space<hbm>>) target_semaphore(%arg11 : memref<!tpu.dma_semaphore, #tpu.memory_space<semaphore_mem>>)
      %mul3A_51 = arith.constant 2 : i32
      %mul3A_52 = arith.muli %mul3A_51, %scan3A_29 : i32
      %add3A_53 = arith.constant 1 : i32
      %add3A_54 = arith.addi %mul3A_52, %add3A_53 : i32
      %add3A_55 = arith.constant 1 : i32
      %add3A_56 = arith.addi %add3A_54, %add3A_55 : i32
      %lt3A_57 = arith.constant 32 : i32
      %lt3A_58 = arith.cmpi slt, %add3A_56, %lt3A_57 : i32
      %convert_element_type3A_59 = arith.extui %lt3A_58 : i1 to i32
      %cond3A_60 = arith.constant 0 : i32
      %cond3A_61 = arith.cmpi ne, %convert_element_type3A_59, %cond3A_60 : i32
      scf.if %cond3A_61 {
        %ge3A = arith.constant 1 : i32
        %ge3A_75 = arith.cmpi sge, %add3A_54, %ge3A : i32
        %convert_element_type3A_76 = arith.extui %ge3A_75 : i1 to i32
        %cond3A_77 = arith.constant 0 : i32
        %cond3A_78 = arith.cmpi ne, %convert_element_type3A_76, %cond3A_77 : i32
        scf.if %cond3A_78 {
          %sub3A = arith.constant 1 : i32
          %sub3A_90 = arith.subi %add3A_54, %sub3A : i32
          %mul3A_91 = arith.constant 8192 : i32
          %mul3A_92 = arith.muli %add3A, %mul3A_91 : i32
          %mul3A_93 = arith.constant 256 : i32
          %mul3A_94 = arith.muli %sub3A_90, %mul3A_93 : i32
          %add3A_95 = arith.addi %mul3A_92, %mul3A_94 : i32
          %multiple_of3A_96 = tpu.assume_multiple %add3A_95, 8 : i32
          %dma_wait3A_97 = arith.constant 0 : i32
          %dma_wait3A_98 = tpu.memref_slice %arg4[%multiple_of3A_96, %dma_wait3A_97] : memref<262144x128xf32, #tpu.memory_space<hbm>> -> memref<256x128xf32, #tpu.memory_space<hbm>>
          %dma_wait3A_99 = arith.constant 0 : i32
          %dma_wait3A_100 = tpu.memref_slice %arg4[%multiple_of3A_96, %dma_wait3A_99] : memref<262144x128xf32, #tpu.memory_space<hbm>> -> memref<256x128xf32, #tpu.memory_space<hbm>>
          tpu.wait_dma2 semaphore(%arg11 : memref<!tpu.dma_semaphore, #tpu.memory_space<semaphore_mem>>) src(%arg7 : memref<256x128xf32, #tpu.memory_space<vmem>>) dst(%dma_wait3A_100 : memref<256x128xf32, #tpu.memory_space<hbm>>)
        } else {
        }
        %add3A_79 = arith.constant 1 : i32
        %add3A_80 = arith.addi %add3A_54, %add3A_79 : i32
        %mul3A_81 = arith.constant 8192 : i32
        %mul3A_82 = arith.muli %add3A, %mul3A_81 : i32
        %mul3A_83 = arith.constant 256 : i32
        %mul3A_84 = arith.muli %add3A_80, %mul3A_83 : i32
        %add3A_85 = arith.addi %mul3A_82, %mul3A_84 : i32
        %multiple_of3A_86 = tpu.assume_multiple %add3A_85, 8 : i32
        "tpu.region"() ({
          %run_scoped3A = tpu.sem_alloc : memref<!tpu.dma_semaphore, #tpu.memory_space<semaphore_mem>>
          %dma_start3A_90 = tpu.memref_slice %arg3[%multiple_of3A_86] : memref<262144xi32, #tpu.memory_space<hbm>> -> memref<256xi32, #tpu.memory_space<hbm>>
          %dma_start3A_91 = tpu.memref_slice %arg3[%multiple_of3A_86] : memref<262144xi32, #tpu.memory_space<hbm>> -> memref<256xi32, #tpu.memory_space<hbm>>
          tpu.enqueue_dma source(%dma_start3A_91 : memref<256xi32, #tpu.memory_space<hbm>>) target(%arg5 : memref<256xi32, #tpu.memory_space<vmem>>) target_semaphore(%run_scoped3A : memref<!tpu.dma_semaphore, #tpu.memory_space<semaphore_mem>>)
          %dma_wait3A_92 = tpu.memref_slice %arg3[%multiple_of3A_86] : memref<262144xi32, #tpu.memory_space<hbm>> -> memref<256xi32, #tpu.memory_space<hbm>>
          %dma_wait3A_93 = tpu.memref_slice %arg3[%multiple_of3A_86] : memref<262144xi32, #tpu.memory_space<hbm>> -> memref<256xi32, #tpu.memory_space<hbm>>
          tpu.wait_dma2 semaphore(%run_scoped3A : memref<!tpu.dma_semaphore, #tpu.memory_space<semaphore_mem>>) src(%dma_wait3A_93 : memref<256xi32, #tpu.memory_space<hbm>>) dst(%arg5 : memref<256xi32, #tpu.memory_space<vmem>>)
          tpu.yield
        }) : () -> ()
        %dma_start3A_87 = arith.constant 0 : i32
        %dma_start3A_88 = arith.constant 0 : i32
        %dma_start3A_89 = tpu.memref_slice %arg2[%dma_start3A_87, %dma_start3A_88] : memref<16384x128xf32, #tpu.memory_space<hbm>> -> memref<16384x128xf32, #tpu.memory_space<hbm>>
        tpu.enqueue_indirect_dma source(%dma_start3A_89 : memref<16384x128xf32, #tpu.memory_space<hbm>>) target(%arg7 : memref<256x128xf32, #tpu.memory_space<vmem>>) offsets(%arg5 : memref<256xi32, #tpu.memory_space<vmem>>) semaphore(%arg9 : memref<!tpu.dma_semaphore, #tpu.memory_space<semaphore_mem>>)
      } else {
      }
      %mul3A_62 = arith.constant 8192 : i32
      %mul3A_63 = arith.muli %add3A, %mul3A_62 : i32
      %mul3A_64 = arith.constant 256 : i32
      %mul3A_65 = arith.muli %add3A_54, %mul3A_64 : i32
      %add3A_66 = arith.addi %mul3A_63, %mul3A_65 : i32
      %multiple_of3A_67 = tpu.assume_multiple %add3A_66, 8 : i32
      %dma_wait3A_68 = arith.constant 0 : i32
      %dma_wait3A_69 = arith.constant 0 : i32
      %dma_wait3A_70 = tpu.memref_slice %arg2[%dma_wait3A_68, %dma_wait3A_69] : memref<16384x128xf32, #tpu.memory_space<hbm>> -> memref<16384x128xf32, #tpu.memory_space<hbm>>
      tpu.wait_indirect_dma semaphore(%arg10 : memref<!tpu.dma_semaphore, #tpu.memory_space<semaphore_mem>>) src(%dma_wait3A_70 : memref<16384x128xf32, #tpu.memory_space<hbm>>) dst(%arg8 : memref<256x128xf32, #tpu.memory_space<vmem>>)
      %dma_start3A_71 = arith.constant 0 : i32
      %dma_start3A_72 = tpu.memref_slice %arg4[%multiple_of3A_67, %dma_start3A_71] : memref<262144x128xf32, #tpu.memory_space<hbm>> -> memref<256x128xf32, #tpu.memory_space<hbm>>
      %dma_start3A_73 = arith.constant 0 : i32
      %dma_start3A_74 = tpu.memref_slice %arg4[%multiple_of3A_67, %dma_start3A_73] : memref<262144x128xf32, #tpu.memory_space<hbm>> -> memref<256x128xf32, #tpu.memory_space<hbm>>
      tpu.enqueue_dma source(%arg8 : memref<256x128xf32, #tpu.memory_space<vmem>>) target(%dma_start3A_74 : memref<256x128xf32, #tpu.memory_space<hbm>>) target_semaphore(%arg12 : memref<!tpu.dma_semaphore, #tpu.memory_space<semaphore_mem>>)
    }
    %scan3A_11 = arith.constant 16 : i32
    %mul3A_12 = arith.constant 8192 : i32
    %mul3A_13 = arith.muli %add3A, %mul3A_12 : i32
    %add3A_14 = arith.constant 7680 : i32
    %add3A_15 = arith.addi %mul3A_13, %add3A_14 : i32
    %multiple_of3A_16 = tpu.assume_multiple %add3A_15, 8 : i32
    %dma_wait3A = arith.constant 0 : i32
    %dma_wait3A_17 = tpu.memref_slice %arg4[%multiple_of3A_16, %dma_wait3A] : memref<262144x128xf32, #tpu.memory_space<hbm>> -> memref<256x128xf32, #tpu.memory_space<hbm>>
    %dma_wait3A_18 = arith.constant 0 : i32
    %dma_wait3A_19 = tpu.memref_slice %arg4[%multiple_of3A_16, %dma_wait3A_18] : memref<262144x128xf32, #tpu.memory_space<hbm>> -> memref<256x128xf32, #tpu.memory_space<hbm>>
    tpu.wait_dma2 semaphore(%arg11 : memref<!tpu.dma_semaphore, #tpu.memory_space<semaphore_mem>>) src(%arg7 : memref<256x128xf32, #tpu.memory_space<vmem>>) dst(%dma_wait3A_19 : memref<256x128xf32, #tpu.memory_space<hbm>>)
    %mul3A_20 = arith.constant 8192 : i32
    %mul3A_21 = arith.muli %add3A, %mul3A_20 : i32
    %add3A_22 = arith.constant 7936 : i32
    %add3A_23 = arith.addi %mul3A_21, %add3A_22 : i32
    %multiple_of3A_24 = tpu.assume_multiple %add3A_23, 8 : i32
    %dma_wait3A_25 = arith.constant 0 : i32
    %dma_wait3A_26 = tpu.memref_slice %arg4[%multiple_of3A_24, %dma_wait3A_25] : memref<262144x128xf32, #tpu.memory_space<hbm>> -> memref<256x128xf32, #tpu.memory_space<hbm>>
    %dma_wait3A_27 = arith.constant 0 : i32
    %dma_wait3A_28 = tpu.memref_slice %arg4[%multiple_of3A_24, %dma_wait3A_27] : memref<262144x128xf32, #tpu.memory_space<hbm>> -> memref<256x128xf32, #tpu.memory_space<hbm>>
    tpu.wait_dma2 semaphore(%arg12 : memref<!tpu.dma_semaphore, #tpu.memory_space<semaphore_mem>>) src(%arg8 : memref<256x128xf32, #tpu.memory_space<vmem>>) dst(%dma_wait3A_28 : memref<256x128xf32, #tpu.memory_space<hbm>>)
    return
  }
}

module attributes {stable_mosaic.version = 14 : i64} {
  func.func @_knn_body(%arg0: i32, %arg1: i32, %arg2: memref<1x256x3xf32, #tpu.memory_space<vmem>>, %arg3: memref<1x3x2048xf32, #tpu.memory_space<vmem>>, %arg4: memref<1x256x16xi32, #tpu.memory_space<vmem>>, %arg5: memref<1x16x256x32xf32, #tpu.memory_space<vmem>>) attributes {dimension_semantics = [#tpu.dimension_semantics<arbitrary>, #tpu.dimension_semantics<arbitrary>], iteration_bounds = array<i64: 8, 8>, scalar_prefetch = 0 : i64, scratch_operands = 0 : i64, tpu.core_type = #tpu.core_type<tc>, window_params = [{transform_indices = @transform_0, window_bounds = array<i64: 1, 256, 3>}, {transform_indices = @transform_1, window_bounds = array<i64: 1, 3, 2048>}, {transform_indices = @transform_2, window_bounds = array<i64: 1, 256, 16>}, {transform_indices = @transform_3, window_bounds = array<i64: 1, 16, 256, 32>}]} {
    %get3A = arith.constant 0 : index
    %get3A_0 = arith.constant 0 : index
    %get3A_1 = arith.constant 0 : index
    %get3A_2 = vector.load %arg2[%get3A, %get3A_0, %get3A_1] : memref<1x256x3xf32, #tpu.memory_space<vmem>>, vector<1x256x3xf32>
    %get3A_3 = vector.shape_cast %get3A_2 : vector<1x256x3xf32> to vector<256x3xf32>
    %get3A_4 = arith.constant 0 : index
    %get3A_5 = arith.constant 0 : index
    %get3A_6 = arith.constant 0 : index
    %get3A_7 = vector.load %arg3[%get3A_4, %get3A_5, %get3A_6] : memref<1x3x2048xf32, #tpu.memory_space<vmem>>, vector<1x3x2048xf32>
    %get3A_8 = vector.shape_cast %get3A_7 : vector<1x3x2048xf32> to vector<3x2048xf32>
    %slice3A = vector.extract_strided_slice %get3A_3 {offsets = [0, 0], sizes = [256, 1], strides = [1, 1]} : vector<256x3xf32> to vector<256x1xf32>
    %slice3A_9 = vector.extract_strided_slice %get3A_3 {offsets = [0, 1], sizes = [256, 1], strides = [1, 1]} : vector<256x3xf32> to vector<256x1xf32>
    %slice3A_10 = vector.extract_strided_slice %get3A_3 {offsets = [0, 2], sizes = [256, 1], strides = [1, 1]} : vector<256x3xf32> to vector<256x1xf32>
    %slice3A_11 = vector.extract_strided_slice %get3A_8 {offsets = [0, 0], sizes = [1, 2048], strides = [1, 1]} : vector<3x2048xf32> to vector<1x2048xf32>
    %slice3A_12 = vector.extract_strided_slice %get3A_8 {offsets = [1, 0], sizes = [1, 2048], strides = [1, 1]} : vector<3x2048xf32> to vector<1x2048xf32>
    %slice3A_13 = vector.extract_strided_slice %get3A_8 {offsets = [2, 0], sizes = [1, 2048], strides = [1, 1]} : vector<3x2048xf32> to vector<1x2048xf32>
    %sub3A = vector.broadcast %slice3A : vector<256x1xf32> to vector<256x2048xf32>
    %sub3A_14 = vector.broadcast %slice3A_11 : vector<1x2048xf32> to vector<256x2048xf32>
    %sub3A_15 = arith.subf %sub3A, %sub3A_14 : vector<256x2048xf32>
    %integer_pow3A = arith.mulf %sub3A_15, %sub3A_15 : vector<256x2048xf32>
    %sub3A_16 = vector.broadcast %slice3A_9 : vector<256x1xf32> to vector<256x2048xf32>
    %sub3A_17 = vector.broadcast %slice3A_12 : vector<1x2048xf32> to vector<256x2048xf32>
    %sub3A_18 = arith.subf %sub3A_16, %sub3A_17 : vector<256x2048xf32>
    %integer_pow3A_19 = arith.mulf %sub3A_18, %sub3A_18 : vector<256x2048xf32>
    %add3A = arith.addf %integer_pow3A, %integer_pow3A_19 : vector<256x2048xf32>
    %sub3A_20 = vector.broadcast %slice3A_10 : vector<256x1xf32> to vector<256x2048xf32>
    %sub3A_21 = vector.broadcast %slice3A_13 : vector<1x2048xf32> to vector<256x2048xf32>
    %sub3A_22 = arith.subf %sub3A_20, %sub3A_21 : vector<256x2048xf32>
    %integer_pow3A_23 = arith.mulf %sub3A_22, %sub3A_22 : vector<256x2048xf32>
    %add3A_24 = arith.addf %add3A, %integer_pow3A_23 : vector<256x2048xf32>
    %iota3A = tpu.iota {dimensions = array<i32: 1>} : vector<256x2048xi32>
    %mul3A = arith.constant 256 : i32
    %mul3A_25 = arith.muli %arg1, %mul3A : i32
    %iota3A_26 = tpu.iota {dimensions = array<i32: 0>} : vector<256x2048xi32>
    %add3A_27 = vector.broadcast %mul3A_25 : i32 to vector<256x2048xi32>
    %add3A_28 = arith.addi %add3A_27, %iota3A_26 : vector<256x2048xi32>
    %eq3A = arith.cmpi eq, %iota3A, %add3A_28 : vector<256x2048xi32>
    %jit3A = arith.constant 1.000000e+09 : f32
    %broadcast_in_dim3A = vector.broadcast %jit3A : f32 to vector<256x2048xf32>
    %select_n3A = arith.select %eq3A, %broadcast_in_dim3A, %add3A_24 : vector<256x2048xi1>, vector<256x2048xf32>
    %convert_element_type3A = arith.sitofp %iota3A : vector<256x2048xi32> to vector<256x2048xf32>
    %iota3A_29 = tpu.iota {dimensions = array<i32: 1>} : vector<1x32xi32>
    %convert_element_type3A_30 = arith.sitofp %iota3A_29 : vector<1x32xi32> to vector<1x32xf32>
    %mul3A_31 = arith.constant 0.161290318 : f32
    %mul3A_32 = vector.broadcast %mul3A_31 : f32 to vector<1x32xf32>
    %mul3A_33 = arith.mulf %convert_element_type3A_30, %mul3A_32 : vector<1x32xf32>
    %reduce_min3A = arith.constant dense<0x7F800000> : vector<256xf32>
    %reduce_min3A_34 = vector.multi_reduction <minimumf>, %select_n3A, %reduce_min3A [1] : vector<256x2048xf32> to vector<256xf32>
    %broadcast_in_dim3A_35 = vector.shape_cast %reduce_min3A_34 : vector<256xf32> to vector<256x1xf32>
    %eq3A_36 = vector.broadcast %broadcast_in_dim3A_35 : vector<256x1xf32> to vector<256x2048xf32>
    %eq3A_37 = arith.cmpf oeq, %select_n3A, %eq3A_36 : vector<256x2048xf32>
    %jit3A_38 = arith.constant 2.048000e+03 : f32
    %broadcast_in_dim3A_39 = vector.broadcast %jit3A_38 : f32 to vector<256x2048xf32>
    %select_n3A_40 = arith.select %eq3A_37, %convert_element_type3A, %broadcast_in_dim3A_39 : vector<256x2048xi1>, vector<256x2048xf32>
    %reduce_min3A_41 = arith.constant dense<0x7F800000> : vector<256xf32>
    %reduce_min3A_42 = vector.multi_reduction <minimumf>, %select_n3A_40, %reduce_min3A_41 [1] : vector<256x2048xf32> to vector<256xf32>
    %broadcast_in_dim3A_43 = vector.shape_cast %reduce_min3A_42 : vector<256xf32> to vector<256x1xf32>
    %eq3A_44 = vector.broadcast %broadcast_in_dim3A_43 : vector<256x1xf32> to vector<256x2048xf32>
    %eq3A_45 = arith.cmpf oeq, %convert_element_type3A, %eq3A_44 : vector<256x2048xf32>
    %add3A_46 = arith.constant 9.99999996E-13 : f32
    %add3A_47 = vector.broadcast %add3A_46 : f32 to vector<256x1xf32>
    %add3A_48 = arith.addf %broadcast_in_dim3A_35, %add3A_47 : vector<256x1xf32>
    %sqrt3A = math.sqrt %add3A_48 : vector<256x1xf32>
    %convert_element_type3A_49 = arith.fptosi %broadcast_in_dim3A_43 : vector<256x1xf32> to vector<256x1xi32>
    %mul3A_50 = arith.constant 2048 : i32
    %mul3A_51 = arith.muli %arg0, %mul3A_50 : i32
    %add3A_52 = vector.broadcast %mul3A_51 : i32 to vector<256x1xi32>
    %add3A_53 = arith.addi %convert_element_type3A_49, %add3A_52 : vector<256x1xi32>
    %swap3A = arith.constant 0 : index
    %swap3A_54 = arith.constant 0 : index
    %swap3A_55 = arith.constant 0 : index
    %swap3A_56 = vector.load %arg4[%swap3A, %swap3A_54, %swap3A_55] : memref<1x256x16xi32, #tpu.memory_space<vmem>>, vector<1x256x1xi32>
    %swap3A_57 = vector.shape_cast %swap3A_56 : vector<1x256x1xi32> to vector<256x1xi32>
    %swap3A_58 = vector.shape_cast %add3A_53 : vector<256x1xi32> to vector<1x256x1xi32>
    tpu.vector_store %arg4[%swap3A, %swap3A_54, %swap3A_55], %swap3A_58 {strides = array<i32>} : memref<1x256x16xi32, #tpu.memory_space<vmem>>, vector<1x256x1xi32>,
    %jit3A_59 = arith.constant 1.000000e+09 : f32
    %broadcast_in_dim3A_60 = vector.broadcast %jit3A_59 : f32 to vector<256x2048xf32>
    %select_n3A_61 = arith.select %eq3A_45, %broadcast_in_dim3A_60, %select_n3A : vector<256x2048xi1>, vector<256x2048xf32>
    %reduce_min3A_62 = arith.constant dense<0x7F800000> : vector<256xf32>
    %reduce_min3A_63 = vector.multi_reduction <minimumf>, %select_n3A_61, %reduce_min3A_62 [1] : vector<256x2048xf32> to vector<256xf32>
    %broadcast_in_dim3A_64 = vector.shape_cast %reduce_min3A_63 : vector<256xf32> to vector<256x1xf32>
    %eq3A_65 = vector.broadcast %broadcast_in_dim3A_64 : vector<256x1xf32> to vector<256x2048xf32>
    %eq3A_66 = arith.cmpf oeq, %select_n3A_61, %eq3A_65 : vector<256x2048xf32>
    %jit3A_67 = arith.constant 2.048000e+03 : f32
    %broadcast_in_dim3A_68 = vector.broadcast %jit3A_67 : f32 to vector<256x2048xf32>
    %select_n3A_69 = arith.select %eq3A_66, %convert_element_type3A, %broadcast_in_dim3A_68 : vector<256x2048xi1>, vector<256x2048xf32>
    %reduce_min3A_70 = arith.constant dense<0x7F800000> : vector<256xf32>
    %reduce_min3A_71 = vector.multi_reduction <minimumf>, %select_n3A_69, %reduce_min3A_70 [1] : vector<256x2048xf32> to vector<256xf32>
    %broadcast_in_dim3A_72 = vector.shape_cast %reduce_min3A_71 : vector<256xf32> to vector<256x1xf32>
    %eq3A_73 = vector.broadcast %broadcast_in_dim3A_72 : vector<256x1xf32> to vector<256x2048xf32>
    %eq3A_74 = arith.cmpf oeq, %convert_element_type3A, %eq3A_73 : vector<256x2048xf32>
    %add3A_75 = arith.constant 9.99999996E-13 : f32
    %add3A_76 = vector.broadcast %add3A_75 : f32 to vector<256x1xf32>
    %add3A_77 = arith.addf %broadcast_in_dim3A_64, %add3A_76 : vector<256x1xf32>
    %sqrt3A_78 = math.sqrt %add3A_77 : vector<256x1xf32>
    %convert_element_type3A_79 = arith.fptosi %broadcast_in_dim3A_72 : vector<256x1xf32> to vector<256x1xi32>
    %mul3A_80 = arith.constant 2048 : i32
    %mul3A_81 = arith.muli %arg0, %mul3A_80 : i32
    %add3A_82 = vector.broadcast %mul3A_81 : i32 to vector<256x1xi32>
    %add3A_83 = arith.addi %convert_element_type3A_79, %add3A_82 : vector<256x1xi32>
    %swap3A_84 = arith.constant 0 : index
    %swap3A_85 = arith.constant 0 : index
    %swap3A_86 = arith.constant 1 : index
    %swap3A_87 = vector.load %arg4[%swap3A_84, %swap3A_85, %swap3A_86] : memref<1x256x16xi32, #tpu.memory_space<vmem>>, vector<1x256x1xi32>
    %swap3A_88 = vector.shape_cast %swap3A_87 : vector<1x256x1xi32> to vector<256x1xi32>
    %swap3A_89 = vector.shape_cast %add3A_83 : vector<256x1xi32> to vector<1x256x1xi32>
    tpu.vector_store %arg4[%swap3A_84, %swap3A_85, %swap3A_86], %swap3A_89 {strides = array<i32>} : memref<1x256x16xi32, #tpu.memory_space<vmem>>, vector<1x256x1xi32>,
    %jit3A_90 = arith.constant 1.000000e+09 : f32
    %broadcast_in_dim3A_91 = vector.broadcast %jit3A_90 : f32 to vector<256x2048xf32>
    %select_n3A_92 = arith.select %eq3A_74, %broadcast_in_dim3A_91, %select_n3A_61 : vector<256x2048xi1>, vector<256x2048xf32>
    %reduce_min3A_93 = arith.constant dense<0x7F800000> : vector<256xf32>
    %reduce_min3A_94 = vector.multi_reduction <minimumf>, %select_n3A_92, %reduce_min3A_93 [1] : vector<256x2048xf32> to vector<256xf32>
    %broadcast_in_dim3A_95 = vector.shape_cast %reduce_min3A_94 : vector<256xf32> to vector<256x1xf32>
    %eq3A_96 = vector.broadcast %broadcast_in_dim3A_95 : vector<256x1xf32> to vector<256x2048xf32>
    %eq3A_97 = arith.cmpf oeq, %select_n3A_92, %eq3A_96 : vector<256x2048xf32>
    %jit3A_98 = arith.constant 2.048000e+03 : f32
    %broadcast_in_dim3A_99 = vector.broadcast %jit3A_98 : f32 to vector<256x2048xf32>
    %select_n3A_100 = arith.select %eq3A_97, %convert_element_type3A, %broadcast_in_dim3A_99 : vector<256x2048xi1>, vector<256x2048xf32>
    %reduce_min3A_101 = arith.constant dense<0x7F800000> : vector<256xf32>
    %reduce_min3A_102 = vector.multi_reduction <minimumf>, %select_n3A_100, %reduce_min3A_101 [1] : vector<256x2048xf32> to vector<256xf32>
    %broadcast_in_dim3A_103 = vector.shape_cast %reduce_min3A_102 : vector<256xf32> to vector<256x1xf32>
    %eq3A_104 = vector.broadcast %broadcast_in_dim3A_103 : vector<256x1xf32> to vector<256x2048xf32>
    %eq3A_105 = arith.cmpf oeq, %convert_element_type3A, %eq3A_104 : vector<256x2048xf32>
    %add3A_106 = arith.constant 9.99999996E-13 : f32
    %add3A_107 = vector.broadcast %add3A_106 : f32 to vector<256x1xf32>
    %add3A_108 = arith.addf %broadcast_in_dim3A_95, %add3A_107 : vector<256x1xf32>
    %sqrt3A_109 = math.sqrt %add3A_108 : vector<256x1xf32>
    %convert_element_type3A_110 = arith.fptosi %broadcast_in_dim3A_103 : vector<256x1xf32> to vector<256x1xi32>
    %mul3A_111 = arith.constant 2048 : i32
    %mul3A_112 = arith.muli %arg0, %mul3A_111 : i32
    %add3A_113 = vector.broadcast %mul3A_112 : i32 to vector<256x1xi32>
    %add3A_114 = arith.addi %convert_element_type3A_110, %add3A_113 : vector<256x1xi32>
    %swap3A_115 = arith.constant 0 : index
    %swap3A_116 = arith.constant 0 : index
    %swap3A_117 = arith.constant 2 : index
    %swap3A_118 = vector.load %arg4[%swap3A_115, %swap3A_116, %swap3A_117] : memref<1x256x16xi32, #tpu.memory_space<vmem>>, vector<1x256x1xi32>
    %swap3A_119 = vector.shape_cast %swap3A_118 : vector<1x256x1xi32> to vector<256x1xi32>
    %swap3A_120 = vector.shape_cast %add3A_114 : vector<256x1xi32> to vector<1x256x1xi32>
    tpu.vector_store %arg4[%swap3A_115, %swap3A_116, %swap3A_117], %swap3A_120 {strides = array<i32>} : memref<1x256x16xi32, #tpu.memory_space<vmem>>, vector<1x256x1xi32>,
    %jit3A_121 = arith.constant 1.000000e+09 : f32
    %broadcast_in_dim3A_122 = vector.broadcast %jit3A_121 : f32 to vector<256x2048xf32>
    %select_n3A_123 = arith.select %eq3A_105, %broadcast_in_dim3A_122, %select_n3A_92 : vector<256x2048xi1>, vector<256x2048xf32>
    %reduce_min3A_124 = arith.constant dense<0x7F800000> : vector<256xf32>
    %reduce_min3A_125 = vector.multi_reduction <minimumf>, %select_n3A_123, %reduce_min3A_124 [1] : vector<256x2048xf32> to vector<256xf32>
    %broadcast_in_dim3A_126 = vector.shape_cast %reduce_min3A_125 : vector<256xf32> to vector<256x1xf32>
    %eq3A_127 = vector.broadcast %broadcast_in_dim3A_126 : vector<256x1xf32> to vector<256x2048xf32>
    %eq3A_128 = arith.cmpf oeq, %select_n3A_123, %eq3A_127 : vector<256x2048xf32>
    %jit3A_129 = arith.constant 2.048000e+03 : f32
    %broadcast_in_dim3A_130 = vector.broadcast %jit3A_129 : f32 to vector<256x2048xf32>
    %select_n3A_131 = arith.select %eq3A_128, %convert_element_type3A, %broadcast_in_dim3A_130 : vector<256x2048xi1>, vector<256x2048xf32>
    %reduce_min3A_132 = arith.constant dense<0x7F800000> : vector<256xf32>
    %reduce_min3A_133 = vector.multi_reduction <minimumf>, %select_n3A_131, %reduce_min3A_132 [1] : vector<256x2048xf32> to vector<256xf32>
    %broadcast_in_dim3A_134 = vector.shape_cast %reduce_min3A_133 : vector<256xf32> to vector<256x1xf32>
    %eq3A_135 = vector.broadcast %broadcast_in_dim3A_134 : vector<256x1xf32> to vector<256x2048xf32>
    %eq3A_136 = arith.cmpf oeq, %convert_element_type3A, %eq3A_135 : vector<256x2048xf32>
    %add3A_137 = arith.constant 9.99999996E-13 : f32
    %add3A_138 = vector.broadcast %add3A_137 : f32 to vector<256x1xf32>
    %add3A_139 = arith.addf %broadcast_in_dim3A_126, %add3A_138 : vector<256x1xf32>
    %sqrt3A_140 = math.sqrt %add3A_139 : vector<256x1xf32>
    %convert_element_type3A_141 = arith.fptosi %broadcast_in_dim3A_134 : vector<256x1xf32> to vector<256x1xi32>
    %mul3A_142 = arith.constant 2048 : i32
    %mul3A_143 = arith.muli %arg0, %mul3A_142 : i32
    %add3A_144 = vector.broadcast %mul3A_143 : i32 to vector<256x1xi32>
    %add3A_145 = arith.addi %convert_element_type3A_141, %add3A_144 : vector<256x1xi32>
    %swap3A_146 = arith.constant 0 : index
    %swap3A_147 = arith.constant 0 : index
    %swap3A_148 = arith.constant 3 : index
    %swap3A_149 = vector.load %arg4[%swap3A_146, %swap3A_147, %swap3A_148] : memref<1x256x16xi32, #tpu.memory_space<vmem>>, vector<1x256x1xi32>
    %swap3A_150 = vector.shape_cast %swap3A_149 : vector<1x256x1xi32> to vector<256x1xi32>
    %swap3A_151 = vector.shape_cast %add3A_145 : vector<256x1xi32> to vector<1x256x1xi32>
    tpu.vector_store %arg4[%swap3A_146, %swap3A_147, %swap3A_148], %swap3A_151 {strides = array<i32>} : memref<1x256x16xi32, #tpu.memory_space<vmem>>, vector<1x256x1xi32>,
    %jit3A_152 = arith.constant 1.000000e+09 : f32
    %broadcast_in_dim3A_153 = vector.broadcast %jit3A_152 : f32 to vector<256x2048xf32>
    %select_n3A_154 = arith.select %eq3A_136, %broadcast_in_dim3A_153, %select_n3A_123 : vector<256x2048xi1>, vector<256x2048xf32>
    %reduce_min3A_155 = arith.constant dense<0x7F800000> : vector<256xf32>
    %reduce_min3A_156 = vector.multi_reduction <minimumf>, %select_n3A_154, %reduce_min3A_155 [1] : vector<256x2048xf32> to vector<256xf32>
    %broadcast_in_dim3A_157 = vector.shape_cast %reduce_min3A_156 : vector<256xf32> to vector<256x1xf32>
    %eq3A_158 = vector.broadcast %broadcast_in_dim3A_157 : vector<256x1xf32> to vector<256x2048xf32>
    %eq3A_159 = arith.cmpf oeq, %select_n3A_154, %eq3A_158 : vector<256x2048xf32>
    %jit3A_160 = arith.constant 2.048000e+03 : f32
    %broadcast_in_dim3A_161 = vector.broadcast %jit3A_160 : f32 to vector<256x2048xf32>
    %select_n3A_162 = arith.select %eq3A_159, %convert_element_type3A, %broadcast_in_dim3A_161 : vector<256x2048xi1>, vector<256x2048xf32>
    %reduce_min3A_163 = arith.constant dense<0x7F800000> : vector<256xf32>
    %reduce_min3A_164 = vector.multi_reduction <minimumf>, %select_n3A_162, %reduce_min3A_163 [1] : vector<256x2048xf32> to vector<256xf32>
    %broadcast_in_dim3A_165 = vector.shape_cast %reduce_min3A_164 : vector<256xf32> to vector<256x1xf32>
    %eq3A_166 = vector.broadcast %broadcast_in_dim3A_165 : vector<256x1xf32> to vector<256x2048xf32>
    %eq3A_167 = arith.cmpf oeq, %convert_element_type3A, %eq3A_166 : vector<256x2048xf32>
    %add3A_168 = arith.constant 9.99999996E-13 : f32
    %add3A_169 = vector.broadcast %add3A_168 : f32 to vector<256x1xf32>
    %add3A_170 = arith.addf %broadcast_in_dim3A_157, %add3A_169 : vector<256x1xf32>
    %sqrt3A_171 = math.sqrt %add3A_170 : vector<256x1xf32>
    %convert_element_type3A_172 = arith.fptosi %broadcast_in_dim3A_165 : vector<256x1xf32> to vector<256x1xi32>
    %mul3A_173 = arith.constant 2048 : i32
    %mul3A_174 = arith.muli %arg0, %mul3A_173 : i32
    %add3A_175 = vector.broadcast %mul3A_174 : i32 to vector<256x1xi32>
    %add3A_176 = arith.addi %convert_element_type3A_172, %add3A_175 : vector<256x1xi32>
    %swap3A_177 = arith.constant 0 : index
    %swap3A_178 = arith.constant 0 : index
    %swap3A_179 = arith.constant 4 : index
    %swap3A_180 = vector.load %arg4[%swap3A_177, %swap3A_178, %swap3A_179] : memref<1x256x16xi32, #tpu.memory_space<vmem>>, vector<1x256x1xi32>
    %swap3A_181 = vector.shape_cast %swap3A_180 : vector<1x256x1xi32> to vector<256x1xi32>
    %swap3A_182 = vector.shape_cast %add3A_176 : vector<256x1xi32> to vector<1x256x1xi32>
    tpu.vector_store %arg4[%swap3A_177, %swap3A_178, %swap3A_179], %swap3A_182 {strides = array<i32>} : memref<1x256x16xi32, #tpu.memory_space<vmem>>, vector<1x256x1xi32>,
    %jit3A_183 = arith.constant 1.000000e+09 : f32
    %broadcast_in_dim3A_184 = vector.broadcast %jit3A_183 : f32 to vector<256x2048xf32>
    %select_n3A_185 = arith.select %eq3A_167, %broadcast_in_dim3A_184, %select_n3A_154 : vector<256x2048xi1>, vector<256x2048xf32>
    %reduce_min3A_186 = arith.constant dense<0x7F800000> : vector<256xf32>
    %reduce_min3A_187 = vector.multi_reduction <minimumf>, %select_n3A_185, %reduce_min3A_186 [1] : vector<256x2048xf32> to vector<256xf32>
    %broadcast_in_dim3A_188 = vector.shape_cast %reduce_min3A_187 : vector<256xf32> to vector<256x1xf32>
    %eq3A_189 = vector.broadcast %broadcast_in_dim3A_188 : vector<256x1xf32> to vector<256x2048xf32>
    %eq3A_190 = arith.cmpf oeq, %select_n3A_185, %eq3A_189 : vector<256x2048xf32>
    %jit3A_191 = arith.constant 2.048000e+03 : f32
    %broadcast_in_dim3A_192 = vector.broadcast %jit3A_191 : f32 to vector<256x2048xf32>
    %select_n3A_193 = arith.select %eq3A_190, %convert_element_type3A, %broadcast_in_dim3A_192 : vector<256x2048xi1>, vector<256x2048xf32>
    %reduce_min3A_194 = arith.constant dense<0x7F800000> : vector<256xf32>
    %reduce_min3A_195 = vector.multi_reduction <minimumf>, %select_n3A_193, %reduce_min3A_194 [1] : vector<256x2048xf32> to vector<256xf32>
    %broadcast_in_dim3A_196 = vector.shape_cast %reduce_min3A_195 : vector<256xf32> to vector<256x1xf32>
    %eq3A_197 = vector.broadcast %broadcast_in_dim3A_196 : vector<256x1xf32> to vector<256x2048xf32>
    %eq3A_198 = arith.cmpf oeq, %convert_element_type3A, %eq3A_197 : vector<256x2048xf32>
    %add3A_199 = arith.constant 9.99999996E-13 : f32
    %add3A_200 = vector.broadcast %add3A_199 : f32 to vector<256x1xf32>
    %add3A_201 = arith.addf %broadcast_in_dim3A_188, %add3A_200 : vector<256x1xf32>
    %sqrt3A_202 = math.sqrt %add3A_201 : vector<256x1xf32>
    %convert_element_type3A_203 = arith.fptosi %broadcast_in_dim3A_196 : vector<256x1xf32> to vector<256x1xi32>
    %mul3A_204 = arith.constant 2048 : i32
    %mul3A_205 = arith.muli %arg0, %mul3A_204 : i32
    %add3A_206 = vector.broadcast %mul3A_205 : i32 to vector<256x1xi32>
    %add3A_207 = arith.addi %convert_element_type3A_203, %add3A_206 : vector<256x1xi32>
    %swap3A_208 = arith.constant 0 : index
    %swap3A_209 = arith.constant 0 : index
    %swap3A_210 = arith.constant 5 : index
    %swap3A_211 = vector.load %arg4[%swap3A_208, %swap3A_209, %swap3A_210] : memref<1x256x16xi32, #tpu.memory_space<vmem>>, vector<1x256x1xi32>
    %swap3A_212 = vector.shape_cast %swap3A_211 : vector<1x256x1xi32> to vector<256x1xi32>
    %swap3A_213 = vector.shape_cast %add3A_207 : vector<256x1xi32> to vector<1x256x1xi32>
    tpu.vector_store %arg4[%swap3A_208, %swap3A_209, %swap3A_210], %swap3A_213 {strides = array<i32>} : memref<1x256x16xi32, #tpu.memory_space<vmem>>, vector<1x256x1xi32>,
    %jit3A_214 = arith.constant 1.000000e+09 : f32
    %broadcast_in_dim3A_215 = vector.broadcast %jit3A_214 : f32 to vector<256x2048xf32>
    %select_n3A_216 = arith.select %eq3A_198, %broadcast_in_dim3A_215, %select_n3A_185 : vector<256x2048xi1>, vector<256x2048xf32>
    %reduce_min3A_217 = arith.constant dense<0x7F800000> : vector<256xf32>
    %reduce_min3A_218 = vector.multi_reduction <minimumf>, %select_n3A_216, %reduce_min3A_217 [1] : vector<256x2048xf32> to vector<256xf32>
    %broadcast_in_dim3A_219 = vector.shape_cast %reduce_min3A_218 : vector<256xf32> to vector<256x1xf32>
    %eq3A_220 = vector.broadcast %broadcast_in_dim3A_219 : vector<256x1xf32> to vector<256x2048xf32>
    %eq3A_221 = arith.cmpf oeq, %select_n3A_216, %eq3A_220 : vector<256x2048xf32>
    %jit3A_222 = arith.constant 2.048000e+03 : f32
    %broadcast_in_dim3A_223 = vector.broadcast %jit3A_222 : f32 to vector<256x2048xf32>
    %select_n3A_224 = arith.select %eq3A_221, %convert_element_type3A, %broadcast_in_dim3A_223 : vector<256x2048xi1>, vector<256x2048xf32>
    %reduce_min3A_225 = arith.constant dense<0x7F800000> : vector<256xf32>
    %reduce_min3A_226 = vector.multi_reduction <minimumf>, %select_n3A_224, %reduce_min3A_225 [1] : vector<256x2048xf32> to vector<256xf32>
    %broadcast_in_dim3A_227 = vector.shape_cast %reduce_min3A_226 : vector<256xf32> to vector<256x1xf32>
    %eq3A_228 = vector.broadcast %broadcast_in_dim3A_227 : vector<256x1xf32> to vector<256x2048xf32>
    %eq3A_229 = arith.cmpf oeq, %convert_element_type3A, %eq3A_228 : vector<256x2048xf32>
    %add3A_230 = arith.constant 9.99999996E-13 : f32
    %add3A_231 = vector.broadcast %add3A_230 : f32 to vector<256x1xf32>
    %add3A_232 = arith.addf %broadcast_in_dim3A_219, %add3A_231 : vector<256x1xf32>
    %sqrt3A_233 = math.sqrt %add3A_232 : vector<256x1xf32>
    %convert_element_type3A_234 = arith.fptosi %broadcast_in_dim3A_227 : vector<256x1xf32> to vector<256x1xi32>
    %mul3A_235 = arith.constant 2048 : i32
    %mul3A_236 = arith.muli %arg0, %mul3A_235 : i32
    %add3A_237 = vector.broadcast %mul3A_236 : i32 to vector<256x1xi32>
    %add3A_238 = arith.addi %convert_element_type3A_234, %add3A_237 : vector<256x1xi32>
    %swap3A_239 = arith.constant 0 : index
    %swap3A_240 = arith.constant 0 : index
    %swap3A_241 = arith.constant 6 : index
    %swap3A_242 = vector.load %arg4[%swap3A_239, %swap3A_240, %swap3A_241] : memref<1x256x16xi32, #tpu.memory_space<vmem>>, vector<1x256x1xi32>
    %swap3A_243 = vector.shape_cast %swap3A_242 : vector<1x256x1xi32> to vector<256x1xi32>
    %swap3A_244 = vector.shape_cast %add3A_238 : vector<256x1xi32> to vector<1x256x1xi32>
    tpu.vector_store %arg4[%swap3A_239, %swap3A_240, %swap3A_241], %swap3A_244 {strides = array<i32>} : memref<1x256x16xi32, #tpu.memory_space<vmem>>, vector<1x256x1xi32>,
    %jit3A_245 = arith.constant 1.000000e+09 : f32
    %broadcast_in_dim3A_246 = vector.broadcast %jit3A_245 : f32 to vector<256x2048xf32>
    %select_n3A_247 = arith.select %eq3A_229, %broadcast_in_dim3A_246, %select_n3A_216 : vector<256x2048xi1>, vector<256x2048xf32>
    %reduce_min3A_248 = arith.constant dense<0x7F800000> : vector<256xf32>
    %reduce_min3A_249 = vector.multi_reduction <minimumf>, %select_n3A_247, %reduce_min3A_248 [1] : vector<256x2048xf32> to vector<256xf32>
    %broadcast_in_dim3A_250 = vector.shape_cast %reduce_min3A_249 : vector<256xf32> to vector<256x1xf32>
    %eq3A_251 = vector.broadcast %broadcast_in_dim3A_250 : vector<256x1xf32> to vector<256x2048xf32>
    %eq3A_252 = arith.cmpf oeq, %select_n3A_247, %eq3A_251 : vector<256x2048xf32>
    %jit3A_253 = arith.constant 2.048000e+03 : f32
    %broadcast_in_dim3A_254 = vector.broadcast %jit3A_253 : f32 to vector<256x2048xf32>
    %select_n3A_255 = arith.select %eq3A_252, %convert_element_type3A, %broadcast_in_dim3A_254 : vector<256x2048xi1>, vector<256x2048xf32>
    %reduce_min3A_256 = arith.constant dense<0x7F800000> : vector<256xf32>
    %reduce_min3A_257 = vector.multi_reduction <minimumf>, %select_n3A_255, %reduce_min3A_256 [1] : vector<256x2048xf32> to vector<256xf32>
    %broadcast_in_dim3A_258 = vector.shape_cast %reduce_min3A_257 : vector<256xf32> to vector<256x1xf32>
    %eq3A_259 = vector.broadcast %broadcast_in_dim3A_258 : vector<256x1xf32> to vector<256x2048xf32>
    %eq3A_260 = arith.cmpf oeq, %convert_element_type3A, %eq3A_259 : vector<256x2048xf32>
    %add3A_261 = arith.constant 9.99999996E-13 : f32
    %add3A_262 = vector.broadcast %add3A_261 : f32 to vector<256x1xf32>
    %add3A_263 = arith.addf %broadcast_in_dim3A_250, %add3A_262 : vector<256x1xf32>
    %sqrt3A_264 = math.sqrt %add3A_263 : vector<256x1xf32>
    %convert_element_type3A_265 = arith.fptosi %broadcast_in_dim3A_258 : vector<256x1xf32> to vector<256x1xi32>
    %mul3A_266 = arith.constant 2048 : i32
    %mul3A_267 = arith.muli %arg0, %mul3A_266 : i32
    %add3A_268 = vector.broadcast %mul3A_267 : i32 to vector<256x1xi32>
    %add3A_269 = arith.addi %convert_element_type3A_265, %add3A_268 : vector<256x1xi32>
    %swap3A_270 = arith.constant 0 : index
    %swap3A_271 = arith.constant 0 : index
    %swap3A_272 = arith.constant 7 : index
    %swap3A_273 = vector.load %arg4[%swap3A_270, %swap3A_271, %swap3A_272] : memref<1x256x16xi32, #tpu.memory_space<vmem>>, vector<1x256x1xi32>
    %swap3A_274 = vector.shape_cast %swap3A_273 : vector<1x256x1xi32> to vector<256x1xi32>
    %swap3A_275 = vector.shape_cast %add3A_269 : vector<256x1xi32> to vector<1x256x1xi32>
    tpu.vector_store %arg4[%swap3A_270, %swap3A_271, %swap3A_272], %swap3A_275 {strides = array<i32>} : memref<1x256x16xi32, #tpu.memory_space<vmem>>, vector<1x256x1xi32>,
    %jit3A_276 = arith.constant 1.000000e+09 : f32
    %broadcast_in_dim3A_277 = vector.broadcast %jit3A_276 : f32 to vector<256x2048xf32>
    %select_n3A_278 = arith.select %eq3A_260, %broadcast_in_dim3A_277, %select_n3A_247 : vector<256x2048xi1>, vector<256x2048xf32>
    %reduce_min3A_279 = arith.constant dense<0x7F800000> : vector<256xf32>
    %reduce_min3A_280 = vector.multi_reduction <minimumf>, %select_n3A_278, %reduce_min3A_279 [1] : vector<256x2048xf32> to vector<256xf32>
    %broadcast_in_dim3A_281 = vector.shape_cast %reduce_min3A_280 : vector<256xf32> to vector<256x1xf32>
    %eq3A_282 = vector.broadcast %broadcast_in_dim3A_281 : vector<256x1xf32> to vector<256x2048xf32>
    %eq3A_283 = arith.cmpf oeq, %select_n3A_278, %eq3A_282 : vector<256x2048xf32>
    %jit3A_284 = arith.constant 2.048000e+03 : f32
    %broadcast_in_dim3A_285 = vector.broadcast %jit3A_284 : f32 to vector<256x2048xf32>
    %select_n3A_286 = arith.select %eq3A_283, %convert_element_type3A, %broadcast_in_dim3A_285 : vector<256x2048xi1>, vector<256x2048xf32>
    %reduce_min3A_287 = arith.constant dense<0x7F800000> : vector<256xf32>
    %reduce_min3A_288 = vector.multi_reduction <minimumf>, %select_n3A_286, %reduce_min3A_287 [1] : vector<256x2048xf32> to vector<256xf32>
    %broadcast_in_dim3A_289 = vector.shape_cast %reduce_min3A_288 : vector<256xf32> to vector<256x1xf32>
    %eq3A_290 = vector.broadcast %broadcast_in_dim3A_289 : vector<256x1xf32> to vector<256x2048xf32>
    %eq3A_291 = arith.cmpf oeq, %convert_element_type3A, %eq3A_290 : vector<256x2048xf32>
    %add3A_292 = arith.constant 9.99999996E-13 : f32
    %add3A_293 = vector.broadcast %add3A_292 : f32 to vector<256x1xf32>
    %add3A_294 = arith.addf %broadcast_in_dim3A_281, %add3A_293 : vector<256x1xf32>
    %sqrt3A_295 = math.sqrt %add3A_294 : vector<256x1xf32>
    %convert_element_type3A_296 = arith.fptosi %broadcast_in_dim3A_289 : vector<256x1xf32> to vector<256x1xi32>
    %mul3A_297 = arith.constant 2048 : i32
    %mul3A_298 = arith.muli %arg0, %mul3A_297 : i32
    %add3A_299 = vector.broadcast %mul3A_298 : i32 to vector<256x1xi32>
    %add3A_300 = arith.addi %convert_element_type3A_296, %add3A_299 : vector<256x1xi32>
    %swap3A_301 = arith.constant 0 : index
    %swap3A_302 = arith.constant 0 : index
    %swap3A_303 = arith.constant 8 : index
    %swap3A_304 = vector.load %arg4[%swap3A_301, %swap3A_302, %swap3A_303] : memref<1x256x16xi32, #tpu.memory_space<vmem>>, vector<1x256x1xi32>
    %swap3A_305 = vector.shape_cast %swap3A_304 : vector<1x256x1xi32> to vector<256x1xi32>
    %swap3A_306 = vector.shape_cast %add3A_300 : vector<256x1xi32> to vector<1x256x1xi32>
    tpu.vector_store %arg4[%swap3A_301, %swap3A_302, %swap3A_303], %swap3A_306 {strides = array<i32>} : memref<1x256x16xi32, #tpu.memory_space<vmem>>, vector<1x256x1xi32>,
    %jit3A_307 = arith.constant 1.000000e+09 : f32
    %broadcast_in_dim3A_308 = vector.broadcast %jit3A_307 : f32 to vector<256x2048xf32>
    %select_n3A_309 = arith.select %eq3A_291, %broadcast_in_dim3A_308, %select_n3A_278 : vector<256x2048xi1>, vector<256x2048xf32>
    %reduce_min3A_310 = arith.constant dense<0x7F800000> : vector<256xf32>
    %reduce_min3A_311 = vector.multi_reduction <minimumf>, %select_n3A_309, %reduce_min3A_310 [1] : vector<256x2048xf32> to vector<256xf32>
    %broadcast_in_dim3A_312 = vector.shape_cast %reduce_min3A_311 : vector<256xf32> to vector<256x1xf32>
    %eq3A_313 = vector.broadcast %broadcast_in_dim3A_312 : vector<256x1xf32> to vector<256x2048xf32>
    %eq3A_314 = arith.cmpf oeq, %select_n3A_309, %eq3A_313 : vector<256x2048xf32>
    %jit3A_315 = arith.constant 2.048000e+03 : f32
    %broadcast_in_dim3A_316 = vector.broadcast %jit3A_315 : f32 to vector<256x2048xf32>
    %select_n3A_317 = arith.select %eq3A_314, %convert_element_type3A, %broadcast_in_dim3A_316 : vector<256x2048xi1>, vector<256x2048xf32>
    %reduce_min3A_318 = arith.constant dense<0x7F800000> : vector<256xf32>
    %reduce_min3A_319 = vector.multi_reduction <minimumf>, %select_n3A_317, %reduce_min3A_318 [1] : vector<256x2048xf32> to vector<256xf32>
    %broadcast_in_dim3A_320 = vector.shape_cast %reduce_min3A_319 : vector<256xf32> to vector<256x1xf32>
    %eq3A_321 = vector.broadcast %broadcast_in_dim3A_320 : vector<256x1xf32> to vector<256x2048xf32>
    %eq3A_322 = arith.cmpf oeq, %convert_element_type3A, %eq3A_321 : vector<256x2048xf32>
    %add3A_323 = arith.constant 9.99999996E-13 : f32
    %add3A_324 = vector.broadcast %add3A_323 : f32 to vector<256x1xf32>
    %add3A_325 = arith.addf %broadcast_in_dim3A_312, %add3A_324 : vector<256x1xf32>
    %sqrt3A_326 = math.sqrt %add3A_325 : vector<256x1xf32>
    %convert_element_type3A_327 = arith.fptosi %broadcast_in_dim3A_320 : vector<256x1xf32> to vector<256x1xi32>
    %mul3A_328 = arith.constant 2048 : i32
    %mul3A_329 = arith.muli %arg0, %mul3A_328 : i32
    %add3A_330 = vector.broadcast %mul3A_329 : i32 to vector<256x1xi32>
    %add3A_331 = arith.addi %convert_element_type3A_327, %add3A_330 : vector<256x1xi32>
    %swap3A_332 = arith.constant 0 : index
    %swap3A_333 = arith.constant 0 : index
    %swap3A_334 = arith.constant 9 : index
    %swap3A_335 = vector.load %arg4[%swap3A_332, %swap3A_333, %swap3A_334] : memref<1x256x16xi32, #tpu.memory_space<vmem>>, vector<1x256x1xi32>
    %swap3A_336 = vector.shape_cast %swap3A_335 : vector<1x256x1xi32> to vector<256x1xi32>
    %swap3A_337 = vector.shape_cast %add3A_331 : vector<256x1xi32> to vector<1x256x1xi32>
    tpu.vector_store %arg4[%swap3A_332, %swap3A_333, %swap3A_334], %swap3A_337 {strides = array<i32>} : memref<1x256x16xi32, #tpu.memory_space<vmem>>, vector<1x256x1xi32>,
    %jit3A_338 = arith.constant 1.000000e+09 : f32
    %broadcast_in_dim3A_339 = vector.broadcast %jit3A_338 : f32 to vector<256x2048xf32>
    %select_n3A_340 = arith.select %eq3A_322, %broadcast_in_dim3A_339, %select_n3A_309 : vector<256x2048xi1>, vector<256x2048xf32>
    %reduce_min3A_341 = arith.constant dense<0x7F800000> : vector<256xf32>
    %reduce_min3A_342 = vector.multi_reduction <minimumf>, %select_n3A_340, %reduce_min3A_341 [1] : vector<256x2048xf32> to vector<256xf32>
    %broadcast_in_dim3A_343 = vector.shape_cast %reduce_min3A_342 : vector<256xf32> to vector<256x1xf32>
    %eq3A_344 = vector.broadcast %broadcast_in_dim3A_343 : vector<256x1xf32> to vector<256x2048xf32>
    %eq3A_345 = arith.cmpf oeq, %select_n3A_340, %eq3A_344 : vector<256x2048xf32>
    %jit3A_346 = arith.constant 2.048000e+03 : f32
    %broadcast_in_dim3A_347 = vector.broadcast %jit3A_346 : f32 to vector<256x2048xf32>
    %select_n3A_348 = arith.select %eq3A_345, %convert_element_type3A, %broadcast_in_dim3A_347 : vector<256x2048xi1>, vector<256x2048xf32>
    %reduce_min3A_349 = arith.constant dense<0x7F800000> : vector<256xf32>
    %reduce_min3A_350 = vector.multi_reduction <minimumf>, %select_n3A_348, %reduce_min3A_349 [1] : vector<256x2048xf32> to vector<256xf32>
    %broadcast_in_dim3A_351 = vector.shape_cast %reduce_min3A_350 : vector<256xf32> to vector<256x1xf32>
    %eq3A_352 = vector.broadcast %broadcast_in_dim3A_351 : vector<256x1xf32> to vector<256x2048xf32>
    %eq3A_353 = arith.cmpf oeq, %convert_element_type3A, %eq3A_352 : vector<256x2048xf32>
    %add3A_354 = arith.constant 9.99999996E-13 : f32
    %add3A_355 = vector.broadcast %add3A_354 : f32 to vector<256x1xf32>
    %add3A_356 = arith.addf %broadcast_in_dim3A_343, %add3A_355 : vector<256x1xf32>
    %sqrt3A_357 = math.sqrt %add3A_356 : vector<256x1xf32>
    %convert_element_type3A_358 = arith.fptosi %broadcast_in_dim3A_351 : vector<256x1xf32> to vector<256x1xi32>
    %mul3A_359 = arith.constant 2048 : i32
    %mul3A_360 = arith.muli %arg0, %mul3A_359 : i32
    %add3A_361 = vector.broadcast %mul3A_360 : i32 to vector<256x1xi32>
    %add3A_362 = arith.addi %convert_element_type3A_358, %add3A_361 : vector<256x1xi32>
    %swap3A_363 = arith.constant 0 : index
    %swap3A_364 = arith.constant 0 : index
    %swap3A_365 = arith.constant 10 : index
    %swap3A_366 = vector.load %arg4[%swap3A_363, %swap3A_364, %swap3A_365] : memref<1x256x16xi32, #tpu.memory_space<vmem>>, vector<1x256x1xi32>
    %swap3A_367 = vector.shape_cast %swap3A_366 : vector<1x256x1xi32> to vector<256x1xi32>
    %swap3A_368 = vector.shape_cast %add3A_362 : vector<256x1xi32> to vector<1x256x1xi32>
    tpu.vector_store %arg4[%swap3A_363, %swap3A_364, %swap3A_365], %swap3A_368 {strides = array<i32>} : memref<1x256x16xi32, #tpu.memory_space<vmem>>, vector<1x256x1xi32>,
    %jit3A_369 = arith.constant 1.000000e+09 : f32
    %broadcast_in_dim3A_370 = vector.broadcast %jit3A_369 : f32 to vector<256x2048xf32>
    %select_n3A_371 = arith.select %eq3A_353, %broadcast_in_dim3A_370, %select_n3A_340 : vector<256x2048xi1>, vector<256x2048xf32>
    %reduce_min3A_372 = arith.constant dense<0x7F800000> : vector<256xf32>
    %reduce_min3A_373 = vector.multi_reduction <minimumf>, %select_n3A_371, %reduce_min3A_372 [1] : vector<256x2048xf32> to vector<256xf32>
    %broadcast_in_dim3A_374 = vector.shape_cast %reduce_min3A_373 : vector<256xf32> to vector<256x1xf32>
    %eq3A_375 = vector.broadcast %broadcast_in_dim3A_374 : vector<256x1xf32> to vector<256x2048xf32>
    %eq3A_376 = arith.cmpf oeq, %select_n3A_371, %eq3A_375 : vector<256x2048xf32>
    %jit3A_377 = arith.constant 2.048000e+03 : f32
    %broadcast_in_dim3A_378 = vector.broadcast %jit3A_377 : f32 to vector<256x2048xf32>
    %select_n3A_379 = arith.select %eq3A_376, %convert_element_type3A, %broadcast_in_dim3A_378 : vector<256x2048xi1>, vector<256x2048xf32>
    %reduce_min3A_380 = arith.constant dense<0x7F800000> : vector<256xf32>
    %reduce_min3A_381 = vector.multi_reduction <minimumf>, %select_n3A_379, %reduce_min3A_380 [1] : vector<256x2048xf32> to vector<256xf32>
    %broadcast_in_dim3A_382 = vector.shape_cast %reduce_min3A_381 : vector<256xf32> to vector<256x1xf32>
    %eq3A_383 = vector.broadcast %broadcast_in_dim3A_382 : vector<256x1xf32> to vector<256x2048xf32>
    %eq3A_384 = arith.cmpf oeq, %convert_element_type3A, %eq3A_383 : vector<256x2048xf32>
    %add3A_385 = arith.constant 9.99999996E-13 : f32
    %add3A_386 = vector.broadcast %add3A_385 : f32 to vector<256x1xf32>
    %add3A_387 = arith.addf %broadcast_in_dim3A_374, %add3A_386 : vector<256x1xf32>
    %sqrt3A_388 = math.sqrt %add3A_387 : vector<256x1xf32>
    %convert_element_type3A_389 = arith.fptosi %broadcast_in_dim3A_382 : vector<256x1xf32> to vector<256x1xi32>
    %mul3A_390 = arith.constant 2048 : i32
    %mul3A_391 = arith.muli %arg0, %mul3A_390 : i32
    %add3A_392 = vector.broadcast %mul3A_391 : i32 to vector<256x1xi32>
    %add3A_393 = arith.addi %convert_element_type3A_389, %add3A_392 : vector<256x1xi32>
    %swap3A_394 = arith.constant 0 : index
    %swap3A_395 = arith.constant 0 : index
    %swap3A_396 = arith.constant 11 : index
    %swap3A_397 = vector.load %arg4[%swap3A_394, %swap3A_395, %swap3A_396] : memref<1x256x16xi32, #tpu.memory_space<vmem>>, vector<1x256x1xi32>
    %swap3A_398 = vector.shape_cast %swap3A_397 : vector<1x256x1xi32> to vector<256x1xi32>
    %swap3A_399 = vector.shape_cast %add3A_393 : vector<256x1xi32> to vector<1x256x1xi32>
    tpu.vector_store %arg4[%swap3A_394, %swap3A_395, %swap3A_396], %swap3A_399 {strides = array<i32>} : memref<1x256x16xi32, #tpu.memory_space<vmem>>, vector<1x256x1xi32>,
    %jit3A_400 = arith.constant 1.000000e+09 : f32
    %broadcast_in_dim3A_401 = vector.broadcast %jit3A_400 : f32 to vector<256x2048xf32>
    %select_n3A_402 = arith.select %eq3A_384, %broadcast_in_dim3A_401, %select_n3A_371 : vector<256x2048xi1>, vector<256x2048xf32>
    %reduce_min3A_403 = arith.constant dense<0x7F800000> : vector<256xf32>
    %reduce_min3A_404 = vector.multi_reduction <minimumf>, %select_n3A_402, %reduce_min3A_403 [1] : vector<256x2048xf32> to vector<256xf32>
    %broadcast_in_dim3A_405 = vector.shape_cast %reduce_min3A_404 : vector<256xf32> to vector<256x1xf32>
    %eq3A_406 = vector.broadcast %broadcast_in_dim3A_405 : vector<256x1xf32> to vector<256x2048xf32>
    %eq3A_407 = arith.cmpf oeq, %select_n3A_402, %eq3A_406 : vector<256x2048xf32>
    %jit3A_408 = arith.constant 2.048000e+03 : f32
    %broadcast_in_dim3A_409 = vector.broadcast %jit3A_408 : f32 to vector<256x2048xf32>
    %select_n3A_410 = arith.select %eq3A_407, %convert_element_type3A, %broadcast_in_dim3A_409 : vector<256x2048xi1>, vector<256x2048xf32>
    %reduce_min3A_411 = arith.constant dense<0x7F800000> : vector<256xf32>
    %reduce_min3A_412 = vector.multi_reduction <minimumf>, %select_n3A_410, %reduce_min3A_411 [1] : vector<256x2048xf32> to vector<256xf32>
    %broadcast_in_dim3A_413 = vector.shape_cast %reduce_min3A_412 : vector<256xf32> to vector<256x1xf32>
    %eq3A_414 = vector.broadcast %broadcast_in_dim3A_413 : vector<256x1xf32> to vector<256x2048xf32>
    %eq3A_415 = arith.cmpf oeq, %convert_element_type3A, %eq3A_414 : vector<256x2048xf32>
    %add3A_416 = arith.constant 9.99999996E-13 : f32
    %add3A_417 = vector.broadcast %add3A_416 : f32 to vector<256x1xf32>
    %add3A_418 = arith.addf %broadcast_in_dim3A_405, %add3A_417 : vector<256x1xf32>
    %sqrt3A_419 = math.sqrt %add3A_418 : vector<256x1xf32>
    %convert_element_type3A_420 = arith.fptosi %broadcast_in_dim3A_413 : vector<256x1xf32> to vector<256x1xi32>
    %mul3A_421 = arith.constant 2048 : i32
    %mul3A_422 = arith.muli %arg0, %mul3A_421 : i32
    %add3A_423 = vector.broadcast %mul3A_422 : i32 to vector<256x1xi32>
    %add3A_424 = arith.addi %convert_element_type3A_420, %add3A_423 : vector<256x1xi32>
    %swap3A_425 = arith.constant 0 : index
    %swap3A_426 = arith.constant 0 : index
    %swap3A_427 = arith.constant 12 : index
    %swap3A_428 = vector.load %arg4[%swap3A_425, %swap3A_426, %swap3A_427] : memref<1x256x16xi32, #tpu.memory_space<vmem>>, vector<1x256x1xi32>
    %swap3A_429 = vector.shape_cast %swap3A_428 : vector<1x256x1xi32> to vector<256x1xi32>
    %swap3A_430 = vector.shape_cast %add3A_424 : vector<256x1xi32> to vector<1x256x1xi32>
    tpu.vector_store %arg4[%swap3A_425, %swap3A_426, %swap3A_427], %swap3A_430 {strides = array<i32>} : memref<1x256x16xi32, #tpu.memory_space<vmem>>, vector<1x256x1xi32>,
    %jit3A_431 = arith.constant 1.000000e+09 : f32
    %broadcast_in_dim3A_432 = vector.broadcast %jit3A_431 : f32 to vector<256x2048xf32>
    %select_n3A_433 = arith.select %eq3A_415, %broadcast_in_dim3A_432, %select_n3A_402 : vector<256x2048xi1>, vector<256x2048xf32>
    %reduce_min3A_434 = arith.constant dense<0x7F800000> : vector<256xf32>
    %reduce_min3A_435 = vector.multi_reduction <minimumf>, %select_n3A_433, %reduce_min3A_434 [1] : vector<256x2048xf32> to vector<256xf32>
    %broadcast_in_dim3A_436 = vector.shape_cast %reduce_min3A_435 : vector<256xf32> to vector<256x1xf32>
    %eq3A_437 = vector.broadcast %broadcast_in_dim3A_436 : vector<256x1xf32> to vector<256x2048xf32>
    %eq3A_438 = arith.cmpf oeq, %select_n3A_433, %eq3A_437 : vector<256x2048xf32>
    %jit3A_439 = arith.constant 2.048000e+03 : f32
    %broadcast_in_dim3A_440 = vector.broadcast %jit3A_439 : f32 to vector<256x2048xf32>
    %select_n3A_441 = arith.select %eq3A_438, %convert_element_type3A, %broadcast_in_dim3A_440 : vector<256x2048xi1>, vector<256x2048xf32>
    %reduce_min3A_442 = arith.constant dense<0x7F800000> : vector<256xf32>
    %reduce_min3A_443 = vector.multi_reduction <minimumf>, %select_n3A_441, %reduce_min3A_442 [1] : vector<256x2048xf32> to vector<256xf32>
    %broadcast_in_dim3A_444 = vector.shape_cast %reduce_min3A_443 : vector<256xf32> to vector<256x1xf32>
    %eq3A_445 = vector.broadcast %broadcast_in_dim3A_444 : vector<256x1xf32> to vector<256x2048xf32>
    %eq3A_446 = arith.cmpf oeq, %convert_element_type3A, %eq3A_445 : vector<256x2048xf32>
    %add3A_447 = arith.constant 9.99999996E-13 : f32
    %add3A_448 = vector.broadcast %add3A_447 : f32 to vector<256x1xf32>
    %add3A_449 = arith.addf %broadcast_in_dim3A_436, %add3A_448 : vector<256x1xf32>
    %sqrt3A_450 = math.sqrt %add3A_449 : vector<256x1xf32>
    %convert_element_type3A_451 = arith.fptosi %broadcast_in_dim3A_444 : vector<256x1xf32> to vector<256x1xi32>
    %mul3A_452 = arith.constant 2048 : i32
    %mul3A_453 = arith.muli %arg0, %mul3A_452 : i32
    %add3A_454 = vector.broadcast %mul3A_453 : i32 to vector<256x1xi32>
    %add3A_455 = arith.addi %convert_element_type3A_451, %add3A_454 : vector<256x1xi32>
    %swap3A_456 = arith.constant 0 : index
    %swap3A_457 = arith.constant 0 : index
    %swap3A_458 = arith.constant 13 : index
    %swap3A_459 = vector.load %arg4[%swap3A_456, %swap3A_457, %swap3A_458] : memref<1x256x16xi32, #tpu.memory_space<vmem>>, vector<1x256x1xi32>
    %swap3A_460 = vector.shape_cast %swap3A_459 : vector<1x256x1xi32> to vector<256x1xi32>
    %swap3A_461 = vector.shape_cast %add3A_455 : vector<256x1xi32> to vector<1x256x1xi32>
    tpu.vector_store %arg4[%swap3A_456, %swap3A_457, %swap3A_458], %swap3A_461 {strides = array<i32>} : memref<1x256x16xi32, #tpu.memory_space<vmem>>, vector<1x256x1xi32>,
    %jit3A_462 = arith.constant 1.000000e+09 : f32
    %broadcast_in_dim3A_463 = vector.broadcast %jit3A_462 : f32 to vector<256x2048xf32>
    %select_n3A_464 = arith.select %eq3A_446, %broadcast_in_dim3A_463, %select_n3A_433 : vector<256x2048xi1>, vector<256x2048xf32>
    %reduce_min3A_465 = arith.constant dense<0x7F800000> : vector<256xf32>
    %reduce_min3A_466 = vector.multi_reduction <minimumf>, %select_n3A_464, %reduce_min3A_465 [1] : vector<256x2048xf32> to vector<256xf32>
    %broadcast_in_dim3A_467 = vector.shape_cast %reduce_min3A_466 : vector<256xf32> to vector<256x1xf32>
    %eq3A_468 = vector.broadcast %broadcast_in_dim3A_467 : vector<256x1xf32> to vector<256x2048xf32>
    %eq3A_469 = arith.cmpf oeq, %select_n3A_464, %eq3A_468 : vector<256x2048xf32>
    %jit3A_470 = arith.constant 2.048000e+03 : f32
    %broadcast_in_dim3A_471 = vector.broadcast %jit3A_470 : f32 to vector<256x2048xf32>
    %select_n3A_472 = arith.select %eq3A_469, %convert_element_type3A, %broadcast_in_dim3A_471 : vector<256x2048xi1>, vector<256x2048xf32>
    %reduce_min3A_473 = arith.constant dense<0x7F800000> : vector<256xf32>
    %reduce_min3A_474 = vector.multi_reduction <minimumf>, %select_n3A_472, %reduce_min3A_473 [1] : vector<256x2048xf32> to vector<256xf32>
    %broadcast_in_dim3A_475 = vector.shape_cast %reduce_min3A_474 : vector<256xf32> to vector<256x1xf32>
    %eq3A_476 = vector.broadcast %broadcast_in_dim3A_475 : vector<256x1xf32> to vector<256x2048xf32>
    %eq3A_477 = arith.cmpf oeq, %convert_element_type3A, %eq3A_476 : vector<256x2048xf32>
    %add3A_478 = arith.constant 9.99999996E-13 : f32
    %add3A_479 = vector.broadcast %add3A_478 : f32 to vector<256x1xf32>
    %add3A_480 = arith.addf %broadcast_in_dim3A_467, %add3A_479 : vector<256x1xf32>
    %sqrt3A_481 = math.sqrt %add3A_480 : vector<256x1xf32>
    %convert_element_type3A_482 = arith.fptosi %broadcast_in_dim3A_475 : vector<256x1xf32> to vector<256x1xi32>
    %mul3A_483 = arith.constant 2048 : i32
    %mul3A_484 = arith.muli %arg0, %mul3A_483 : i32
    %add3A_485 = vector.broadcast %mul3A_484 : i32 to vector<256x1xi32>
    %add3A_486 = arith.addi %convert_element_type3A_482, %add3A_485 : vector<256x1xi32>
    %swap3A_487 = arith.constant 0 : index
    %swap3A_488 = arith.constant 0 : index
    %swap3A_489 = arith.constant 14 : index
    %swap3A_490 = vector.load %arg4[%swap3A_487, %swap3A_488, %swap3A_489] : memref<1x256x16xi32, #tpu.memory_space<vmem>>, vector<1x256x1xi32>
    %swap3A_491 = vector.shape_cast %swap3A_490 : vector<1x256x1xi32> to vector<256x1xi32>
    %swap3A_492 = vector.shape_cast %add3A_486 : vector<256x1xi32> to vector<1x256x1xi32>
    tpu.vector_store %arg4[%swap3A_487, %swap3A_488, %swap3A_489], %swap3A_492 {strides = array<i32>} : memref<1x256x16xi32, #tpu.memory_space<vmem>>, vector<1x256x1xi32>,
    %jit3A_493 = arith.constant 1.000000e+09 : f32
    %broadcast_in_dim3A_494 = vector.broadcast %jit3A_493 : f32 to vector<256x2048xf32>
    %select_n3A_495 = arith.select %eq3A_477, %broadcast_in_dim3A_494, %select_n3A_464 : vector<256x2048xi1>, vector<256x2048xf32>
    %reduce_min3A_496 = arith.constant dense<0x7F800000> : vector<256xf32>
    %reduce_min3A_497 = vector.multi_reduction <minimumf>, %select_n3A_495, %reduce_min3A_496 [1] : vector<256x2048xf32> to vector<256xf32>
    %broadcast_in_dim3A_498 = vector.shape_cast %reduce_min3A_497 : vector<256xf32> to vector<256x1xf32>
    %eq3A_499 = vector.broadcast %broadcast_in_dim3A_498 : vector<256x1xf32> to vector<256x2048xf32>
    %eq3A_500 = arith.cmpf oeq, %select_n3A_495, %eq3A_499 : vector<256x2048xf32>
    %jit3A_501 = arith.constant 2.048000e+03 : f32
    %broadcast_in_dim3A_502 = vector.broadcast %jit3A_501 : f32 to vector<256x2048xf32>
    %select_n3A_503 = arith.select %eq3A_500, %convert_element_type3A, %broadcast_in_dim3A_502 : vector<256x2048xi1>, vector<256x2048xf32>
    %reduce_min3A_504 = arith.constant dense<0x7F800000> : vector<256xf32>
    %reduce_min3A_505 = vector.multi_reduction <minimumf>, %select_n3A_503, %reduce_min3A_504 [1] : vector<256x2048xf32> to vector<256xf32>
    %broadcast_in_dim3A_506 = vector.shape_cast %reduce_min3A_505 : vector<256xf32> to vector<256x1xf32>
    %add3A_507 = arith.constant 9.99999996E-13 : f32
    %add3A_508 = vector.broadcast %add3A_507 : f32 to vector<256x1xf32>
    %add3A_509 = arith.addf %broadcast_in_dim3A_498, %add3A_508 : vector<256x1xf32>
    %sqrt3A_510 = math.sqrt %add3A_509 : vector<256x1xf32>
    %convert_element_type3A_511 = arith.fptosi %broadcast_in_dim3A_506 : vector<256x1xf32> to vector<256x1xi32>
    %mul3A_512 = arith.constant 2048 : i32
    %mul3A_513 = arith.muli %arg0, %mul3A_512 : i32
    %add3A_514 = vector.broadcast %mul3A_513 : i32 to vector<256x1xi32>
    %add3A_515 = arith.addi %convert_element_type3A_511, %add3A_514 : vector<256x1xi32>
    %swap3A_516 = arith.constant 0 : index
    %swap3A_517 = arith.constant 0 : index
    %swap3A_518 = arith.constant 15 : index
    %swap3A_519 = vector.load %arg4[%swap3A_516, %swap3A_517, %swap3A_518] : memref<1x256x16xi32, #tpu.memory_space<vmem>>, vector<1x256x1xi32>
    %swap3A_520 = vector.shape_cast %swap3A_519 : vector<1x256x1xi32> to vector<256x1xi32>
    %swap3A_521 = vector.shape_cast %add3A_515 : vector<256x1xi32> to vector<1x256x1xi32>
    tpu.vector_store %arg4[%swap3A_516, %swap3A_517, %swap3A_518], %swap3A_521 {strides = array<i32>} : memref<1x256x16xi32, #tpu.memory_space<vmem>>, vector<1x256x1xi32>,
    %concatenate3A = tpu.concatenate %sqrt3A, %sqrt3A_78, %sqrt3A_109, %sqrt3A_140, %sqrt3A_171, %sqrt3A_202, %sqrt3A_233, %sqrt3A_264, %sqrt3A_295, %sqrt3A_326, %sqrt3A_357, %sqrt3A_388, %sqrt3A_419, %sqrt3A_450, %sqrt3A_481, %sqrt3A_510 in 1 : vector<256x1xf32>, vector<256x1xf32>, vector<256x1xf32>, vector<256x1xf32>, vector<256x1xf32>, vector<256x1xf32>, vector<256x1xf32>, vector<256x1xf32>, vector<256x1xf32>, vector<256x1xf32>, vector<256x1xf32>, vector<256x1xf32>, vector<256x1xf32>, vector<256x1xf32>, vector<256x1xf32>, vector<256x1xf32> -> vector<256x16xf32>
    %div3A = arith.constant 5.000000e+00 : f32
    %div3A_522 = vector.broadcast %div3A : f32 to vector<256x16xf32>
    %div3A_523 = arith.divf %concatenate3A, %div3A_522 : vector<256x16xf32>
    %jit3A_524 = arith.constant 0.000000e+00 : f32
    %jit3A_525 = arith.constant 1.000000e+00 : f32
    %max3A = vector.broadcast %jit3A_524 : f32 to vector<256x16xf32>
    %max3A_526 = arith.maximumf %max3A, %div3A_523 : vector<256x16xf32>
    %min3A = vector.broadcast %jit3A_525 : f32 to vector<256x16xf32>
    %min3A_527 = arith.minimumf %min3A, %max3A_526 : vector<256x16xf32>
    %mul3A_528 = arith.constant 3.14159274 : f32
    %mul3A_529 = vector.broadcast %mul3A_528 : f32 to vector<256x16xf32>
    %mul3A_530 = arith.mulf %mul3A_529, %min3A_527 : vector<256x16xf32>
    %cos3A = math.cos %mul3A_530 : vector<256x16xf32>
    %add3A_531 = arith.constant 1.000000e+00 : f32
    %add3A_532 = vector.broadcast %add3A_531 : f32 to vector<256x16xf32>
    %add3A_533 = arith.addf %cos3A, %add3A_532 : vector<256x16xf32>
    %mul3A_534 = arith.constant 5.000000e-01 : f32
    %mul3A_535 = vector.broadcast %mul3A_534 : f32 to vector<256x16xf32>
    %mul3A_536 = arith.mulf %mul3A_535, %add3A_533 : vector<256x16xf32>
    %neg3A = arith.constant 0.000000e+00 : f32
    %neg3A_537 = arith.constant 6.400000e+00 : f32
    %neg3A_538 = arith.subf %neg3A, %neg3A_537 : f32
    %sub3A_539 = vector.broadcast %sqrt3A : vector<256x1xf32> to vector<256x32xf32>
    %sub3A_540 = vector.broadcast %mul3A_33 : vector<1x32xf32> to vector<256x32xf32>
    %sub3A_541 = arith.subf %sub3A_539, %sub3A_540 : vector<256x32xf32>
    %integer_pow3A_542 = arith.mulf %sub3A_541, %sub3A_541 : vector<256x32xf32>
    %mul3A_543 = vector.broadcast %neg3A_538 : f32 to vector<256x32xf32>
    %mul3A_544 = arith.mulf %mul3A_543, %integer_pow3A_542 : vector<256x32xf32>
    %exp3A = math.exp %mul3A_544 : vector<256x32xf32>
    %slice3A_545 = vector.extract_strided_slice %mul3A_536 {offsets = [0, 0], sizes = [256, 1], strides = [1, 1]} : vector<256x16xf32> to vector<256x1xf32>
    %mul3A_546 = vector.broadcast %slice3A_545 : vector<256x1xf32> to vector<256x32xf32>
    %mul3A_547 = arith.mulf %exp3A, %mul3A_546 : vector<256x32xf32>
    %swap3A_548 = arith.constant 0 : index
    %swap3A_549 = arith.constant 0 : index
    %swap3A_550 = arith.constant 0 : index
    %swap3A_551 = arith.constant 0 : index
    %swap3A_552 = vector.load %arg5[%swap3A_548, %swap3A_549, %swap3A_550, %swap3A_551] : memref<1x16x256x32xf32, #tpu.memory_space<vmem>>, vector<1x1x256x32xf32>
    %swap3A_553 = vector.shape_cast %swap3A_552 : vector<1x1x256x32xf32> to vector<256x32xf32>
    %swap3A_554 = vector.shape_cast %mul3A_547 : vector<256x32xf32> to vector<1x1x256x32xf32>
    tpu.vector_store %arg5[%swap3A_548, %swap3A_549, %swap3A_550, %swap3A_551], %swap3A_554 {strides = array<i32>} : memref<1x16x256x32xf32, #tpu.memory_space<vmem>>, vector<1x1x256x32xf32>,
    %neg3A_555 = arith.constant 0.000000e+00 : f32
    %neg3A_556 = arith.constant 6.400000e+00 : f32
    %neg3A_557 = arith.subf %neg3A_555, %neg3A_556 : f32
    %sub3A_558 = vector.broadcast %sqrt3A_78 : vector<256x1xf32> to vector<256x32xf32>
    %sub3A_559 = vector.broadcast %mul3A_33 : vector<1x32xf32> to vector<256x32xf32>
    %sub3A_560 = arith.subf %sub3A_558, %sub3A_559 : vector<256x32xf32>
    %integer_pow3A_561 = arith.mulf %sub3A_560, %sub3A_560 : vector<256x32xf32>
    %mul3A_562 = vector.broadcast %neg3A_557 : f32 to vector<256x32xf32>
    %mul3A_563 = arith.mulf %mul3A_562, %integer_pow3A_561 : vector<256x32xf32>
    %exp3A_564 = math.exp %mul3A_563 : vector<256x32xf32>
    %slice3A_565 = vector.extract_strided_slice %mul3A_536 {offsets = [0, 1], sizes = [256, 1], strides = [1, 1]} : vector<256x16xf32> to vector<256x1xf32>
    %mul3A_566 = vector.broadcast %slice3A_565 : vector<256x1xf32> to vector<256x32xf32>
    %mul3A_567 = arith.mulf %exp3A_564, %mul3A_566 : vector<256x32xf32>
    %swap3A_568 = arith.constant 0 : index
    %swap3A_569 = arith.constant 1 : index
    %swap3A_570 = arith.constant 0 : index
    %swap3A_571 = arith.constant 0 : index
    %swap3A_572 = vector.load %arg5[%swap3A_568, %swap3A_569, %swap3A_570, %swap3A_571] : memref<1x16x256x32xf32, #tpu.memory_space<vmem>>, vector<1x1x256x32xf32>
    %swap3A_573 = vector.shape_cast %swap3A_572 : vector<1x1x256x32xf32> to vector<256x32xf32>
    %swap3A_574 = vector.shape_cast %mul3A_567 : vector<256x32xf32> to vector<1x1x256x32xf32>
    tpu.vector_store %arg5[%swap3A_568, %swap3A_569, %swap3A_570, %swap3A_571], %swap3A_574 {strides = array<i32>} : memref<1x16x256x32xf32, #tpu.memory_space<vmem>>, vector<1x1x256x32xf32>,
    %neg3A_575 = arith.constant 0.000000e+00 : f32
    %neg3A_576 = arith.constant 6.400000e+00 : f32
    %neg3A_577 = arith.subf %neg3A_575, %neg3A_576 : f32
    %sub3A_578 = vector.broadcast %sqrt3A_109 : vector<256x1xf32> to vector<256x32xf32>
    %sub3A_579 = vector.broadcast %mul3A_33 : vector<1x32xf32> to vector<256x32xf32>
    %sub3A_580 = arith.subf %sub3A_578, %sub3A_579 : vector<256x32xf32>
    %integer_pow3A_581 = arith.mulf %sub3A_580, %sub3A_580 : vector<256x32xf32>
    %mul3A_582 = vector.broadcast %neg3A_577 : f32 to vector<256x32xf32>
    %mul3A_583 = arith.mulf %mul3A_582, %integer_pow3A_581 : vector<256x32xf32>
    %exp3A_584 = math.exp %mul3A_583 : vector<256x32xf32>
    %slice3A_585 = vector.extract_strided_slice %mul3A_536 {offsets = [0, 2], sizes = [256, 1], strides = [1, 1]} : vector<256x16xf32> to vector<256x1xf32>
    %mul3A_586 = vector.broadcast %slice3A_585 : vector<256x1xf32> to vector<256x32xf32>
    %mul3A_587 = arith.mulf %exp3A_584, %mul3A_586 : vector<256x32xf32>
    %swap3A_588 = arith.constant 0 : index
    %swap3A_589 = arith.constant 2 : index
    %swap3A_590 = arith.constant 0 : index
    %swap3A_591 = arith.constant 0 : index
    %swap3A_592 = vector.load %arg5[%swap3A_588, %swap3A_589, %swap3A_590, %swap3A_591] : memref<1x16x256x32xf32, #tpu.memory_space<vmem>>, vector<1x1x256x32xf32>
    %swap3A_593 = vector.shape_cast %swap3A_592 : vector<1x1x256x32xf32> to vector<256x32xf32>
    %swap3A_594 = vector.shape_cast %mul3A_587 : vector<256x32xf32> to vector<1x1x256x32xf32>
    tpu.vector_store %arg5[%swap3A_588, %swap3A_589, %swap3A_590, %swap3A_591], %swap3A_594 {strides = array<i32>} : memref<1x16x256x32xf32, #tpu.memory_space<vmem>>, vector<1x1x256x32xf32>,
    %neg3A_595 = arith.constant 0.000000e+00 : f32
    %neg3A_596 = arith.constant 6.400000e+00 : f32
    %neg3A_597 = arith.subf %neg3A_595, %neg3A_596 : f32
    %sub3A_598 = vector.broadcast %sqrt3A_140 : vector<256x1xf32> to vector<256x32xf32>
    %sub3A_599 = vector.broadcast %mul3A_33 : vector<1x32xf32> to vector<256x32xf32>
    %sub3A_600 = arith.subf %sub3A_598, %sub3A_599 : vector<256x32xf32>
    %integer_pow3A_601 = arith.mulf %sub3A_600, %sub3A_600 : vector<256x32xf32>
    %mul3A_602 = vector.broadcast %neg3A_597 : f32 to vector<256x32xf32>
    %mul3A_603 = arith.mulf %mul3A_602, %integer_pow3A_601 : vector<256x32xf32>
    %exp3A_604 = math.exp %mul3A_603 : vector<256x32xf32>
    %slice3A_605 = vector.extract_strided_slice %mul3A_536 {offsets = [0, 3], sizes = [256, 1], strides = [1, 1]} : vector<256x16xf32> to vector<256x1xf32>
    %mul3A_606 = vector.broadcast %slice3A_605 : vector<256x1xf32> to vector<256x32xf32>
    %mul3A_607 = arith.mulf %exp3A_604, %mul3A_606 : vector<256x32xf32>
    %swap3A_608 = arith.constant 0 : index
    %swap3A_609 = arith.constant 3 : index
    %swap3A_610 = arith.constant 0 : index
    %swap3A_611 = arith.constant 0 : index
    %swap3A_612 = vector.load %arg5[%swap3A_608, %swap3A_609, %swap3A_610, %swap3A_611] : memref<1x16x256x32xf32, #tpu.memory_space<vmem>>, vector<1x1x256x32xf32>
    %swap3A_613 = vector.shape_cast %swap3A_612 : vector<1x1x256x32xf32> to vector<256x32xf32>
    %swap3A_614 = vector.shape_cast %mul3A_607 : vector<256x32xf32> to vector<1x1x256x32xf32>
    tpu.vector_store %arg5[%swap3A_608, %swap3A_609, %swap3A_610, %swap3A_611], %swap3A_614 {strides = array<i32>} : memref<1x16x256x32xf32, #tpu.memory_space<vmem>>, vector<1x1x256x32xf32>,
    %neg3A_615 = arith.constant 0.000000e+00 : f32
    %neg3A_616 = arith.constant 6.400000e+00 : f32
    %neg3A_617 = arith.subf %neg3A_615, %neg3A_616 : f32
    %sub3A_618 = vector.broadcast %sqrt3A_171 : vector<256x1xf32> to vector<256x32xf32>
    %sub3A_619 = vector.broadcast %mul3A_33 : vector<1x32xf32> to vector<256x32xf32>
    %sub3A_620 = arith.subf %sub3A_618, %sub3A_619 : vector<256x32xf32>
    %integer_pow3A_621 = arith.mulf %sub3A_620, %sub3A_620 : vector<256x32xf32>
    %mul3A_622 = vector.broadcast %neg3A_617 : f32 to vector<256x32xf32>
    %mul3A_623 = arith.mulf %mul3A_622, %integer_pow3A_621 : vector<256x32xf32>
    %exp3A_624 = math.exp %mul3A_623 : vector<256x32xf32>
    %slice3A_625 = vector.extract_strided_slice %mul3A_536 {offsets = [0, 4], sizes = [256, 1], strides = [1, 1]} : vector<256x16xf32> to vector<256x1xf32>
    %mul3A_626 = vector.broadcast %slice3A_625 : vector<256x1xf32> to vector<256x32xf32>
    %mul3A_627 = arith.mulf %exp3A_624, %mul3A_626 : vector<256x32xf32>
    %swap3A_628 = arith.constant 0 : index
    %swap3A_629 = arith.constant 4 : index
    %swap3A_630 = arith.constant 0 : index
    %swap3A_631 = arith.constant 0 : index
    %swap3A_632 = vector.load %arg5[%swap3A_628, %swap3A_629, %swap3A_630, %swap3A_631] : memref<1x16x256x32xf32, #tpu.memory_space<vmem>>, vector<1x1x256x32xf32>
    %swap3A_633 = vector.shape_cast %swap3A_632 : vector<1x1x256x32xf32> to vector<256x32xf32>
    %swap3A_634 = vector.shape_cast %mul3A_627 : vector<256x32xf32> to vector<1x1x256x32xf32>
    tpu.vector_store %arg5[%swap3A_628, %swap3A_629, %swap3A_630, %swap3A_631], %swap3A_634 {strides = array<i32>} : memref<1x16x256x32xf32, #tpu.memory_space<vmem>>, vector<1x1x256x32xf32>,
    %neg3A_635 = arith.constant 0.000000e+00 : f32
    %neg3A_636 = arith.constant 6.400000e+00 : f32
    %neg3A_637 = arith.subf %neg3A_635, %neg3A_636 : f32
    %sub3A_638 = vector.broadcast %sqrt3A_202 : vector<256x1xf32> to vector<256x32xf32>
    %sub3A_639 = vector.broadcast %mul3A_33 : vector<1x32xf32> to vector<256x32xf32>
    %sub3A_640 = arith.subf %sub3A_638, %sub3A_639 : vector<256x32xf32>
    %integer_pow3A_641 = arith.mulf %sub3A_640, %sub3A_640 : vector<256x32xf32>
    %mul3A_642 = vector.broadcast %neg3A_637 : f32 to vector<256x32xf32>
    %mul3A_643 = arith.mulf %mul3A_642, %integer_pow3A_641 : vector<256x32xf32>
    %exp3A_644 = math.exp %mul3A_643 : vector<256x32xf32>
    %slice3A_645 = vector.extract_strided_slice %mul3A_536 {offsets = [0, 5], sizes = [256, 1], strides = [1, 1]} : vector<256x16xf32> to vector<256x1xf32>
    %mul3A_646 = vector.broadcast %slice3A_645 : vector<256x1xf32> to vector<256x32xf32>
    %mul3A_647 = arith.mulf %exp3A_644, %mul3A_646 : vector<256x32xf32>
    %swap3A_648 = arith.constant 0 : index
    %swap3A_649 = arith.constant 5 : index
    %swap3A_650 = arith.constant 0 : index
    %swap3A_651 = arith.constant 0 : index
    %swap3A_652 = vector.load %arg5[%swap3A_648, %swap3A_649, %swap3A_650, %swap3A_651] : memref<1x16x256x32xf32, #tpu.memory_space<vmem>>, vector<1x1x256x32xf32>
    %swap3A_653 = vector.shape_cast %swap3A_652 : vector<1x1x256x32xf32> to vector<256x32xf32>
    %swap3A_654 = vector.shape_cast %mul3A_647 : vector<256x32xf32> to vector<1x1x256x32xf32>
    tpu.vector_store %arg5[%swap3A_648, %swap3A_649, %swap3A_650, %swap3A_651], %swap3A_654 {strides = array<i32>} : memref<1x16x256x32xf32, #tpu.memory_space<vmem>>, vector<1x1x256x32xf32>,
    %neg3A_655 = arith.constant 0.000000e+00 : f32
    %neg3A_656 = arith.constant 6.400000e+00 : f32
    %neg3A_657 = arith.subf %neg3A_655, %neg3A_656 : f32
    %sub3A_658 = vector.broadcast %sqrt3A_233 : vector<256x1xf32> to vector<256x32xf32>
    %sub3A_659 = vector.broadcast %mul3A_33 : vector<1x32xf32> to vector<256x32xf32>
    %sub3A_660 = arith.subf %sub3A_658, %sub3A_659 : vector<256x32xf32>
    %integer_pow3A_661 = arith.mulf %sub3A_660, %sub3A_660 : vector<256x32xf32>
    %mul3A_662 = vector.broadcast %neg3A_657 : f32 to vector<256x32xf32>
    %mul3A_663 = arith.mulf %mul3A_662, %integer_pow3A_661 : vector<256x32xf32>
    %exp3A_664 = math.exp %mul3A_663 : vector<256x32xf32>
    %slice3A_665 = vector.extract_strided_slice %mul3A_536 {offsets = [0, 6], sizes = [256, 1], strides = [1, 1]} : vector<256x16xf32> to vector<256x1xf32>
    %mul3A_666 = vector.broadcast %slice3A_665 : vector<256x1xf32> to vector<256x32xf32>
    %mul3A_667 = arith.mulf %exp3A_664, %mul3A_666 : vector<256x32xf32>
    %swap3A_668 = arith.constant 0 : index
    %swap3A_669 = arith.constant 6 : index
    %swap3A_670 = arith.constant 0 : index
    %swap3A_671 = arith.constant 0 : index
    %swap3A_672 = vector.load %arg5[%swap3A_668, %swap3A_669, %swap3A_670, %swap3A_671] : memref<1x16x256x32xf32, #tpu.memory_space<vmem>>, vector<1x1x256x32xf32>
    %swap3A_673 = vector.shape_cast %swap3A_672 : vector<1x1x256x32xf32> to vector<256x32xf32>
    %swap3A_674 = vector.shape_cast %mul3A_667 : vector<256x32xf32> to vector<1x1x256x32xf32>
    tpu.vector_store %arg5[%swap3A_668, %swap3A_669, %swap3A_670, %swap3A_671], %swap3A_674 {strides = array<i32>} : memref<1x16x256x32xf32, #tpu.memory_space<vmem>>, vector<1x1x256x32xf32>,
    %neg3A_675 = arith.constant 0.000000e+00 : f32
    %neg3A_676 = arith.constant 6.400000e+00 : f32
    %neg3A_677 = arith.subf %neg3A_675, %neg3A_676 : f32
    %sub3A_678 = vector.broadcast %sqrt3A_264 : vector<256x1xf32> to vector<256x32xf32>
    %sub3A_679 = vector.broadcast %mul3A_33 : vector<1x32xf32> to vector<256x32xf32>
    %sub3A_680 = arith.subf %sub3A_678, %sub3A_679 : vector<256x32xf32>
    %integer_pow3A_681 = arith.mulf %sub3A_680, %sub3A_680 : vector<256x32xf32>
    %mul3A_682 = vector.broadcast %neg3A_677 : f32 to vector<256x32xf32>
    %mul3A_683 = arith.mulf %mul3A_682, %integer_pow3A_681 : vector<256x32xf32>
    %exp3A_684 = math.exp %mul3A_683 : vector<256x32xf32>
    %slice3A_685 = vector.extract_strided_slice %mul3A_536 {offsets = [0, 7], sizes = [256, 1], strides = [1, 1]} : vector<256x16xf32> to vector<256x1xf32>
    %mul3A_686 = vector.broadcast %slice3A_685 : vector<256x1xf32> to vector<256x32xf32>
    %mul3A_687 = arith.mulf %exp3A_684, %mul3A_686 : vector<256x32xf32>
    %swap3A_688 = arith.constant 0 : index
    %swap3A_689 = arith.constant 7 : index
    %swap3A_690 = arith.constant 0 : index
    %swap3A_691 = arith.constant 0 : index
    %swap3A_692 = vector.load %arg5[%swap3A_688, %swap3A_689, %swap3A_690, %swap3A_691] : memref<1x16x256x32xf32, #tpu.memory_space<vmem>>, vector<1x1x256x32xf32>
    %swap3A_693 = vector.shape_cast %swap3A_692 : vector<1x1x256x32xf32> to vector<256x32xf32>
    %swap3A_694 = vector.shape_cast %mul3A_687 : vector<256x32xf32> to vector<1x1x256x32xf32>
    tpu.vector_store %arg5[%swap3A_688, %swap3A_689, %swap3A_690, %swap3A_691], %swap3A_694 {strides = array<i32>} : memref<1x16x256x32xf32, #tpu.memory_space<vmem>>, vector<1x1x256x32xf32>,
    %neg3A_695 = arith.constant 0.000000e+00 : f32
    %neg3A_696 = arith.constant 6.400000e+00 : f32
    %neg3A_697 = arith.subf %neg3A_695, %neg3A_696 : f32
    %sub3A_698 = vector.broadcast %sqrt3A_295 : vector<256x1xf32> to vector<256x32xf32>
    %sub3A_699 = vector.broadcast %mul3A_33 : vector<1x32xf32> to vector<256x32xf32>
    %sub3A_700 = arith.subf %sub3A_698, %sub3A_699 : vector<256x32xf32>
    %integer_pow3A_701 = arith.mulf %sub3A_700, %sub3A_700 : vector<256x32xf32>
    %mul3A_702 = vector.broadcast %neg3A_697 : f32 to vector<256x32xf32>
    %mul3A_703 = arith.mulf %mul3A_702, %integer_pow3A_701 : vector<256x32xf32>
    %exp3A_704 = math.exp %mul3A_703 : vector<256x32xf32>
    %slice3A_705 = vector.extract_strided_slice %mul3A_536 {offsets = [0, 8], sizes = [256, 1], strides = [1, 1]} : vector<256x16xf32> to vector<256x1xf32>
    %mul3A_706 = vector.broadcast %slice3A_705 : vector<256x1xf32> to vector<256x32xf32>
    %mul3A_707 = arith.mulf %exp3A_704, %mul3A_706 : vector<256x32xf32>
    %swap3A_708 = arith.constant 0 : index
    %swap3A_709 = arith.constant 8 : index
    %swap3A_710 = arith.constant 0 : index
    %swap3A_711 = arith.constant 0 : index
    %swap3A_712 = vector.load %arg5[%swap3A_708, %swap3A_709, %swap3A_710, %swap3A_711] : memref<1x16x256x32xf32, #tpu.memory_space<vmem>>, vector<1x1x256x32xf32>
    %swap3A_713 = vector.shape_cast %swap3A_712 : vector<1x1x256x32xf32> to vector<256x32xf32>
    %swap3A_714 = vector.shape_cast %mul3A_707 : vector<256x32xf32> to vector<1x1x256x32xf32>
    tpu.vector_store %arg5[%swap3A_708, %swap3A_709, %swap3A_710, %swap3A_711], %swap3A_714 {strides = array<i32>} : memref<1x16x256x32xf32, #tpu.memory_space<vmem>>, vector<1x1x256x32xf32>,
    %neg3A_715 = arith.constant 0.000000e+00 : f32
    %neg3A_716 = arith.constant 6.400000e+00 : f32
    %neg3A_717 = arith.subf %neg3A_715, %neg3A_716 : f32
    %sub3A_718 = vector.broadcast %sqrt3A_326 : vector<256x1xf32> to vector<256x32xf32>
    %sub3A_719 = vector.broadcast %mul3A_33 : vector<1x32xf32> to vector<256x32xf32>
    %sub3A_720 = arith.subf %sub3A_718, %sub3A_719 : vector<256x32xf32>
    %integer_pow3A_721 = arith.mulf %sub3A_720, %sub3A_720 : vector<256x32xf32>
    %mul3A_722 = vector.broadcast %neg3A_717 : f32 to vector<256x32xf32>
    %mul3A_723 = arith.mulf %mul3A_722, %integer_pow3A_721 : vector<256x32xf32>
    %exp3A_724 = math.exp %mul3A_723 : vector<256x32xf32>
    %slice3A_725 = vector.extract_strided_slice %mul3A_536 {offsets = [0, 9], sizes = [256, 1], strides = [1, 1]} : vector<256x16xf32> to vector<256x1xf32>
    %mul3A_726 = vector.broadcast %slice3A_725 : vector<256x1xf32> to vector<256x32xf32>
    %mul3A_727 = arith.mulf %exp3A_724, %mul3A_726 : vector<256x32xf32>
    %swap3A_728 = arith.constant 0 : index
    %swap3A_729 = arith.constant 9 : index
    %swap3A_730 = arith.constant 0 : index
    %swap3A_731 = arith.constant 0 : index
    %swap3A_732 = vector.load %arg5[%swap3A_728, %swap3A_729, %swap3A_730, %swap3A_731] : memref<1x16x256x32xf32, #tpu.memory_space<vmem>>, vector<1x1x256x32xf32>
    %swap3A_733 = vector.shape_cast %swap3A_732 : vector<1x1x256x32xf32> to vector<256x32xf32>
    %swap3A_734 = vector.shape_cast %mul3A_727 : vector<256x32xf32> to vector<1x1x256x32xf32>
    tpu.vector_store %arg5[%swap3A_728, %swap3A_729, %swap3A_730, %swap3A_731], %swap3A_734 {strides = array<i32>} : memref<1x16x256x32xf32, #tpu.memory_space<vmem>>, vector<1x1x256x32xf32>,
    %neg3A_735 = arith.constant 0.000000e+00 : f32
    %neg3A_736 = arith.constant 6.400000e+00 : f32
    %neg3A_737 = arith.subf %neg3A_735, %neg3A_736 : f32
    %sub3A_738 = vector.broadcast %sqrt3A_357 : vector<256x1xf32> to vector<256x32xf32>
    %sub3A_739 = vector.broadcast %mul3A_33 : vector<1x32xf32> to vector<256x32xf32>
    %sub3A_740 = arith.subf %sub3A_738, %sub3A_739 : vector<256x32xf32>
    %integer_pow3A_741 = arith.mulf %sub3A_740, %sub3A_740 : vector<256x32xf32>
    %mul3A_742 = vector.broadcast %neg3A_737 : f32 to vector<256x32xf32>
    %mul3A_743 = arith.mulf %mul3A_742, %integer_pow3A_741 : vector<256x32xf32>
    %exp3A_744 = math.exp %mul3A_743 : vector<256x32xf32>
    %slice3A_745 = vector.extract_strided_slice %mul3A_536 {offsets = [0, 10], sizes = [256, 1], strides = [1, 1]} : vector<256x16xf32> to vector<256x1xf32>
    %mul3A_746 = vector.broadcast %slice3A_745 : vector<256x1xf32> to vector<256x32xf32>
    %mul3A_747 = arith.mulf %exp3A_744, %mul3A_746 : vector<256x32xf32>
    %swap3A_748 = arith.constant 0 : index
    %swap3A_749 = arith.constant 10 : index
    %swap3A_750 = arith.constant 0 : index
    %swap3A_751 = arith.constant 0 : index
    %swap3A_752 = vector.load %arg5[%swap3A_748, %swap3A_749, %swap3A_750, %swap3A_751] : memref<1x16x256x32xf32, #tpu.memory_space<vmem>>, vector<1x1x256x32xf32>
    %swap3A_753 = vector.shape_cast %swap3A_752 : vector<1x1x256x32xf32> to vector<256x32xf32>
    %swap3A_754 = vector.shape_cast %mul3A_747 : vector<256x32xf32> to vector<1x1x256x32xf32>
    tpu.vector_store %arg5[%swap3A_748, %swap3A_749, %swap3A_750, %swap3A_751], %swap3A_754 {strides = array<i32>} : memref<1x16x256x32xf32, #tpu.memory_space<vmem>>, vector<1x1x256x32xf32>,
    %neg3A_755 = arith.constant 0.000000e+00 : f32
    %neg3A_756 = arith.constant 6.400000e+00 : f32
    %neg3A_757 = arith.subf %neg3A_755, %neg3A_756 : f32
    %sub3A_758 = vector.broadcast %sqrt3A_388 : vector<256x1xf32> to vector<256x32xf32>
    %sub3A_759 = vector.broadcast %mul3A_33 : vector<1x32xf32> to vector<256x32xf32>
    %sub3A_760 = arith.subf %sub3A_758, %sub3A_759 : vector<256x32xf32>
    %integer_pow3A_761 = arith.mulf %sub3A_760, %sub3A_760 : vector<256x32xf32>
    %mul3A_762 = vector.broadcast %neg3A_757 : f32 to vector<256x32xf32>
    %mul3A_763 = arith.mulf %mul3A_762, %integer_pow3A_761 : vector<256x32xf32>
    %exp3A_764 = math.exp %mul3A_763 : vector<256x32xf32>
    %slice3A_765 = vector.extract_strided_slice %mul3A_536 {offsets = [0, 11], sizes = [256, 1], strides = [1, 1]} : vector<256x16xf32> to vector<256x1xf32>
    %mul3A_766 = vector.broadcast %slice3A_765 : vector<256x1xf32> to vector<256x32xf32>
    %mul3A_767 = arith.mulf %exp3A_764, %mul3A_766 : vector<256x32xf32>
    %swap3A_768 = arith.constant 0 : index
    %swap3A_769 = arith.constant 11 : index
    %swap3A_770 = arith.constant 0 : index
    %swap3A_771 = arith.constant 0 : index
    %swap3A_772 = vector.load %arg5[%swap3A_768, %swap3A_769, %swap3A_770, %swap3A_771] : memref<1x16x256x32xf32, #tpu.memory_space<vmem>>, vector<1x1x256x32xf32>
    %swap3A_773 = vector.shape_cast %swap3A_772 : vector<1x1x256x32xf32> to vector<256x32xf32>
    %swap3A_774 = vector.shape_cast %mul3A_767 : vector<256x32xf32> to vector<1x1x256x32xf32>
    tpu.vector_store %arg5[%swap3A_768, %swap3A_769, %swap3A_770, %swap3A_771], %swap3A_774 {strides = array<i32>} : memref<1x16x256x32xf32, #tpu.memory_space<vmem>>, vector<1x1x256x32xf32>,
    %neg3A_775 = arith.constant 0.000000e+00 : f32
    %neg3A_776 = arith.constant 6.400000e+00 : f32
    %neg3A_777 = arith.subf %neg3A_775, %neg3A_776 : f32
    %sub3A_778 = vector.broadcast %sqrt3A_419 : vector<256x1xf32> to vector<256x32xf32>
    %sub3A_779 = vector.broadcast %mul3A_33 : vector<1x32xf32> to vector<256x32xf32>
    %sub3A_780 = arith.subf %sub3A_778, %sub3A_779 : vector<256x32xf32>
    %integer_pow3A_781 = arith.mulf %sub3A_780, %sub3A_780 : vector<256x32xf32>
    %mul3A_782 = vector.broadcast %neg3A_777 : f32 to vector<256x32xf32>
    %mul3A_783 = arith.mulf %mul3A_782, %integer_pow3A_781 : vector<256x32xf32>
    %exp3A_784 = math.exp %mul3A_783 : vector<256x32xf32>
    %slice3A_785 = vector.extract_strided_slice %mul3A_536 {offsets = [0, 12], sizes = [256, 1], strides = [1, 1]} : vector<256x16xf32> to vector<256x1xf32>
    %mul3A_786 = vector.broadcast %slice3A_785 : vector<256x1xf32> to vector<256x32xf32>
    %mul3A_787 = arith.mulf %exp3A_784, %mul3A_786 : vector<256x32xf32>
    %swap3A_788 = arith.constant 0 : index
    %swap3A_789 = arith.constant 12 : index
    %swap3A_790 = arith.constant 0 : index
    %swap3A_791 = arith.constant 0 : index
    %swap3A_792 = vector.load %arg5[%swap3A_788, %swap3A_789, %swap3A_790, %swap3A_791] : memref<1x16x256x32xf32, #tpu.memory_space<vmem>>, vector<1x1x256x32xf32>
    %swap3A_793 = vector.shape_cast %swap3A_792 : vector<1x1x256x32xf32> to vector<256x32xf32>
    %swap3A_794 = vector.shape_cast %mul3A_787 : vector<256x32xf32> to vector<1x1x256x32xf32>
    tpu.vector_store %arg5[%swap3A_788, %swap3A_789, %swap3A_790, %swap3A_791], %swap3A_794 {strides = array<i32>} : memref<1x16x256x32xf32, #tpu.memory_space<vmem>>, vector<1x1x256x32xf32>,
    %neg3A_795 = arith.constant 0.000000e+00 : f32
    %neg3A_796 = arith.constant 6.400000e+00 : f32
    %neg3A_797 = arith.subf %neg3A_795, %neg3A_796 : f32
    %sub3A_798 = vector.broadcast %sqrt3A_450 : vector<256x1xf32> to vector<256x32xf32>
    %sub3A_799 = vector.broadcast %mul3A_33 : vector<1x32xf32> to vector<256x32xf32>
    %sub3A_800 = arith.subf %sub3A_798, %sub3A_799 : vector<256x32xf32>
    %integer_pow3A_801 = arith.mulf %sub3A_800, %sub3A_800 : vector<256x32xf32>
    %mul3A_802 = vector.broadcast %neg3A_797 : f32 to vector<256x32xf32>
    %mul3A_803 = arith.mulf %mul3A_802, %integer_pow3A_801 : vector<256x32xf32>
    %exp3A_804 = math.exp %mul3A_803 : vector<256x32xf32>
    %slice3A_805 = vector.extract_strided_slice %mul3A_536 {offsets = [0, 13], sizes = [256, 1], strides = [1, 1]} : vector<256x16xf32> to vector<256x1xf32>
    %mul3A_806 = vector.broadcast %slice3A_805 : vector<256x1xf32> to vector<256x32xf32>
    %mul3A_807 = arith.mulf %exp3A_804, %mul3A_806 : vector<256x32xf32>
    %swap3A_808 = arith.constant 0 : index
    %swap3A_809 = arith.constant 13 : index
    %swap3A_810 = arith.constant 0 : index
    %swap3A_811 = arith.constant 0 : index
    %swap3A_812 = vector.load %arg5[%swap3A_808, %swap3A_809, %swap3A_810, %swap3A_811] : memref<1x16x256x32xf32, #tpu.memory_space<vmem>>, vector<1x1x256x32xf32>
    %swap3A_813 = vector.shape_cast %swap3A_812 : vector<1x1x256x32xf32> to vector<256x32xf32>
    %swap3A_814 = vector.shape_cast %mul3A_807 : vector<256x32xf32> to vector<1x1x256x32xf32>
    tpu.vector_store %arg5[%swap3A_808, %swap3A_809, %swap3A_810, %swap3A_811], %swap3A_814 {strides = array<i32>} : memref<1x16x256x32xf32, #tpu.memory_space<vmem>>, vector<1x1x256x32xf32>,
    %neg3A_815 = arith.constant 0.000000e+00 : f32
    %neg3A_816 = arith.constant 6.400000e+00 : f32
    %neg3A_817 = arith.subf %neg3A_815, %neg3A_816 : f32
    %sub3A_818 = vector.broadcast %sqrt3A_481 : vector<256x1xf32> to vector<256x32xf32>
    %sub3A_819 = vector.broadcast %mul3A_33 : vector<1x32xf32> to vector<256x32xf32>
    %sub3A_820 = arith.subf %sub3A_818, %sub3A_819 : vector<256x32xf32>
    %integer_pow3A_821 = arith.mulf %sub3A_820, %sub3A_820 : vector<256x32xf32>
    %mul3A_822 = vector.broadcast %neg3A_817 : f32 to vector<256x32xf32>
    %mul3A_823 = arith.mulf %mul3A_822, %integer_pow3A_821 : vector<256x32xf32>
    %exp3A_824 = math.exp %mul3A_823 : vector<256x32xf32>
    %slice3A_825 = vector.extract_strided_slice %mul3A_536 {offsets = [0, 14], sizes = [256, 1], strides = [1, 1]} : vector<256x16xf32> to vector<256x1xf32>
    %mul3A_826 = vector.broadcast %slice3A_825 : vector<256x1xf32> to vector<256x32xf32>
    %mul3A_827 = arith.mulf %exp3A_824, %mul3A_826 : vector<256x32xf32>
    %swap3A_828 = arith.constant 0 : index
    %swap3A_829 = arith.constant 14 : index
    %swap3A_830 = arith.constant 0 : index
    %swap3A_831 = arith.constant 0 : index
    %swap3A_832 = vector.load %arg5[%swap3A_828, %swap3A_829, %swap3A_830, %swap3A_831] : memref<1x16x256x32xf32, #tpu.memory_space<vmem>>, vector<1x1x256x32xf32>
    %swap3A_833 = vector.shape_cast %swap3A_832 : vector<1x1x256x32xf32> to vector<256x32xf32>
    %swap3A_834 = vector.shape_cast %mul3A_827 : vector<256x32xf32> to vector<1x1x256x32xf32>
    tpu.vector_store %arg5[%swap3A_828, %swap3A_829, %swap3A_830, %swap3A_831], %swap3A_834 {strides = array<i32>} : memref<1x16x256x32xf32, #tpu.memory_space<vmem>>, vector<1x1x256x32xf32>,
    %neg3A_835 = arith.constant 0.000000e+00 : f32
    %neg3A_836 = arith.constant 6.400000e+00 : f32
    %neg3A_837 = arith.subf %neg3A_835, %neg3A_836 : f32
    %sub3A_838 = vector.broadcast %sqrt3A_510 : vector<256x1xf32> to vector<256x32xf32>
    %sub3A_839 = vector.broadcast %mul3A_33 : vector<1x32xf32> to vector<256x32xf32>
    %sub3A_840 = arith.subf %sub3A_838, %sub3A_839 : vector<256x32xf32>
    %integer_pow3A_841 = arith.mulf %sub3A_840, %sub3A_840 : vector<256x32xf32>
    %mul3A_842 = vector.broadcast %neg3A_837 : f32 to vector<256x32xf32>
    %mul3A_843 = arith.mulf %mul3A_842, %integer_pow3A_841 : vector<256x32xf32>
    %exp3A_844 = math.exp %mul3A_843 : vector<256x32xf32>
    %slice3A_845 = vector.extract_strided_slice %mul3A_536 {offsets = [0, 15], sizes = [256, 1], strides = [1, 1]} : vector<256x16xf32> to vector<256x1xf32>
    %mul3A_846 = vector.broadcast %slice3A_845 : vector<256x1xf32> to vector<256x32xf32>
    %mul3A_847 = arith.mulf %exp3A_844, %mul3A_846 : vector<256x32xf32>
    %swap3A_848 = arith.constant 0 : index
    %swap3A_849 = arith.constant 15 : index
    %swap3A_850 = arith.constant 0 : index
    %swap3A_851 = arith.constant 0 : index
    %swap3A_852 = vector.load %arg5[%swap3A_848, %swap3A_849, %swap3A_850, %swap3A_851] : memref<1x16x256x32xf32, #tpu.memory_space<vmem>>, vector<1x1x256x32xf32>
    %swap3A_853 = vector.shape_cast %swap3A_852 : vector<1x1x256x32xf32> to vector<256x32xf32>
    %swap3A_854 = vector.shape_cast %mul3A_847 : vector<256x32xf32> to vector<1x1x256x32xf32>
    tpu.vector_store %arg5[%swap3A_848, %swap3A_849, %swap3A_850, %swap3A_851], %swap3A_854 {strides = array<i32>} : memref<1x16x256x32xf32, #tpu.memory_space<vmem>>, vector<1x1x256x32xf32>,
    return
  }
  func.func @transform_0(%arg0: i32, %arg1: i32) -> (i32, i32, i32) {
    %c0_i32 = arith.constant 0 : i32
    %c0_i32_0 = arith.constant 0 : i32
    return %arg0, %arg1, %c0_i32 : i32, i32, i32
  }
  func.func @transform_1(%arg0: i32, %arg1: i32) -> (i32, i32, i32) {
    %c0_i32 = arith.constant 0 : i32
    %c0_i32_0 = arith.constant 0 : i32
    %c0_i32_1 = arith.constant 0 : i32
    return %arg0, %c0_i32, %c0_i32_0 : i32, i32, i32
  }
  func.func @transform_2(%arg0: i32, %arg1: i32) -> (i32, i32, i32) {
    %c0_i32 = arith.constant 0 : i32
    %c0_i32_0 = arith.constant 0 : i32
    return %arg0, %arg1, %c0_i32 : i32, i32, i32
  }
  func.func @transform_3(%arg0: i32, %arg1: i32) -> (i32, i32, i32, i32) {
    %c0_i32 = arith.constant 0 : i32
    %c0_i32_0 = arith.constant 0 : i32
    %c0_i32_1 = arith.constant 0 : i32
    return %arg0, %c0_i32, %arg1, %c0_i32_0 : i32, i32, i32, i32
  }
}

module attributes {stable_mosaic.version = 14 : i64} {
  func.func @_edge_body(%arg0: i32, %arg1: i32, %arg2: memref<1x16x256x16xf32, #tpu.memory_space<vmem>>, %arg3: memref<1x256x3xf32, #tpu.memory_space<vmem>>, %arg4: memref<1x16x256x96xf32, #tpu.memory_space<vmem>>) attributes {dimension_semantics = [#tpu.dimension_semantics<arbitrary>, #tpu.dimension_semantics<arbitrary>], iteration_bounds = array<i64: 8, 8>, scalar_prefetch = 0 : i64, scratch_operands = 0 : i64, tpu.core_type = #tpu.core_type<tc>, window_params = [{transform_indices = @transform_0, window_bounds = array<i64: 1, 16, 256, 16>}, {transform_indices = @transform_1, window_bounds = array<i64: 1, 256, 3>}, {transform_indices = @transform_2, window_bounds = array<i64: 1, 16, 256, 96>}]} {
    %get3A = arith.constant 0 : index
    %get3A_0 = arith.constant 0 : index
    %get3A_1 = arith.constant 0 : index
    %get3A_2 = arith.constant 0 : index
    %get3A_3 = vector.load %arg2[%get3A, %get3A_0, %get3A_1, %get3A_2] : memref<1x16x256x16xf32, #tpu.memory_space<vmem>>, vector<1x16x256x16xf32>
    %get3A_4 = vector.shape_cast %get3A_3 : vector<1x16x256x16xf32> to vector<16x256x16xf32>
    %get3A_5 = arith.constant 0 : index
    %get3A_6 = arith.constant 0 : index
    %get3A_7 = arith.constant 0 : index
    %get3A_8 = vector.load %arg3[%get3A_5, %get3A_6, %get3A_7] : memref<1x256x3xf32, #tpu.memory_space<vmem>>, vector<1x256x3xf32>
    %get3A_9 = vector.shape_cast %get3A_8 : vector<1x256x3xf32> to vector<256x3xf32>
    %slice3A = vector.extract_strided_slice %get3A_4 {offsets = [0, 0, 0], sizes = [16, 256, 3], strides = [1, 1, 1]} : vector<16x256x16xf32> to vector<16x256x3xf32>
    %broadcast_in_dim3A = vector.shape_cast %get3A_9 : vector<256x3xf32> to vector<1x256x3xf32>
    %sub3A = vector.broadcast %broadcast_in_dim3A : vector<1x256x3xf32> to vector<16x256x3xf32>
    %sub3A_10 = arith.subf %slice3A, %sub3A : vector<16x256x3xf32>
    %slice3A_11 = vector.extract_strided_slice %sub3A_10 {offsets = [0, 0, 0], sizes = [16, 256, 1], strides = [1, 1, 1]} : vector<16x256x3xf32> to vector<16x256x1xf32>
    %integer_pow3A = arith.mulf %slice3A_11, %slice3A_11 : vector<16x256x1xf32>
    %slice3A_12 = vector.extract_strided_slice %sub3A_10 {offsets = [0, 0, 1], sizes = [16, 256, 1], strides = [1, 1, 1]} : vector<16x256x3xf32> to vector<16x256x1xf32>
    %integer_pow3A_13 = arith.mulf %slice3A_12, %slice3A_12 : vector<16x256x1xf32>
    %add3A = arith.addf %integer_pow3A, %integer_pow3A_13 : vector<16x256x1xf32>
    %slice3A_14 = vector.extract_strided_slice %sub3A_10 {offsets = [0, 0, 2], sizes = [16, 256, 1], strides = [1, 1, 1]} : vector<16x256x3xf32> to vector<16x256x1xf32>
    %integer_pow3A_15 = arith.mulf %slice3A_14, %slice3A_14 : vector<16x256x1xf32>
    %add3A_16 = arith.addf %add3A, %integer_pow3A_15 : vector<16x256x1xf32>
    %add3A_17 = arith.constant 9.99999996E-13 : f32
    %add3A_18 = vector.broadcast %add3A_17 : f32 to vector<16x256x1xf32>
    %add3A_19 = arith.addf %add3A_16, %add3A_18 : vector<16x256x1xf32>
    %sqrt3A = math.sqrt %add3A_19 : vector<16x256x1xf32>
    %div3A = vector.broadcast %sqrt3A : vector<16x256x1xf32> to vector<16x256x3xf32>
    %div3A_20 = arith.divf %sub3A_10, %div3A : vector<16x256x3xf32>
    %slice3A_21 = vector.extract_strided_slice %div3A_20 {offsets = [0, 0, 0], sizes = [16, 256, 1], strides = [1, 1, 1]} : vector<16x256x3xf32> to vector<16x256x1xf32>
    %broadcast_in_dim3A_22 = vector.shape_cast %slice3A_21 : vector<16x256x1xf32> to vector<16x256x1xf32>
    %broadcast_in_dim3A_23 = vector.broadcast %broadcast_in_dim3A_22 : vector<16x256x1xf32> to vector<16x256x32xf32>
    %slice3A_24 = vector.extract_strided_slice %div3A_20 {offsets = [0, 0, 1], sizes = [16, 256, 1], strides = [1, 1, 1]} : vector<16x256x3xf32> to vector<16x256x1xf32>
    %broadcast_in_dim3A_25 = vector.shape_cast %slice3A_24 : vector<16x256x1xf32> to vector<16x256x1xf32>
    %broadcast_in_dim3A_26 = vector.broadcast %broadcast_in_dim3A_25 : vector<16x256x1xf32> to vector<16x256x32xf32>
    %slice3A_27 = vector.extract_strided_slice %div3A_20 {offsets = [0, 0, 2], sizes = [16, 256, 1], strides = [1, 1, 1]} : vector<16x256x3xf32> to vector<16x256x1xf32>
    %broadcast_in_dim3A_28 = vector.shape_cast %slice3A_27 : vector<16x256x1xf32> to vector<16x256x1xf32>
    %broadcast_in_dim3A_29 = vector.broadcast %broadcast_in_dim3A_28 : vector<16x256x1xf32> to vector<16x256x32xf32>
    %concatenate3A = tpu.concatenate %broadcast_in_dim3A_23, %broadcast_in_dim3A_26, %broadcast_in_dim3A_29 in 2 : vector<16x256x32xf32>, vector<16x256x32xf32>, vector<16x256x32xf32> -> vector<16x256x96xf32>
    %swap3A = arith.constant 0 : index
    %swap3A_30 = arith.constant 0 : index
    %swap3A_31 = arith.constant 0 : index
    %swap3A_32 = arith.constant 0 : index
    %swap3A_33 = vector.load %arg4[%swap3A, %swap3A_30, %swap3A_31, %swap3A_32] : memref<1x16x256x96xf32, #tpu.memory_space<vmem>>, vector<1x16x256x96xf32>
    %swap3A_34 = vector.shape_cast %swap3A_33 : vector<1x16x256x96xf32> to vector<16x256x96xf32>
    %swap3A_35 = vector.shape_cast %concatenate3A : vector<16x256x96xf32> to vector<1x16x256x96xf32>
    tpu.vector_store %arg4[%swap3A, %swap3A_30, %swap3A_31, %swap3A_32], %swap3A_35 {strides = array<i32>} : memref<1x16x256x96xf32, #tpu.memory_space<vmem>>, vector<1x16x256x96xf32>,
    return
  }
  func.func @transform_0(%arg0: i32, %arg1: i32) -> (i32, i32, i32, i32) {
    %c0_i32 = arith.constant 0 : i32
    %c0_i32_0 = arith.constant 0 : i32
    %c0_i32_1 = arith.constant 0 : i32
    return %arg0, %c0_i32, %arg1, %c0_i32_0 : i32, i32, i32, i32
  }
  func.func @transform_1(%arg0: i32, %arg1: i32) -> (i32, i32, i32) {
    %c0_i32 = arith.constant 0 : i32
    %c0_i32_0 = arith.constant 0 : i32
    return %arg0, %arg1, %c0_i32 : i32, i32, i32
  }
  func.func @transform_2(%arg0: i32, %arg1: i32) -> (i32, i32, i32, i32) {
    %c0_i32 = arith.constant 0 : i32
    %c0_i32_0 = arith.constant 0 : i32
    %c0_i32_1 = arith.constant 0 : i32
    return %arg0, %c0_i32, %arg1, %c0_i32_0 : i32, i32, i32, i32
  }
}

module attributes {stable_mosaic.version = 14 : i64} {
  func.func @_layer0_body(%arg0: i32, %arg1: i32, %arg2: memref<1x16x256x32xf32, #tpu.memory_space<vmem>>, %arg3: memref<1x16x256x96xf32, #tpu.memory_space<vmem>>, %arg4: memref<1x128xf32, #tpu.memory_space<vmem>>, %arg5: memref<32x64xf32, #tpu.memory_space<vmem>>, %arg6: memref<1x64xf32, #tpu.memory_space<vmem>>, %arg7: memref<64x256xf32, #tpu.memory_space<vmem>>, %arg8: memref<1x256xf32, #tpu.memory_space<vmem>>, %arg9: memref<32x32xf32, #tpu.memory_space<vmem>>, %arg10: memref<1x32xf32, #tpu.memory_space<vmem>>, %arg11: memref<32x64xf32, #tpu.memory_space<vmem>>, %arg12: memref<1x256x128xf32, #tpu.memory_space<vmem>>) attributes {dimension_semantics = [#tpu.dimension_semantics<arbitrary>, #tpu.dimension_semantics<arbitrary>], iteration_bounds = array<i64: 8, 8>, scalar_prefetch = 0 : i64, scratch_operands = 0 : i64, tpu.core_type = #tpu.core_type<tc>, window_params = [{transform_indices = @transform_0, window_bounds = array<i64: 1, 16, 256, 32>}, {transform_indices = @transform_1, window_bounds = array<i64: 1, 16, 256, 96>}, {pipeline_mode = #tpu.pipeline_mode<synchronous>, transform_indices = @transform_2, window_bounds = array<i64: 1, 128>}, {pipeline_mode = #tpu.pipeline_mode<synchronous>, transform_indices = @transform_3, window_bounds = array<i64: 32, 64>}, {pipeline_mode = #tpu.pipeline_mode<synchronous>, transform_indices = @transform_4, window_bounds = array<i64: 1, 64>}, {pipeline_mode = #tpu.pipeline_mode<synchronous>, transform_indices = @transform_5, window_bounds = array<i64: 64, 256>}, {pipeline_mode = #tpu.pipeline_mode<synchronous>, transform_indices = @transform_6, window_bounds = array<i64: 1, 256>}, {pipeline_mode = #tpu.pipeline_mode<synchronous>, transform_indices = @transform_7, window_bounds = array<i64: 32, 32>}, {pipeline_mode = #tpu.pipeline_mode<synchronous>, transform_indices = @transform_8, window_bounds = array<i64: 1, 32>}, {pipeline_mode = #tpu.pipeline_mode<synchronous>, transform_indices = @transform_9, window_bounds = array<i64: 32, 64>}, {transform_indices = @transform_10, window_bounds = array<i64: 1, 256, 128>}]} {
    %get3A = arith.constant 0 : index
    %get3A_0 = arith.constant 0 : index
    %get3A_1 = arith.constant 0 : index
    %get3A_2 = arith.constant 0 : index
    %get3A_3 = vector.load %arg2[%get3A, %get3A_0, %get3A_1, %get3A_2] : memref<1x16x256x32xf32, #tpu.memory_space<vmem>>, vector<1x16x256x32xf32>
    %get3A_4 = vector.shape_cast %get3A_3 : vector<1x16x256x32xf32> to vector<16x256x32xf32>
    %reshape3A = vector.shape_cast %get3A_4 : vector<16x256x32xf32> to vector<4096x32xf32>
    %get3A_5 = arith.constant 0 : index
    %get3A_6 = arith.constant 0 : index
    %get3A_7 = vector.load %arg5[%get3A_5, %get3A_6] : memref<32x64xf32, #tpu.memory_space<vmem>>, vector<32x64xf32>
    %dot_general3A = arith.constant dense<0.000000e+00> : vector<4096x64xf32>
    %dot_general3A_8 = tpu.matmul %reshape3A, %get3A_7, %dot_general3A {dimension_numbers = #tpu.dot_dimension_numbers<[1], [0], [0], [1], [0, 0, 1, 1], [], []>, transpose_lhs_hint = false} : vector<4096x32xf32>, vector<32x64xf32>, vector<4096x64xf32> -> vector<4096x64xf32>
    %get3A_9 = arith.constant 0 : index
    %get3A_10 = arith.constant 0 : index
    %get3A_11 = vector.load %arg6[%get3A_9, %get3A_10] : memref<1x64xf32, #tpu.memory_space<vmem>>, vector<1x64xf32>
    %add3A = vector.broadcast %get3A_11 : vector<1x64xf32> to vector<4096x64xf32>
    %add3A_12 = arith.addf %dot_general3A_8, %add3A : vector<4096x64xf32>
    %logistic3A = arith.negf %add3A_12 : vector<4096x64xf32>
    %logistic3A_13 = math.exp %logistic3A : vector<4096x64xf32>
    %logistic3A_14 = arith.constant 1.000000e+00 : f32
    %logistic3A_15 = vector.broadcast %logistic3A_14 : f32 to vector<4096x64xf32>
    %logistic3A_16 = arith.addf %logistic3A_15, %logistic3A_13 : vector<4096x64xf32>
    %logistic3A_17 = arith.divf %logistic3A_15, %logistic3A_16 : vector<4096x64xf32>
    %mul3A = arith.mulf %add3A_12, %logistic3A_17 : vector<4096x64xf32>
    %get3A_18 = arith.constant 0 : index
    %get3A_19 = arith.constant 0 : index
    %get3A_20 = vector.load %arg7[%get3A_18, %get3A_19] : memref<64x256xf32, #tpu.memory_space<vmem>>, vector<64x256xf32>
    %dot_general3A_21 = arith.constant dense<0.000000e+00> : vector<4096x256xf32>
    %dot_general3A_22 = tpu.matmul %mul3A, %get3A_20, %dot_general3A_21 {dimension_numbers = #tpu.dot_dimension_numbers<[1], [0], [0], [1], [0, 0, 1, 1], [], []>, transpose_lhs_hint = false} : vector<4096x64xf32>, vector<64x256xf32>, vector<4096x256xf32> -> vector<4096x256xf32>
    %get3A_23 = arith.constant 0 : index
    %get3A_24 = arith.constant 0 : index
    %get3A_25 = vector.load %arg8[%get3A_23, %get3A_24] : memref<1x256xf32, #tpu.memory_space<vmem>>, vector<1x256xf32>
    %add3A_26 = vector.broadcast %get3A_25 : vector<1x256xf32> to vector<4096x256xf32>
    %add3A_27 = arith.addf %dot_general3A_22, %add3A_26 : vector<4096x256xf32>
    %reshape3A_28 = vector.shape_cast %add3A_27 : vector<4096x256xf32> to vector<16x256x256xf32>
    %slice3A = vector.extract_strided_slice %reshape3A_28 {offsets = [0, 0, 0], sizes = [16, 256, 32], strides = [1, 1, 1]} : vector<16x256x256xf32> to vector<16x256x32xf32>
    %slice3A_29 = vector.extract_strided_slice %reshape3A_28 {offsets = [0, 0, 64], sizes = [16, 256, 96], strides = [1, 1, 1]} : vector<16x256x256xf32> to vector<16x256x96xf32>
    %get3A_30 = arith.constant 0 : index
    %get3A_31 = arith.constant 0 : index
    %get3A_32 = arith.constant 0 : index
    %get3A_33 = arith.constant 0 : index
    %get3A_34 = vector.load %arg3[%get3A_30, %get3A_31, %get3A_32, %get3A_33] : memref<1x16x256x96xf32, #tpu.memory_space<vmem>>, vector<1x16x256x96xf32>
    %get3A_35 = vector.shape_cast %get3A_34 : vector<1x16x256x96xf32> to vector<16x256x96xf32>
    %get3A_36 = arith.constant 0 : index
    %get3A_37 = arith.constant 0 : index
    %get3A_38 = vector.load %arg4[%get3A_36, %get3A_37] : memref<1x128xf32, #tpu.memory_space<vmem>>, vector<1x128xf32>
    %slice3A_39 = vector.extract_strided_slice %get3A_38 {offsets = [0, 0], sizes = [1, 32], strides = [1, 1]} : vector<1x128xf32> to vector<1x32xf32>
    %broadcast_in_dim3A = vector.shape_cast %slice3A_39 : vector<1x32xf32> to vector<1x1x32xf32>
    %mul3A_40 = vector.broadcast %broadcast_in_dim3A : vector<1x1x32xf32> to vector<16x256x32xf32>
    %mul3A_41 = arith.mulf %slice3A, %mul3A_40 : vector<16x256x32xf32>
    %mul3A_42 = arith.mulf %slice3A_29, %get3A_35 : vector<16x256x96xf32>
    %slice3A_43 = vector.extract_strided_slice %get3A_38 {offsets = [0, 32], sizes = [1, 96], strides = [1, 1]} : vector<1x128xf32> to vector<1x96xf32>
    %broadcast_in_dim3A_44 = vector.shape_cast %slice3A_43 : vector<1x96xf32> to vector<1x1x96xf32>
    %mul3A_45 = vector.broadcast %broadcast_in_dim3A_44 : vector<1x1x96xf32> to vector<16x256x96xf32>
    %mul3A_46 = arith.mulf %mul3A_42, %mul3A_45 : vector<16x256x96xf32>
    %reduce_sum3A = arith.constant dense<0.000000e+00> : vector<256x32xf32>
    %reduce_sum3A_47 = vector.multi_reduction <add>, %mul3A_41, %reduce_sum3A [0] : vector<16x256x32xf32> to vector<256x32xf32>
    %mul3A_48 = arith.constant 6.250000e-02 : f32
    %mul3A_49 = vector.broadcast %mul3A_48 : f32 to vector<256x32xf32>
    %mul3A_50 = arith.mulf %reduce_sum3A_47, %mul3A_49 : vector<256x32xf32>
    %reduce_sum3A_51 = arith.constant dense<0.000000e+00> : vector<256x96xf32>
    %reduce_sum3A_52 = vector.multi_reduction <add>, %mul3A_46, %reduce_sum3A_51 [0] : vector<16x256x96xf32> to vector<256x96xf32>
    %mul3A_53 = arith.constant 6.250000e-02 : f32
    %mul3A_54 = vector.broadcast %mul3A_53 : f32 to vector<256x96xf32>
    %mul3A_55 = arith.mulf %reduce_sum3A_52, %mul3A_54 : vector<256x96xf32>
    %get3A_56 = arith.constant 0 : index
    %get3A_57 = arith.constant 0 : index
    %get3A_58 = vector.load %arg9[%get3A_56, %get3A_57] : memref<32x32xf32, #tpu.memory_space<vmem>>, vector<32x32xf32>
    %dot_general3A_59 = arith.constant dense<0.000000e+00> : vector<256x32xf32>
    %dot_general3A_60 = tpu.matmul %mul3A_50, %get3A_58, %dot_general3A_59 {dimension_numbers = #tpu.dot_dimension_numbers<[1], [0], [0], [1], [0, 0, 1, 1], [], []>, transpose_lhs_hint = false} : vector<256x32xf32>, vector<32x32xf32>, vector<256x32xf32> -> vector<256x32xf32>
    %get3A_61 = arith.constant 0 : index
    %get3A_62 = arith.constant 0 : index
    %get3A_63 = vector.load %arg10[%get3A_61, %get3A_62] : memref<1x32xf32, #tpu.memory_space<vmem>>, vector<1x32xf32>
    %add3A_64 = vector.broadcast %get3A_63 : vector<1x32xf32> to vector<256x32xf32>
    %add3A_65 = arith.addf %dot_general3A_60, %add3A_64 : vector<256x32xf32>
    %logistic3A_66 = arith.negf %add3A_65 : vector<256x32xf32>
    %logistic3A_67 = math.exp %logistic3A_66 : vector<256x32xf32>
    %logistic3A_68 = arith.constant 1.000000e+00 : f32
    %logistic3A_69 = vector.broadcast %logistic3A_68 : f32 to vector<256x32xf32>
    %logistic3A_70 = arith.addf %logistic3A_69, %logistic3A_67 : vector<256x32xf32>
    %logistic3A_71 = arith.divf %logistic3A_69, %logistic3A_70 : vector<256x32xf32>
    %logistic3A_72 = arith.negf %mul3A_50 : vector<256x32xf32>
    %logistic3A_73 = math.exp %logistic3A_72 : vector<256x32xf32>
    %logistic3A_74 = arith.constant 1.000000e+00 : f32
    %logistic3A_75 = vector.broadcast %logistic3A_74 : f32 to vector<256x32xf32>
    %logistic3A_76 = arith.addf %logistic3A_75, %logistic3A_73 : vector<256x32xf32>
    %logistic3A_77 = arith.divf %logistic3A_75, %logistic3A_76 : vector<256x32xf32>
    %mul3A_78 = arith.mulf %mul3A_50, %logistic3A_77 : vector<256x32xf32>
    %slice3A_79 = vector.extract_strided_slice %mul3A_55 {offsets = [0, 0], sizes = [256, 32], strides = [1, 1]} : vector<256x96xf32> to vector<256x32xf32>
    %mul3A_80 = arith.mulf %logistic3A_71, %slice3A_79 : vector<256x32xf32>
    %slice3A_81 = vector.extract_strided_slice %mul3A_55 {offsets = [0, 32], sizes = [256, 32], strides = [1, 1]} : vector<256x96xf32> to vector<256x32xf32>
    %mul3A_82 = arith.mulf %logistic3A_71, %slice3A_81 : vector<256x32xf32>
    %slice3A_83 = vector.extract_strided_slice %mul3A_55 {offsets = [0, 64], sizes = [256, 32], strides = [1, 1]} : vector<256x96xf32> to vector<256x32xf32>
    %mul3A_84 = arith.mulf %logistic3A_71, %slice3A_83 : vector<256x32xf32>
    %concatenate3A = tpu.concatenate %mul3A_78, %mul3A_80, %mul3A_82, %mul3A_84 in 0 : vector<256x32xf32>, vector<256x32xf32>, vector<256x32xf32>, vector<256x32xf32> -> vector<1024x32xf32>
    %get3A_85 = arith.constant 0 : index
    %get3A_86 = arith.constant 0 : index
    %get3A_87 = vector.load %arg11[%get3A_85, %get3A_86] : memref<32x64xf32, #tpu.memory_space<vmem>>, vector<32x64xf32>
    %dot_general3A_88 = arith.constant dense<0.000000e+00> : vector<1024x64xf32>
    %dot_general3A_89 = tpu.matmul %concatenate3A, %get3A_87, %dot_general3A_88 {dimension_numbers = #tpu.dot_dimension_numbers<[1], [0], [0], [1], [0, 0, 1, 1], [], []>, transpose_lhs_hint = false} : vector<1024x32xf32>, vector<32x64xf32>, vector<1024x64xf32> -> vector<1024x64xf32>
    %slice3A_90 = vector.extract_strided_slice %dot_general3A_89 {offsets = [0, 0], sizes = [256, 32], strides = [1, 1]} : vector<1024x64xf32> to vector<256x32xf32>
    %slice3A_91 = vector.extract_strided_slice %get3A_38 {offsets = [0, 0], sizes = [1, 32], strides = [1, 1]} : vector<1x128xf32> to vector<1x32xf32>
    %add3A_92 = vector.broadcast %slice3A_91 : vector<1x32xf32> to vector<256x32xf32>
    %add3A_93 = arith.addf %slice3A_90, %add3A_92 : vector<256x32xf32>
    %slice3A_94 = vector.extract_strided_slice %dot_general3A_89 {offsets = [256, 32], sizes = [256, 32], strides = [1, 1]} : vector<1024x64xf32> to vector<256x32xf32>
    %slice3A_95 = vector.extract_strided_slice %dot_general3A_89 {offsets = [512, 32], sizes = [256, 32], strides = [1, 1]} : vector<1024x64xf32> to vector<256x32xf32>
    %slice3A_96 = vector.extract_strided_slice %dot_general3A_89 {offsets = [768, 32], sizes = [256, 32], strides = [1, 1]} : vector<1024x64xf32> to vector<256x32xf32>
    %concatenate3A_97 = tpu.concatenate %add3A_93, %slice3A_94, %slice3A_95, %slice3A_96 in 1 : vector<256x32xf32>, vector<256x32xf32>, vector<256x32xf32>, vector<256x32xf32> -> vector<256x128xf32>
    %swap3A = arith.constant 0 : index
    %swap3A_98 = arith.constant 0 : index
    %swap3A_99 = arith.constant 0 : index
    %swap3A_100 = vector.load %arg12[%swap3A, %swap3A_98, %swap3A_99] : memref<1x256x128xf32, #tpu.memory_space<vmem>>, vector<1x256x128xf32>
    %swap3A_101 = vector.shape_cast %swap3A_100 : vector<1x256x128xf32> to vector<256x128xf32>
    %swap3A_102 = vector.shape_cast %concatenate3A_97 : vector<256x128xf32> to vector<1x256x128xf32>
    tpu.vector_store %arg12[%swap3A, %swap3A_98, %swap3A_99], %swap3A_102 {strides = array<i32>} : memref<1x256x128xf32, #tpu.memory_space<vmem>>, vector<1x256x128xf32>,
    return
  }
  func.func @transform_0(%arg0: i32, %arg1: i32) -> (i32, i32, i32, i32) {
    %c0_i32 = arith.constant 0 : i32
    %c0_i32_0 = arith.constant 0 : i32
    %c0_i32_1 = arith.constant 0 : i32
    return %arg0, %c0_i32, %arg1, %c0_i32_0 : i32, i32, i32, i32
  }
  func.func @transform_1(%arg0: i32, %arg1: i32) -> (i32, i32, i32, i32) {
    %c0_i32 = arith.constant 0 : i32
    %c0_i32_0 = arith.constant 0 : i32
    %c0_i32_1 = arith.constant 0 : i32
    return %arg0, %c0_i32, %arg1, %c0_i32_0 : i32, i32, i32, i32
  }
  func.func @transform_2(%arg0: i32, %arg1: i32) -> (i32, i32) {
    %c0_i32 = arith.constant 0 : i32
    %c0_i32_0 = arith.constant 0 : i32
    %c0_i32_1 = arith.constant 0 : i32
    return %c0_i32, %c0_i32_0 : i32, i32
  }
  func.func @transform_3(%arg0: i32, %arg1: i32) -> (i32, i32) {
    %c0_i32 = arith.constant 0 : i32
    %c0_i32_0 = arith.constant 0 : i32
    %c0_i32_1 = arith.constant 0 : i32
    return %c0_i32, %c0_i32_0 : i32, i32
  }
  func.func @transform_4(%arg0: i32, %arg1: i32) -> (i32, i32) {
    %c0_i32 = arith.constant 0 : i32
    %c0_i32_0 = arith.constant 0 : i32
    %c0_i32_1 = arith.constant 0 : i32
    return %c0_i32, %c0_i32_0 : i32, i32
  }
  func.func @transform_5(%arg0: i32, %arg1: i32) -> (i32, i32) {
    %c0_i32 = arith.constant 0 : i32
    %c0_i32_0 = arith.constant 0 : i32
    %c0_i32_1 = arith.constant 0 : i32
    return %c0_i32, %c0_i32_0 : i32, i32
  }
  func.func @transform_6(%arg0: i32, %arg1: i32) -> (i32, i32) {
    %c0_i32 = arith.constant 0 : i32
    %c0_i32_0 = arith.constant 0 : i32
    %c0_i32_1 = arith.constant 0 : i32
    return %c0_i32, %c0_i32_0 : i32, i32
  }
  func.func @transform_7(%arg0: i32, %arg1: i32) -> (i32, i32) {
    %c0_i32 = arith.constant 0 : i32
    %c0_i32_0 = arith.constant 0 : i32
    %c0_i32_1 = arith.constant 0 : i32
    return %c0_i32, %c0_i32_0 : i32, i32
  }
  func.func @transform_8(%arg0: i32, %arg1: i32) -> (i32, i32) {
    %c0_i32 = arith.constant 0 : i32
    %c0_i32_0 = arith.constant 0 : i32
    %c0_i32_1 = arith.constant 0 : i32
    return %c0_i32, %c0_i32_0 : i32, i32
  }
  func.func @transform_9(%arg0: i32, %arg1: i32) -> (i32, i32) {
    %c0_i32 = arith.constant 0 : i32
    %c0_i32_0 = arith.constant 0 : i32
    %c0_i32_1 = arith.constant 0 : i32
    return %c0_i32, %c0_i32_0 : i32, i32
  }
  func.func @transform_10(%arg0: i32, %arg1: i32) -> (i32, i32, i32) {
    %c0_i32 = arith.constant 0 : i32
    %c0_i32_0 = arith.constant 0 : i32
    return %arg0, %arg1, %c0_i32 : i32, i32, i32
  }
}

module attributes {stable_mosaic.version = 14 : i64} {
  func.func @_layer_body(%arg0: i32, %arg1: i32, %arg2: memref<1x16x256x128xf32, #tpu.memory_space<vmem>>, %arg3: memref<1x16x256x32xf32, #tpu.memory_space<vmem>>, %arg4: memref<1x16x256x96xf32, #tpu.memory_space<vmem>>, %arg5: memref<1x256x128xf32, #tpu.memory_space<vmem>>, %arg6: memref<32x64xf32, #tpu.memory_space<vmem>>, %arg7: memref<1x64xf32, #tpu.memory_space<vmem>>, %arg8: memref<64x256xf32, #tpu.memory_space<vmem>>, %arg9: memref<1x256xf32, #tpu.memory_space<vmem>>, %arg10: memref<32x32xf32, #tpu.memory_space<vmem>>, %arg11: memref<1x32xf32, #tpu.memory_space<vmem>>, %arg12: memref<32x64xf32, #tpu.memory_space<vmem>>, %arg13: memref<1x256x128xf32, #tpu.memory_space<vmem>>) attributes {dimension_semantics = [#tpu.dimension_semantics<arbitrary>, #tpu.dimension_semantics<arbitrary>], iteration_bounds = array<i64: 8, 8>, scalar_prefetch = 0 : i64, scratch_operands = 0 : i64, tpu.core_type = #tpu.core_type<tc>, window_params = [{transform_indices = @transform_0, window_bounds = array<i64: 1, 16, 256, 128>}, {transform_indices = @transform_1, window_bounds = array<i64: 1, 16, 256, 32>}, {transform_indices = @transform_2, window_bounds = array<i64: 1, 16, 256, 96>}, {transform_indices = @transform_3, window_bounds = array<i64: 1, 256, 128>}, {pipeline_mode = #tpu.pipeline_mode<synchronous>, transform_indices = @transform_4, window_bounds = array<i64: 32, 64>}, {pipeline_mode = #tpu.pipeline_mode<synchronous>, transform_indices = @transform_5, window_bounds = array<i64: 1, 64>}, {pipeline_mode = #tpu.pipeline_mode<synchronous>, transform_indices = @transform_6, window_bounds = array<i64: 64, 256>}, {pipeline_mode = #tpu.pipeline_mode<synchronous>, transform_indices = @transform_7, window_bounds = array<i64: 1, 256>}, {pipeline_mode = #tpu.pipeline_mode<synchronous>, transform_indices = @transform_8, window_bounds = array<i64: 32, 32>}, {pipeline_mode = #tpu.pipeline_mode<synchronous>, transform_indices = @transform_9, window_bounds = array<i64: 1, 32>}, {pipeline_mode = #tpu.pipeline_mode<synchronous>, transform_indices = @transform_10, window_bounds = array<i64: 32, 64>}, {transform_indices = @transform_11, window_bounds = array<i64: 1, 256, 128>}]} {
    %get3A = arith.constant 0 : index
    %get3A_0 = arith.constant 0 : index
    %get3A_1 = arith.constant 0 : index
    %get3A_2 = arith.constant 0 : index
    %get3A_3 = vector.load %arg3[%get3A, %get3A_0, %get3A_1, %get3A_2] : memref<1x16x256x32xf32, #tpu.memory_space<vmem>>, vector<1x16x256x32xf32>
    %get3A_4 = vector.shape_cast %get3A_3 : vector<1x16x256x32xf32> to vector<16x256x32xf32>
    %reshape3A = vector.shape_cast %get3A_4 : vector<16x256x32xf32> to vector<4096x32xf32>
    %get3A_5 = arith.constant 0 : index
    %get3A_6 = arith.constant 0 : index
    %get3A_7 = vector.load %arg6[%get3A_5, %get3A_6] : memref<32x64xf32, #tpu.memory_space<vmem>>, vector<32x64xf32>
    %dot_general3A = arith.constant dense<0.000000e+00> : vector<4096x64xf32>
    %dot_general3A_8 = tpu.matmul %reshape3A, %get3A_7, %dot_general3A {dimension_numbers = #tpu.dot_dimension_numbers<[1], [0], [0], [1], [0, 0, 1, 1], [], []>, transpose_lhs_hint = false} : vector<4096x32xf32>, vector<32x64xf32>, vector<4096x64xf32> -> vector<4096x64xf32>
    %get3A_9 = arith.constant 0 : index
    %get3A_10 = arith.constant 0 : index
    %get3A_11 = vector.load %arg7[%get3A_9, %get3A_10] : memref<1x64xf32, #tpu.memory_space<vmem>>, vector<1x64xf32>
    %add3A = vector.broadcast %get3A_11 : vector<1x64xf32> to vector<4096x64xf32>
    %add3A_12 = arith.addf %dot_general3A_8, %add3A : vector<4096x64xf32>
    %logistic3A = arith.negf %add3A_12 : vector<4096x64xf32>
    %logistic3A_13 = math.exp %logistic3A : vector<4096x64xf32>
    %logistic3A_14 = arith.constant 1.000000e+00 : f32
    %logistic3A_15 = vector.broadcast %logistic3A_14 : f32 to vector<4096x64xf32>
    %logistic3A_16 = arith.addf %logistic3A_15, %logistic3A_13 : vector<4096x64xf32>
    %logistic3A_17 = arith.divf %logistic3A_15, %logistic3A_16 : vector<4096x64xf32>
    %mul3A = arith.mulf %add3A_12, %logistic3A_17 : vector<4096x64xf32>
    %get3A_18 = arith.constant 0 : index
    %get3A_19 = arith.constant 0 : index
    %get3A_20 = vector.load %arg8[%get3A_18, %get3A_19] : memref<64x256xf32, #tpu.memory_space<vmem>>, vector<64x256xf32>
    %dot_general3A_21 = arith.constant dense<0.000000e+00> : vector<4096x256xf32>
    %dot_general3A_22 = tpu.matmul %mul3A, %get3A_20, %dot_general3A_21 {dimension_numbers = #tpu.dot_dimension_numbers<[1], [0], [0], [1], [0, 0, 1, 1], [], []>, transpose_lhs_hint = false} : vector<4096x64xf32>, vector<64x256xf32>, vector<4096x256xf32> -> vector<4096x256xf32>
    %get3A_23 = arith.constant 0 : index
    %get3A_24 = arith.constant 0 : index
    %get3A_25 = vector.load %arg9[%get3A_23, %get3A_24] : memref<1x256xf32, #tpu.memory_space<vmem>>, vector<1x256xf32>
    %add3A_26 = vector.broadcast %get3A_25 : vector<1x256xf32> to vector<4096x256xf32>
    %add3A_27 = arith.addf %dot_general3A_22, %add3A_26 : vector<4096x256xf32>
    %reshape3A_28 = vector.shape_cast %add3A_27 : vector<4096x256xf32> to vector<16x256x256xf32>
    %slice3A = vector.extract_strided_slice %reshape3A_28 {offsets = [0, 0, 0], sizes = [16, 256, 32], strides = [1, 1, 1]} : vector<16x256x256xf32> to vector<16x256x32xf32>
    %slice3A_29 = vector.extract_strided_slice %reshape3A_28 {offsets = [0, 0, 32], sizes = [16, 256, 32], strides = [1, 1, 1]} : vector<16x256x256xf32> to vector<16x256x32xf32>
    %slice3A_30 = vector.extract_strided_slice %reshape3A_28 {offsets = [0, 0, 64], sizes = [16, 256, 96], strides = [1, 1, 1]} : vector<16x256x256xf32> to vector<16x256x96xf32>
    %slice3A_31 = vector.extract_strided_slice %reshape3A_28 {offsets = [0, 0, 160], sizes = [16, 256, 96], strides = [1, 1, 1]} : vector<16x256x256xf32> to vector<16x256x96xf32>
    %get3A_32 = arith.constant 0 : index
    %get3A_33 = arith.constant 0 : index
    %get3A_34 = arith.constant 0 : index
    %get3A_35 = arith.constant 0 : index
    %get3A_36 = vector.load %arg2[%get3A_32, %get3A_33, %get3A_34, %get3A_35] : memref<1x16x256x128xf32, #tpu.memory_space<vmem>>, vector<1x16x256x128xf32>
    %get3A_37 = vector.shape_cast %get3A_36 : vector<1x16x256x128xf32> to vector<16x256x128xf32>
    %slice3A_38 = vector.extract_strided_slice %get3A_37 {offsets = [0, 0, 0], sizes = [16, 256, 32], strides = [1, 1, 1]} : vector<16x256x128xf32> to vector<16x256x32xf32>
    %slice3A_39 = vector.extract_strided_slice %get3A_37 {offsets = [0, 0, 32], sizes = [16, 256, 96], strides = [1, 1, 1]} : vector<16x256x128xf32> to vector<16x256x96xf32>
    %get3A_40 = arith.constant 0 : index
    %get3A_41 = arith.constant 0 : index
    %get3A_42 = arith.constant 0 : index
    %get3A_43 = arith.constant 0 : index
    %get3A_44 = vector.load %arg4[%get3A_40, %get3A_41, %get3A_42, %get3A_43] : memref<1x16x256x96xf32, #tpu.memory_space<vmem>>, vector<1x16x256x96xf32>
    %get3A_45 = vector.shape_cast %get3A_44 : vector<1x16x256x96xf32> to vector<16x256x96xf32>
    %mul3A_46 = arith.mulf %slice3A_39, %get3A_45 : vector<16x256x96xf32>
    %slice3A_47 = vector.extract_strided_slice %mul3A_46 {offsets = [0, 0, 0], sizes = [16, 256, 32], strides = [1, 1, 1]} : vector<16x256x96xf32> to vector<16x256x32xf32>
    %slice3A_48 = vector.extract_strided_slice %mul3A_46 {offsets = [0, 0, 32], sizes = [16, 256, 32], strides = [1, 1, 1]} : vector<16x256x96xf32> to vector<16x256x32xf32>
    %add3A_49 = arith.addf %slice3A_47, %slice3A_48 : vector<16x256x32xf32>
    %slice3A_50 = vector.extract_strided_slice %mul3A_46 {offsets = [0, 0, 64], sizes = [16, 256, 32], strides = [1, 1, 1]} : vector<16x256x96xf32> to vector<16x256x32xf32>
    %add3A_51 = arith.addf %add3A_49, %slice3A_50 : vector<16x256x32xf32>
    %mul3A_52 = arith.mulf %slice3A, %slice3A_38 : vector<16x256x32xf32>
    %mul3A_53 = arith.mulf %slice3A_29, %add3A_51 : vector<16x256x32xf32>
    %add3A_54 = arith.addf %mul3A_52, %mul3A_53 : vector<16x256x32xf32>
    %mul3A_55 = arith.mulf %slice3A_30, %get3A_45 : vector<16x256x96xf32>
    %mul3A_56 = arith.mulf %slice3A_31, %slice3A_39 : vector<16x256x96xf32>
    %concatenate3A = tpu.concatenate %slice3A_38, %slice3A_38, %slice3A_38 in 2 : vector<16x256x32xf32>, vector<16x256x32xf32>, vector<16x256x32xf32> -> vector<16x256x96xf32>
    %mul3A_57 = arith.mulf %mul3A_55, %concatenate3A : vector<16x256x96xf32>
    %add3A_58 = arith.addf %mul3A_56, %mul3A_57 : vector<16x256x96xf32>
    %reduce_sum3A = arith.constant dense<0.000000e+00> : vector<256x32xf32>
    %reduce_sum3A_59 = vector.multi_reduction <add>, %add3A_54, %reduce_sum3A [0] : vector<16x256x32xf32> to vector<256x32xf32>
    %mul3A_60 = arith.constant 6.250000e-02 : f32
    %mul3A_61 = vector.broadcast %mul3A_60 : f32 to vector<256x32xf32>
    %mul3A_62 = arith.mulf %reduce_sum3A_59, %mul3A_61 : vector<256x32xf32>
    %reduce_sum3A_63 = arith.constant dense<0.000000e+00> : vector<256x96xf32>
    %reduce_sum3A_64 = vector.multi_reduction <add>, %add3A_58, %reduce_sum3A_63 [0] : vector<16x256x96xf32> to vector<256x96xf32>
    %mul3A_65 = arith.constant 6.250000e-02 : f32
    %mul3A_66 = vector.broadcast %mul3A_65 : f32 to vector<256x96xf32>
    %mul3A_67 = arith.mulf %reduce_sum3A_64, %mul3A_66 : vector<256x96xf32>
    %get3A_68 = arith.constant 0 : index
    %get3A_69 = arith.constant 0 : index
    %get3A_70 = vector.load %arg10[%get3A_68, %get3A_69] : memref<32x32xf32, #tpu.memory_space<vmem>>, vector<32x32xf32>
    %dot_general3A_71 = arith.constant dense<0.000000e+00> : vector<256x32xf32>
    %dot_general3A_72 = tpu.matmul %mul3A_62, %get3A_70, %dot_general3A_71 {dimension_numbers = #tpu.dot_dimension_numbers<[1], [0], [0], [1], [0, 0, 1, 1], [], []>, transpose_lhs_hint = false} : vector<256x32xf32>, vector<32x32xf32>, vector<256x32xf32> -> vector<256x32xf32>
    %get3A_73 = arith.constant 0 : index
    %get3A_74 = arith.constant 0 : index
    %get3A_75 = vector.load %arg11[%get3A_73, %get3A_74] : memref<1x32xf32, #tpu.memory_space<vmem>>, vector<1x32xf32>
    %add3A_76 = vector.broadcast %get3A_75 : vector<1x32xf32> to vector<256x32xf32>
    %add3A_77 = arith.addf %dot_general3A_72, %add3A_76 : vector<256x32xf32>
    %logistic3A_78 = arith.negf %add3A_77 : vector<256x32xf32>
    %logistic3A_79 = math.exp %logistic3A_78 : vector<256x32xf32>
    %logistic3A_80 = arith.constant 1.000000e+00 : f32
    %logistic3A_81 = vector.broadcast %logistic3A_80 : f32 to vector<256x32xf32>
    %logistic3A_82 = arith.addf %logistic3A_81, %logistic3A_79 : vector<256x32xf32>
    %logistic3A_83 = arith.divf %logistic3A_81, %logistic3A_82 : vector<256x32xf32>
    %logistic3A_84 = arith.negf %mul3A_62 : vector<256x32xf32>
    %logistic3A_85 = math.exp %logistic3A_84 : vector<256x32xf32>
    %logistic3A_86 = arith.constant 1.000000e+00 : f32
    %logistic3A_87 = vector.broadcast %logistic3A_86 : f32 to vector<256x32xf32>
    %logistic3A_88 = arith.addf %logistic3A_87, %logistic3A_85 : vector<256x32xf32>
    %logistic3A_89 = arith.divf %logistic3A_87, %logistic3A_88 : vector<256x32xf32>
    %mul3A_90 = arith.mulf %mul3A_62, %logistic3A_89 : vector<256x32xf32>
    %slice3A_91 = vector.extract_strided_slice %mul3A_67 {offsets = [0, 0], sizes = [256, 32], strides = [1, 1]} : vector<256x96xf32> to vector<256x32xf32>
    %mul3A_92 = arith.mulf %logistic3A_83, %slice3A_91 : vector<256x32xf32>
    %slice3A_93 = vector.extract_strided_slice %mul3A_67 {offsets = [0, 32], sizes = [256, 32], strides = [1, 1]} : vector<256x96xf32> to vector<256x32xf32>
    %mul3A_94 = arith.mulf %logistic3A_83, %slice3A_93 : vector<256x32xf32>
    %slice3A_95 = vector.extract_strided_slice %mul3A_67 {offsets = [0, 64], sizes = [256, 32], strides = [1, 1]} : vector<256x96xf32> to vector<256x32xf32>
    %mul3A_96 = arith.mulf %logistic3A_83, %slice3A_95 : vector<256x32xf32>
    %concatenate3A_97 = tpu.concatenate %mul3A_90, %mul3A_92, %mul3A_94, %mul3A_96 in 0 : vector<256x32xf32>, vector<256x32xf32>, vector<256x32xf32>, vector<256x32xf32> -> vector<1024x32xf32>
    %get3A_98 = arith.constant 0 : index
    %get3A_99 = arith.constant 0 : index
    %get3A_100 = vector.load %arg12[%get3A_98, %get3A_99] : memref<32x64xf32, #tpu.memory_space<vmem>>, vector<32x64xf32>
    %dot_general3A_101 = arith.constant dense<0.000000e+00> : vector<1024x64xf32>
    %dot_general3A_102 = tpu.matmul %concatenate3A_97, %get3A_100, %dot_general3A_101 {dimension_numbers = #tpu.dot_dimension_numbers<[1], [0], [0], [1], [0, 0, 1, 1], [], []>, transpose_lhs_hint = false} : vector<1024x32xf32>, vector<32x64xf32>, vector<1024x64xf32> -> vector<1024x64xf32>
    %slice3A_103 = vector.extract_strided_slice %dot_general3A_102 {offsets = [0, 0], sizes = [256, 32], strides = [1, 1]} : vector<1024x64xf32> to vector<256x32xf32>
    %slice3A_104 = vector.extract_strided_slice %dot_general3A_102 {offsets = [256, 32], sizes = [256, 32], strides = [1, 1]} : vector<1024x64xf32> to vector<256x32xf32>
    %slice3A_105 = vector.extract_strided_slice %dot_general3A_102 {offsets = [512, 32], sizes = [256, 32], strides = [1, 1]} : vector<1024x64xf32> to vector<256x32xf32>
    %slice3A_106 = vector.extract_strided_slice %dot_general3A_102 {offsets = [768, 32], sizes = [256, 32], strides = [1, 1]} : vector<1024x64xf32> to vector<256x32xf32>
    %concatenate3A_107 = tpu.concatenate %slice3A_103, %slice3A_104, %slice3A_105, %slice3A_106 in 1 : vector<256x32xf32>, vector<256x32xf32>, vector<256x32xf32>, vector<256x32xf32> -> vector<256x128xf32>
    %get3A_108 = arith.constant 0 : index
    %get3A_109 = arith.constant 0 : index
    %get3A_110 = arith.constant 0 : index
    %get3A_111 = vector.load %arg5[%get3A_108, %get3A_109, %get3A_110] : memref<1x256x128xf32, #tpu.memory_space<vmem>>, vector<1x256x128xf32>
    %get3A_112 = vector.shape_cast %get3A_111 : vector<1x256x128xf32> to vector<256x128xf32>
    %add3A_113 = arith.addf %get3A_112, %concatenate3A_107 : vector<256x128xf32>
    %swap3A = arith.constant 0 : index
    %swap3A_114 = arith.constant 0 : index
    %swap3A_115 = arith.constant 0 : index
    %swap3A_116 = vector.load %arg13[%swap3A, %swap3A_114, %swap3A_115] : memref<1x256x128xf32, #tpu.memory_space<vmem>>, vector<1x256x128xf32>
    %swap3A_117 = vector.shape_cast %swap3A_116 : vector<1x256x128xf32> to vector<256x128xf32>
    %swap3A_118 = vector.shape_cast %add3A_113 : vector<256x128xf32> to vector<1x256x128xf32>
    tpu.vector_store %arg13[%swap3A, %swap3A_114, %swap3A_115], %swap3A_118 {strides = array<i32>} : memref<1x256x128xf32, #tpu.memory_space<vmem>>, vector<1x256x128xf32>,
    return
  }
  func.func @transform_0(%arg0: i32, %arg1: i32) -> (i32, i32, i32, i32) {
    %c0_i32 = arith.constant 0 : i32
    %c0_i32_0 = arith.constant 0 : i32
    %c0_i32_1 = arith.constant 0 : i32
    return %arg0, %c0_i32, %arg1, %c0_i32_0 : i32, i32, i32, i32
  }
  func.func @transform_1(%arg0: i32, %arg1: i32) -> (i32, i32, i32, i32) {
    %c0_i32 = arith.constant 0 : i32
    %c0_i32_0 = arith.constant 0 : i32
    %c0_i32_1 = arith.constant 0 : i32
    return %arg0, %c0_i32, %arg1, %c0_i32_0 : i32, i32, i32, i32
  }
  func.func @transform_2(%arg0: i32, %arg1: i32) -> (i32, i32, i32, i32) {
    %c0_i32 = arith.constant 0 : i32
    %c0_i32_0 = arith.constant 0 : i32
    %c0_i32_1 = arith.constant 0 : i32
    return %arg0, %c0_i32, %arg1, %c0_i32_0 : i32, i32, i32, i32
  }
  func.func @transform_3(%arg0: i32, %arg1: i32) -> (i32, i32, i32) {
    %c0_i32 = arith.constant 0 : i32
    %c0_i32_0 = arith.constant 0 : i32
    return %arg0, %arg1, %c0_i32 : i32, i32, i32
  }
  func.func @transform_4(%arg0: i32, %arg1: i32) -> (i32, i32) {
    %c0_i32 = arith.constant 0 : i32
    %c0_i32_0 = arith.constant 0 : i32
    %c0_i32_1 = arith.constant 0 : i32
    return %c0_i32, %c0_i32_0 : i32, i32
  }
  func.func @transform_5(%arg0: i32, %arg1: i32) -> (i32, i32) {
    %c0_i32 = arith.constant 0 : i32
    %c0_i32_0 = arith.constant 0 : i32
    %c0_i32_1 = arith.constant 0 : i32
    return %c0_i32, %c0_i32_0 : i32, i32
  }
  func.func @transform_6(%arg0: i32, %arg1: i32) -> (i32, i32) {
    %c0_i32 = arith.constant 0 : i32
    %c0_i32_0 = arith.constant 0 : i32
    %c0_i32_1 = arith.constant 0 : i32
    return %c0_i32, %c0_i32_0 : i32, i32
  }
  func.func @transform_7(%arg0: i32, %arg1: i32) -> (i32, i32) {
    %c0_i32 = arith.constant 0 : i32
    %c0_i32_0 = arith.constant 0 : i32
    %c0_i32_1 = arith.constant 0 : i32
    return %c0_i32, %c0_i32_0 : i32, i32
  }
  func.func @transform_8(%arg0: i32, %arg1: i32) -> (i32, i32) {
    %c0_i32 = arith.constant 0 : i32
    %c0_i32_0 = arith.constant 0 : i32
    %c0_i32_1 = arith.constant 0 : i32
    return %c0_i32, %c0_i32_0 : i32, i32
  }
  func.func @transform_9(%arg0: i32, %arg1: i32) -> (i32, i32) {
    %c0_i32 = arith.constant 0 : i32
    %c0_i32_0 = arith.constant 0 : i32
    %c0_i32_1 = arith.constant 0 : i32
    return %c0_i32, %c0_i32_0 : i32, i32
  }
  func.func @transform_10(%arg0: i32, %arg1: i32) -> (i32, i32) {
    %c0_i32 = arith.constant 0 : i32
    %c0_i32_0 = arith.constant 0 : i32
    %c0_i32_1 = arith.constant 0 : i32
    return %c0_i32, %c0_i32_0 : i32, i32
  }
  func.func @transform_11(%arg0: i32, %arg1: i32) -> (i32, i32, i32) {
    %c0_i32 = arith.constant 0 : i32
    %c0_i32_0 = arith.constant 0 : i32
    return %arg0, %arg1, %c0_i32 : i32, i32, i32
  }
}

module attributes {stable_mosaic.version = 14 : i64} {
  func.func @_readout_body(%arg0: i32, %arg1: memref<1x2048x128xf32, #tpu.memory_space<vmem>>, %arg2: memref<32x128xf32, #tpu.memory_space<vmem>>, %arg3: memref<1x128xf32, #tpu.memory_space<vmem>>, %arg4: memref<128x64xf32, #tpu.memory_space<vmem>>, %arg5: memref<1x64xf32, #tpu.memory_space<vmem>>, %arg6: memref<64x10xf32, #tpu.memory_space<vmem>>, %arg7: memref<1x10xf32, #tpu.memory_space<vmem>>, %arg8: memref<1x1x10xf32, #tpu.memory_space<vmem>>) attributes {dimension_semantics = [#tpu.dimension_semantics<arbitrary>], iteration_bounds = array<i64: 8>, scalar_prefetch = 0 : i64, scratch_operands = 0 : i64, tpu.core_type = #tpu.core_type<tc>, window_params = [{transform_indices = @transform_0, window_bounds = array<i64: 1, 2048, 128>}, {pipeline_mode = #tpu.pipeline_mode<synchronous>, transform_indices = @transform_1, window_bounds = array<i64: 32, 128>}, {pipeline_mode = #tpu.pipeline_mode<synchronous>, transform_indices = @transform_2, window_bounds = array<i64: 1, 128>}, {pipeline_mode = #tpu.pipeline_mode<synchronous>, transform_indices = @transform_3, window_bounds = array<i64: 128, 64>}, {pipeline_mode = #tpu.pipeline_mode<synchronous>, transform_indices = @transform_4, window_bounds = array<i64: 1, 64>}, {pipeline_mode = #tpu.pipeline_mode<synchronous>, transform_indices = @transform_5, window_bounds = array<i64: 64, 10>}, {pipeline_mode = #tpu.pipeline_mode<synchronous>, transform_indices = @transform_6, window_bounds = array<i64: 1, 10>}, {transform_indices = @transform_7, window_bounds = array<i64: 1, 1, 10>}]} {
    %get3A = arith.constant 0 : index
    %get3A_0 = arith.constant 0 : index
    %get3A_1 = arith.constant 0 : index
    %get3A_2 = vector.load %arg1[%get3A, %get3A_0, %get3A_1] : memref<1x2048x128xf32, #tpu.memory_space<vmem>>, vector<1x2048x128xf32>
    %get3A_3 = vector.shape_cast %get3A_2 : vector<1x2048x128xf32> to vector<2048x128xf32>
    %slice3A = vector.extract_strided_slice %get3A_3 {offsets = [0, 0], sizes = [2048, 32], strides = [1, 1]} : vector<2048x128xf32> to vector<2048x32xf32>
    %reduce_sum3A = arith.constant dense<0.000000e+00> : vector<32xf32>
    %reduce_sum3A_4 = vector.multi_reduction <add>, %slice3A, %reduce_sum3A [0] : vector<2048x32xf32> to vector<32xf32>
    %broadcast_in_dim3A = vector.shape_cast %reduce_sum3A_4 : vector<32xf32> to vector<1x32xf32>
    %div3A = arith.constant 2.048000e+03 : f32
    %div3A_5 = vector.broadcast %div3A : f32 to vector<1x32xf32>
    %div3A_6 = arith.divf %broadcast_in_dim3A, %div3A_5 : vector<1x32xf32>
    %get3A_7 = arith.constant 0 : index
    %get3A_8 = arith.constant 0 : index
    %get3A_9 = vector.load %arg2[%get3A_7, %get3A_8] : memref<32x128xf32, #tpu.memory_space<vmem>>, vector<32x128xf32>
    %dot_general3A = arith.constant dense<0.000000e+00> : vector<1x128xf32>
    %dot_general3A_10 = tpu.matmul %div3A_6, %get3A_9, %dot_general3A {dimension_numbers = #tpu.dot_dimension_numbers<[1], [0], [0], [1], [0, 0, 1, 1], [], []>, transpose_lhs_hint = false} : vector<1x32xf32>, vector<32x128xf32>, vector<1x128xf32> -> vector<1x128xf32>
    %get3A_11 = arith.constant 0 : index
    %get3A_12 = arith.constant 0 : index
    %get3A_13 = vector.load %arg3[%get3A_11, %get3A_12] : memref<1x128xf32, #tpu.memory_space<vmem>>, vector<1x128xf32>
    %add3A = arith.addf %dot_general3A_10, %get3A_13 : vector<1x128xf32>
    %logistic3A = arith.negf %add3A : vector<1x128xf32>
    %logistic3A_14 = math.exp %logistic3A : vector<1x128xf32>
    %logistic3A_15 = arith.constant 1.000000e+00 : f32
    %logistic3A_16 = vector.broadcast %logistic3A_15 : f32 to vector<1x128xf32>
    %logistic3A_17 = arith.addf %logistic3A_16, %logistic3A_14 : vector<1x128xf32>
    %logistic3A_18 = arith.divf %logistic3A_16, %logistic3A_17 : vector<1x128xf32>
    %mul3A = arith.mulf %add3A, %logistic3A_18 : vector<1x128xf32>
    %get3A_19 = arith.constant 0 : index
    %get3A_20 = arith.constant 0 : index
    %get3A_21 = vector.load %arg4[%get3A_19, %get3A_20] : memref<128x64xf32, #tpu.memory_space<vmem>>, vector<128x64xf32>
    %dot_general3A_22 = arith.constant dense<0.000000e+00> : vector<1x64xf32>
    %dot_general3A_23 = tpu.matmul %mul3A, %get3A_21, %dot_general3A_22 {dimension_numbers = #tpu.dot_dimension_numbers<[1], [0], [0], [1], [0, 0, 1, 1], [], []>, transpose_lhs_hint = false} : vector<1x128xf32>, vector<128x64xf32>, vector<1x64xf32> -> vector<1x64xf32>
    %get3A_24 = arith.constant 0 : index
    %get3A_25 = arith.constant 0 : index
    %get3A_26 = vector.load %arg5[%get3A_24, %get3A_25] : memref<1x64xf32, #tpu.memory_space<vmem>>, vector<1x64xf32>
    %add3A_27 = arith.addf %dot_general3A_23, %get3A_26 : vector<1x64xf32>
    %logistic3A_28 = arith.negf %add3A_27 : vector<1x64xf32>
    %logistic3A_29 = math.exp %logistic3A_28 : vector<1x64xf32>
    %logistic3A_30 = arith.constant 1.000000e+00 : f32
    %logistic3A_31 = vector.broadcast %logistic3A_30 : f32 to vector<1x64xf32>
    %logistic3A_32 = arith.addf %logistic3A_31, %logistic3A_29 : vector<1x64xf32>
    %logistic3A_33 = arith.divf %logistic3A_31, %logistic3A_32 : vector<1x64xf32>
    %mul3A_34 = arith.mulf %add3A_27, %logistic3A_33 : vector<1x64xf32>
    %get3A_35 = arith.constant 0 : index
    %get3A_36 = arith.constant 0 : index
    %get3A_37 = vector.load %arg6[%get3A_35, %get3A_36] : memref<64x10xf32, #tpu.memory_space<vmem>>, vector<64x10xf32>
    %dot_general3A_38 = arith.constant dense<0.000000e+00> : vector<1x10xf32>
    %dot_general3A_39 = tpu.matmul %mul3A_34, %get3A_37, %dot_general3A_38 {dimension_numbers = #tpu.dot_dimension_numbers<[1], [0], [0], [1], [0, 0, 1, 1], [], []>, transpose_lhs_hint = false} : vector<1x64xf32>, vector<64x10xf32>, vector<1x10xf32> -> vector<1x10xf32>
    %get3A_40 = arith.constant 0 : index
    %get3A_41 = arith.constant 0 : index
    %get3A_42 = vector.load %arg7[%get3A_40, %get3A_41] : memref<1x10xf32, #tpu.memory_space<vmem>>, vector<1x10xf32>
    %add3A_43 = arith.addf %dot_general3A_39, %get3A_42 : vector<1x10xf32>
    %swap3A = arith.constant 0 : index
    %swap3A_44 = arith.constant 0 : index
    %swap3A_45 = arith.constant 0 : index
    %swap3A_46 = vector.load %arg8[%swap3A, %swap3A_44, %swap3A_45] : memref<1x1x10xf32, #tpu.memory_space<vmem>>, vector<1x1x10xf32>
    %swap3A_47 = vector.shape_cast %swap3A_46 : vector<1x1x10xf32> to vector<1x10xf32>
    %swap3A_48 = vector.shape_cast %add3A_43 : vector<1x10xf32> to vector<1x1x10xf32>
    tpu.vector_store %arg8[%swap3A, %swap3A_44, %swap3A_45], %swap3A_48 {strides = array<i32>} : memref<1x1x10xf32, #tpu.memory_space<vmem>>, vector<1x1x10xf32>,
    return
  }
  func.func @transform_0(%arg0: i32) -> (i32, i32, i32) {
    %c0_i32 = arith.constant 0 : i32
    %c0_i32_0 = arith.constant 0 : i32
    %c0_i32_1 = arith.constant 0 : i32
    return %arg0, %c0_i32, %c0_i32_0 : i32, i32, i32
  }
  func.func @transform_1(%arg0: i32) -> (i32, i32) {
    %c0_i32 = arith.constant 0 : i32
    %c0_i32_0 = arith.constant 0 : i32
    %c0_i32_1 = arith.constant 0 : i32
    return %c0_i32, %c0_i32_0 : i32, i32
  }
  func.func @transform_2(%arg0: i32) -> (i32, i32) {
    %c0_i32 = arith.constant 0 : i32
    %c0_i32_0 = arith.constant 0 : i32
    %c0_i32_1 = arith.constant 0 : i32
    return %c0_i32, %c0_i32_0 : i32, i32
  }
  func.func @transform_3(%arg0: i32) -> (i32, i32) {
    %c0_i32 = arith.constant 0 : i32
    %c0_i32_0 = arith.constant 0 : i32
    %c0_i32_1 = arith.constant 0 : i32
    return %c0_i32, %c0_i32_0 : i32, i32
  }
  func.func @transform_4(%arg0: i32) -> (i32, i32) {
    %c0_i32 = arith.constant 0 : i32
    %c0_i32_0 = arith.constant 0 : i32
    %c0_i32_1 = arith.constant 0 : i32
    return %c0_i32, %c0_i32_0 : i32, i32
  }
  func.func @transform_5(%arg0: i32) -> (i32, i32) {
    %c0_i32 = arith.constant 0 : i32
    %c0_i32_0 = arith.constant 0 : i32
    %c0_i32_1 = arith.constant 0 : i32
    return %c0_i32, %c0_i32_0 : i32, i32
  }
  func.func @transform_6(%arg0: i32) -> (i32, i32) {
    %c0_i32 = arith.constant 0 : i32
    %c0_i32_0 = arith.constant 0 : i32
    %c0_i32_1 = arith.constant 0 : i32
    return %c0_i32, %c0_i32_0 : i32, i32
  }
  func.func @transform_7(%arg0: i32) -> (i32, i32, i32) {
    %c0_i32 = arith.constant 0 : i32
    %c0_i32_0 = arith.constant 0 : i32
    %c0_i32_1 = arith.constant 0 : i32
    return %arg0, %c0_i32, %c0_i32_0 : i32, i32, i32
  }
}

</mosaic_0001>

<sc_bundles>
// kernel: kernel.13.cloned.1.call-start
scs
__scs_entry_jumppad:
0x0: {  	(pc) =	sbr.rel $0x88, $3  }
0x1: {  	(tag) =	ssettag $0x0;
	lr =	simm.s32 $0x1  }
0x2: {  	[smem:$0x3F91] =	sst lr;
	_ =	strace $0xD0000000  }
0x3: {  	_ = 	snop  }
0x4: {  	_ = 	snop  }
0x5: {  	_ = 	snop  }
0x6: {  	_ = 	snop  }
0x7: {  	_ = 	snop  }
__scs_overlays_trampoline_lowered:
0x8: {  	[smem:$0x3FA0] =	sst s0  }
0x9: {  	[smem:$0x3FA1] =	sst s1  }
0xa: {  	[smem:$0x3FA2] =	sst s2  }
0xb: {  	[smem:$0x3FA3] =	sst s3  }
0xc: {  	[smem:$0x3FA4] =	sst s4  }
0xd: {  	[smem:$0x3FA5] =	sst s5  }
0xe: {  	[smem:$0x3FA6] =	sst s6  }
0xf: {  	[smem:$0x3FA7] =	sst s7  }
0x10: {  	[smem:$0x3FA8] =	sst s8  }
0x11: {  	[smem:$0x3FA9] =	sst s9;
	s0 =	simm.s32 @!p0 $0x0  }
0x12: {  	s1 =	sld [smem:$0x3F8F];
	s0 =	simm.s32 @p0 $0x1  }
0x13: {  	[smem:$0x3FAA] =	sst s0;
	s0 =	simm.s32 @!p1 $0x0  }
0x14: {  	s2 =	sld [smem:$0x3F8E];
	s0 =	simm.s32 @p1 $0x1  }
0x15: {  	[smem:$0x3FAB] =	sst s0;
	s0 =	simm.s32 @!p2 $0x0  }
0x16: {  	s3 =	sld [smem:$0x3FDB];
	s0 =	simm.s32 @p2 $0x1  }
0x17: {  	s4 =	simm.s32 $0x1BF5;
	[smem:$0x3FAD] =	sst s0  }
0x18: {  	s0 =	sld [smem:$0x3F90];
	_ =	swait.ge [sflag:s4], $0x0  }
0x19: {  	s7 =	sld [smem:$0x3F91]  }
0x1a: {  	s8 =	sadd.s32 $0xFFFFE003, lr  }
0x1b: {  	s9 =	sadd.s32 $0xFFFFFEF7, lr;
	s5 =	simm.s32 $0xFFFFFFFF;
	p2 =	slt.u32 s8, $0xFFFFF086  }
0x1c: {  	p1 =	slt.u32 s9, $0xF7A;
	s5 =	simm.s32 @!p2 $0x0  }
0x1d: {  	s5 =	simm.s32 @p1 $0x1;
	p0 =	seq.s32 s7, s2  }
0x1e: {  	s7 =	smul.u32 @!p0 $0xF7A, s2;
	p2 =	seq.s32 @!p0 s5, $0x0  }
0x1f: {  	s9 =	smul.u32 $0xF7A, s1;
	s8 =	simm.s32 @!p0 $0x1BF5;
	p2 =	por !p2, p0  }
0x20: {  	[sflag:s8] =	ssyncset.s32 @!p0 $0xFFFFF086;
	s6 =	sadd.s32 @!p0 s3, s7;
	s7 =	simm.s32 @!p0 $0x108  }
0x21: {  	s3 =	sadd.s32 s3, s9;
	s6 =	sadd.s32 @!p0 $0x88, s6;
	s7 =	simm.s32 @p2 $0x1082  }
0x22: {  	[simem:s7], [sflag:s8] =	dma.local @!p0 [hbm:s6], $0xF7A  }
0x23: {  	s9 =	sor.u32 $0xD0000000, s2;
	s6 =	simm.s32 $0x108;
	_ =	swait.ge @!p0 [sflag:s8], $0x0  }
0x24: {  	s3 =	sadd.s32 $0x88, s3;
	s6 =	simm.s32 @!p1 $0x1082;
	[sflag:s4] =	ssyncset.s32 $0xFFFFF086  }
0x25: {  	[simem:s6], [sflag:s4] =	dma.local [hbm:s3], $0xF7A  }
0x26: {  	[smem:$0x3F91] =	sst s1;
	(tag) =	ssettag s2;
	_ =	strace s9  }
0x27: {  	s1 =	sld [smem:$0x3FA1]  }
0x28: {  	s2 =	sld [smem:$0x3FA2]  }
0x29: {  	s4 =	sld [smem:$0x3FA4]  }
0x2a: {  	p0 =	seq.s32 s5, $0x0;
	s5 =	sld [smem:$0x3FA5]  }
0x2b: {  	s6 =	sld [smem:$0x3FA6]  }
0x2c: {  	s7 =	sld [smem:$0x3FA7]  }
0x2d: {  	s3 =	simm.s32 $0x108;
	s8 =	sld [smem:$0x3FA8]  }
0x2e: {  	s3 =	simm.s32 @!p0 $0x1082;
	s9 =	sld [smem:$0x3FA9]  }
0x2f: {  	lr =	sadd.s32 s0, s3;
	s0 =	sld [smem:$0x3FA0]  }
0x30: {  	s3 =	sld [smem:$0x3FA3]  }
0x31: {  	[smem:$0x3FAC] =	sst s10  }
0x32: {  	s10 =	sld [smem:$0x3FAA];
	_ =	sdelay $0x3  }
0x33: {  	p0 =	seq.s32 s10, $0x1;
	s10 =	sld [smem:$0x3FAC];
	_ =	sdelay $0x3  }
0x34: {  	[smem:$0x3FAC] =	sst s10  }
0x35: {  	s10 =	sld [smem:$0x3FAB];
	_ =	sdelay $0x3  }
0x36: {  	p1 =	seq.s32 s10, $0x1;
	s10 =	sld [smem:$0x3FAC];
	_ =	sdelay $0x3  }
0x37: {  	[smem:$0x3FAC] =	sst s10  }
0x38: {  	s10 =	sld [smem:$0x3FAD]  }
0x39: {  	_ = 	snop;
	(pc) =	sbr.ind lr, $3  }
0x3a: {  	_ = 	snop  }
0x3b: {  	_ = 	snop  }
0x3c: {  	p2 =	seq.s32 s10, $0x1;
	s10 =	sld [smem:$0x3FAC]  }
0x3d: {  	_ =	shalt  }
0x3e: {  	_ =	shalt  }
0x3f: {  	_ =	shalt  }
0x40: {  	_ =	shalt  }
0x41: {  	_ =	shalt  }
0x42: {  	_ =	shalt  }
0x43: {  	_ =	shalt  }
0x44: {  	_ =	shalt  }
0x45: {  	_ =	shalt  }
0x46: {  	_ =	shalt  }
0x47: {  	_ =	shalt  }
0x48: {  	_ =	shalt  }
0x49: {  	_ =	shalt  }
0x4a: {  	_ =	shalt  }
0x4b: {  	_ =	shalt  }
0x4c: {  	_ =	shalt  }
0x4d: {  	_ =	shalt  }
0x4e: {  	_ =	shalt  }
0x4f: {  	_ =	shalt  }
0x50: {  	_ =	shalt  }
0x51: {  	_ =	shalt  }
0x52: {  	_ =	shalt  }
0x53: {  	_ =	shalt  }
0x54: {  	_ =	shalt  }
0x55: {  	_ =	shalt  }
0x56: {  	_ =	shalt  }
0x57: {  	_ =	shalt  }
0x58: {  	_ =	shalt  }
0x59: {  	_ =	shalt  }
0x5a: {  	_ =	shalt  }
0x5b: {  	_ =	shalt  }
0x5c: {  	_ =	shalt  }
0x5d: {  	_ =	shalt  }
0x5e: {  	_ =	shalt  }
0x5f: {  	_ =	shalt  }
0x60: {  	_ =	shalt  }
0x61: {  	_ =	shalt  }
0x62: {  	_ =	shalt  }
0x63: {  	_ =	shalt  }
0x64: {  	_ =	shalt  }
0x65: {  	_ =	shalt  }
0x66: {  	_ =	shalt  }
0x67: {  	_ =	shalt  }
0x68: {  	_ =	shalt  }
0x69: {  	_ =	shalt  }
0x6a: {  	_ =	shalt  }
0x6b: {  	_ =	shalt  }
0x6c: {  	_ =	shalt  }
0x6d: {  	_ =	shalt  }
0x6e: {  	_ =	shalt  }
0x6f: {  	_ =	shalt  }
0x70: {  	_ =	shalt  }
0x71: {  	_ =	shalt  }
0x72: {  	_ =	shalt  }
0x73: {  	_ =	shalt  }
0x74: {  	_ =	shalt  }
0x75: {  	_ =	shalt  }
0x76: {  	_ =	shalt  }
0x77: {  	_ =	shalt  }
0x78: {  	_ =	shalt  }
0x79: {  	_ =	shalt  }
0x7a: {  	_ =	shalt  }
0x7b: {  	_ =	shalt  }
0x7c: {  	_ =	shalt  }
0x7d: {  	_ =	shalt  }
0x7e: {  	_ =	shalt  }
0x7f: {  	_ =	shalt  }
0x80: {  	_ =	shalt  }
0x81: {  	_ =	shalt  }
0x82: {  	_ =	shalt  }
0x83: {  	_ =	shalt  }
0x84: {  	_ =	shalt  }
0x85: {  	_ =	shalt  }
0x86: {  	_ =	shalt  }
0x87: {  	_ =	shalt  }
.Lfunc_end0:
.L_simem_size_0:
called_computation_lowered:
.L_overlay_start_0:
0x88: {  	s2 =	sld [smem:$0x3FD9]  }
0x89: {  	s3 =	sld [smem:$0x3FFE];
	_ =	sdelay $0x1  }
0x8a: {  	s1 =	srdreg.scid  }
0x8b: {  	s0 =	sand.u32 $0x1, s1  }
0x8c: {  	s16 =	sshll.u32 s0, $0xA;
	s2 =	sadd.s32 s3, s2  }
0x8d: {  	s2 =	sadd.s32 s2, s16  }
0x8e: {  	[smem:$0x3FB8] =	sst s2  }
0x8f: {  	_ = 	snop  }
0x90: {  	(tm) =	ssettm $0x1  }
0x91: {  	s17 =	sld [smem:$0x3FFB];
	_ =	sdelay $0x3  }
0x92: {  	_ =	strace s17  }
0x93: {  	s2 =	sld [smem:$0x3FFC];
	_ =	sdelay $0x3  }
0x94: {  	_ =	strace s2  }
0x95: {  	s2 =	sld [smem:$0x3FFD];
	_ =	sdelay $0x3  }
0x96: {  	_ =	strace s2  }
0x97: {  	_ =	strace $0x8FFFFFFF  }
0x98: {  	s18 =	sld [smem:$0x3FDB];
	_ =	sdelay $0x1  }
0x99: {  	s19 =	simm.s32 $_scs_section_size  }
0x9a: {  	s4 =	simm.s32 $_size__tile_overlayer_lowered;
	s5 =	simm.s32 $_tile_overlayer_lowered  }
0x9b: {  	s22 =	simm.s32 $0x1BFF;
	s21 =	sshll.u32 s5, $0x1;
	s2 =	sadd.s32 s19, s18  }
0x9c: {  	s6 =	simm.s32 $0x0;
	s20 =	sshll.u32 s4, $0x1;
	s4 =	sadd.s32 s21, s2  }
0x9d: {  	[timem:s6], [sflag:s22] =	dma.local [hbm:s4], s20  }
0x9e: {  	_ =	swait.ge [sflag:s22], s20  }
0x9f: {  	s3 =	ssub.s32 $0x0, s20;
	[sflag:s22] =	ssyncset.done $0x0  }
0xa0: {  	[sflag:s22] =	ssyncadd.s32 s3;
	_ =	sdelay $0x1  }
0xa1: {  	s23 =	simm.s32 $0x1B8B  }
0xa2: {  	_ =	swait.ge [sflag:s23], $0x1  }
0xa3: {  	[sflag:s23] =	ssyncset.done $0x0  }
0xa4: {  	s25 =	simm.s32 $0x1B8E;
	s24 =	sld [smem:$0x3FFE];
	[sflag:s23] =	ssyncadd.s32 $0xFFFFFFFF  }
0xa5: {  	s26 =	simm.s32 $execute0_lowered;
	[smem:$0x3FD2] =	sst s25  }
0xa6: {  	s4 =	sshll.u32 s26, $0x1;
	_ =	strace $0x80000046;
	[dreg:$0x1] =	wrdreg $0xFFFFFFFF  }
0xa7: {  	s28 =	simm.s32 $_size_execute0_lowered;
	s2 =	sadd.s32 s2, s4;
	[dreg:$0x0] =	wrdreg $0x0  }
0xa8: {  	s4 =	sshll.u32 s28, $0x1;
	[dreg:$0x2] =	wrdreg s2  }
0xa9: {  	[dreg:$0x3] =	wrdreg s4  }
0xaa: {  	[dreg:$0x4] =	wrdreg $0xC0  }
0xab: {  	_ =	task [dreg:s6], $0x5FFFF  }
0xac: {  	[dreg:$0x1] =	wrdreg $0xFFFFFFFF  }
0xad: {  	[dreg:$0x0] =	wrdreg $0x60  }
0xae: {  	[dreg:$0x2] =	wrdreg s24  }
0xaf: {  	[dreg:$0x3] =	wrdreg $0x9  }
0xb0: {  	_ =	task.clear_ibuf [dreg:s6], $0x4FFFF;
	_ =	strace $0x90000046  }
0xb1: {  	s29 =	simm.s32 $0x9;
	_ =	strace $0x80000048  }
0xb2: {  	_ =	swait.ge [sflag:s29], $0x1  }
0xb3: {  	[sflag:s29] =	ssyncadd.s32 $0xFFFFFFFF  }
0xb4: {  	_ =	strace $0x90000048  }
0xb5: {  	_ =	sfence  }
0xb6: {  	s30 =	sld [smem:$0x0];
	_ =	sdelay $0x2  }
0xb7: {  	s31 =	sshll.u32 s1, $0xD;
	s1 =	sshrl.u32 s1, $0x2  }
0xb8: {  	s3 =	sand.u32 $0x4000, s31;
	s1 =	sadd.s32 s1, s30  }
0xb9: {  	s0 =	sor.u32 s3, s0;
	s1 =	sshll.u32 s1, $0x11  }
0xba: {  	s0 =	sor.u32 s1, s0  }
0xbb: {  	s0 =	sadd.s32 $0x8F2B, s0  }
0xbc: {  	[sflag:s0] =	ssyncadd.remote.s32 $0x1  }
0xbd: {  	_ =	sfence.sel $0xFFFF  }
0xbe: {  	[dreg:$0x0] =	wrdreg $0xFFFFFFFF;
	(pc) =	sbr.abs _section_cstart, $3  }
0xbf: {  	[dreg:$0x1] =	wrdreg $0xFFFFFFFF  }
0xc0: {  	_ =	task.clear_ibuf [dreg:s6], $0x2FFFF;
	_ =	strace $0x9FFFFFFF  }
0xc1: {  	(tm) =	ssettm $0x7FFFFFFF  }
tec
execute0_lowered:
.L_overlay_start_1:
0x0: {  	(tag) =	ssettag $0x1  }
0x1: {  	s4 =	rddreg [dreg:$0x0]  }
0x2: {  	s0 =	rddreg [dreg:$0x1]  }
0x3: {  	s1 =	simm.s32 $0x0;
	s2 =	srdreg.scid;
	s19 =	simm.s32 $0x2400  }
0x4: {  	s20 =	simm.s32 $0x1;
	s21 =	simm.s32 $0x3;
	s22 =	simm.s32 $0x2  }
0x5: {  	s23 =	simm.s32 $0x4;
	s24 =	simm.s32 $0x0;
	[smem:$0x7FF] =	sst s1  }
0x6: {  	s3 =	sadd.s32 $0x412800, s4;
	s13 =	sand.u32 $0x1, s2;
	s15 =	sadd.s32 $0x40A800, s4  }
0x7: {  	s2 =	stileid.u32;
	s14 =	sadd.s32 $0x41A800, s4;
	_ =	strace $0x80000047  }
0x8: {  	s5 =	ssub.s32 $0x2, s13;
	s7 =	sshll.u32 s2, $0xE;
	s8 =	sshll.u32 s13, $0xD  }
0x9: {  	s18 =	sshll.u32 s2, $0xF;
	s6 =	sshrl.u32 s5, $0x1;
	s16 =	sor.u32 s8, s7  }
0xa: {  	s13 =	sshll.u32 s13, $0xE;
	s6 =	ssub.s32 s5, s6;
	s29 =	sshrl.u32 s16, $0x3  }
0xb: {  	s30 =	sshll.u32 s16, $0x1;
	s7 =	sor.u32 $0x400, s16;
	s17 =	sor.u32 $0x800, s16  }
0xc: {  	s16 =	sor.u32 $0x600, s16;
	s4 =	sadd.s32 s15, s29;
	s5 =	sadd.s32 s14, s30  }
0xd: {  	s31 =	sshrl.u32 s7, $0x3;
	s6 =	smax.u32 s6, $0x1;
	s14 =	sadd.s32 s18, s14  }
0xe: {  	s17 =	sshrl.u32 s17, $0x3;
	s16 =	sshrl.u32 s16, $0x3;
	s18 =	simm.s32 $0x400  }
0xf: {  	s7 =	sadd.s32 $0x40, s4;
	s8 =	sadd.s32 s15, s31;
	s9 =	sadd.s32 $0x400, s5  }
0x10: {  	s10 =	sadd.s32 $0x3C0, s4;
	s11 =	sadd.s32 $0x3800, s5;
	s12 =	sadd.s32 $0x3C00, s5  }
0x11: {  	s14 =	sadd.s32 s13, s14;
	s13 =	sadd.s32 s17, s15;
	s15 =	sadd.s32 s16, s15  }
0x12: {  	s16 =	simm.s32 $0x5;
	s17 =	simm.s32 $0x200;
	s14 =	sadd.s32 $0x800, s14  }
.LBB2_1:
0x13: {  	[tilespmem:s1], [sflag:$0x5] =	stream.linear.gather [hbm4b:s4+s1], $0x200, $0x38;
	[tilespmem:$0x4400] =	vst v63  }
0x14: {  	_ =	swait.ge [sflag:s16], $0x200  }
0x15: {  	[sflag:s16] =	ssyncset.done $0x0  }
0x16: {  	[sflag:s16] =	ssyncadd.s32 $0xFFFFFE00  }
0x17: {  	[tilespmem:s18], [sflag:$0x1] =	stream.indirect.gather [hbm4b:s3+s17], $0x10, s1, s17, $0xb8;
	[tilespmem:$0x4400] =	vst v63  }
0x18: {  	_ = 	snop  }
0x19: {  	[tilespmem:s17], [sflag:$0x5] =	stream.linear.gather [hbm4b:s7+s1], $0x200, $0x38;
	[tilespmem:$0x4400] =	vst v63  }
0x1a: {  	_ =	swait.ge [sflag:s16], $0x200  }
0x1b: {  	[sflag:s16] =	ssyncset.done $0x0  }
0x1c: {  	[sflag:s16] =	ssyncadd.s32 $0xFFFFFE00  }
0x1d: {  	[tilespmem:s19], [sflag:$0x2] =	stream.indirect.gather [hbm4b:s3+s17], $0x10, s17, s17, $0xb8;
	[tilespmem:$0x4400] =	vst v63  }
0x1e: {  	_ =	swait.ge [sflag:s20], $0x2000  }
0x1f: {  	[sflag:s20] =	ssyncset.done $0x0  }
0x20: {  	[sflag:s20] =	ssyncadd.s32 $0xFFFFE000  }
0x21: {  	[hbm4b:s5+s1] =	stream.linear.scatter [tilespmem:s18], [sflag:$0x3], $0x2000, $0x38;
	[tilespmem:$0x4400] =	vst v63  }
0x22: {  	_ =	swait.ge [sflag:s21], $0x2000  }
0x23: {  	[sflag:s21] =	ssyncset.done $0x0  }
0x24: {  	[sflag:s21] =	ssyncadd.s32 $0xFFFFE000  }
0x25: {  	[tilespmem:s1], [sflag:$0x5] =	stream.linear.gather [hbm4b:s8+s1], $0x200, $0x38;
	[tilespmem:$0x4400] =	vst v63  }
0x26: {  	_ =	swait.ge [sflag:s16], $0x200  }
0x27: {  	[sflag:s16] =	ssyncset.done $0x0  }
0x28: {  	[sflag:s16] =	ssyncadd.s32 $0xFFFFFE00  }
0x29: {  	[tilespmem:s18], [sflag:$0x1] =	stream.indirect.gather [hbm4b:s3+s17], $0x10, s1, s17, $0xb8;
	[tilespmem:$0x4400] =	vst v63  }
0x2a: {  	_ =	swait.ge [sflag:s22], $0x2000  }
0x2b: {  	[sflag:s22] =	ssyncset.done $0x0  }
0x2c: {  	[sflag:s22] =	ssyncadd.s32 $0xFFFFE000  }
0x2d: {  	[hbm4b:s9+s1] =	stream.linear.scatter [tilespmem:s19], [sflag:$0x4], $0x2000, $0x38;
	[tilespmem:$0x4400] =	vst v63  }
0x2e: {  	_ =	swait.ge [sflag:s23], $0x2000  }
0x2f: {  	[sflag:s23] =	ssyncset.done $0x0  }
0x30: {  	s25 =	sadd.s32 $0x0, s15;
	[sflag:s23] =	ssyncadd.s32 $0xFFFFE000  }
0x31: {  	[tilespmem:s17], [sflag:$0x5] =	stream.linear.gather [hbm4b:s25+s1], $0x200, $0x38;
	[tilespmem:$0x4400] =	vst v63  }
0x32: {  	_ =	swait.ge [sflag:s16], $0x200  }
0x33: {  	[sflag:s16] =	ssyncset.done $0x0  }
0x34: {  	[sflag:s16] =	ssyncadd.s32 $0xFFFFFE00  }
0x35: {  	[tilespmem:s19], [sflag:$0x2] =	stream.indirect.gather [hbm4b:s3+s17], $0x10, s17, s17, $0xb8;
	[tilespmem:$0x4400] =	vst v63  }
0x36: {  	_ =	swait.ge [sflag:s20], $0x2000  }
0x37: {  	[sflag:s20] =	ssyncset.done $0x0  }
0x38: {  	[sflag:s20] =	ssyncadd.s32 $0xFFFFE000  }
0x39: {  	[hbm4b:s14+s1] =	stream.linear.scatter [tilespmem:s18], [sflag:$0x3], $0x2000, $0x38;
	[tilespmem:$0x4400] =	vst v63  }
0x3a: {  	_ =	swait.ge [sflag:s21], $0x2000  }
0x3b: {  	[sflag:s21] =	ssyncset.done $0x0  }
0x3c: {  	s31 =	sadd.s32 $0x0, s13;
	[sflag:s21] =	ssyncadd.s32 $0xFFFFE000  }
0x3d: {  	[tilespmem:s1], [sflag:$0x5] =	stream.linear.gather [hbm4b:s31+s1], $0x200, $0x38;
	[tilespmem:$0x4400] =	vst v63  }
0x3e: {  	_ =	swait.ge [sflag:s16], $0x200  }
0x3f: {  	[sflag:s16] =	ssyncset.done $0x0  }
0x40: {  	[sflag:s16] =	ssyncadd.s32 $0xFFFFFE00  }
0x41: {  	[tilespmem:s18], [sflag:$0x1] =	stream.indirect.gather [hbm4b:s3+s17], $0x10, s1, s17, $0xb8;
	[tilespmem:$0x4400] =	vst v63  }
0x42: {  	_ =	swait.ge [sflag:s22], $0x2000  }
0x43: {  	s28 =	sadd.s32 $0x400, s14;
	[sflag:s22] =	ssyncset.done $0x0  }
0x44: {  	s26 =	sadd.s32 $0x800, s14;
	s25 =	simm.s32 $0x80;
	[sflag:s22] =	ssyncadd.s32 $0xFFFFE000  }
.LBB2_2:
0x45: {  	[hbm4b:s28+s1] =	stream.linear.scatter [tilespmem:s19], [sflag:$0x4], $0x2000, $0x38;
	[tilespmem:$0x4400] =	vst v63  }
0x46: {  	s28 =	smov.u32 s25  }
0x47: {  	p0 =	sne.s32 s25, $0x280;
	s25 =	sadd.s32 $0x80, s25;
	_ =	swait.ge [sflag:s23], $0x2000  }
0x48: {  	[sflag:s23] =	ssyncset.done $0x0  }
0x49: {  	s29 =	sadd.s32 s28, s15;
	[sflag:s23] =	ssyncadd.s32 $0xFFFFE000  }
0x4a: {  	[tilespmem:s17], [sflag:$0x5] =	stream.linear.gather [hbm4b:s29+s1], $0x200, $0x38;
	[tilespmem:$0x4400] =	vst v63  }
0x4b: {  	_ =	swait.ge [sflag:s16], $0x200  }
0x4c: {  	[sflag:s16] =	ssyncset.done $0x0  }
0x4d: {  	[sflag:s16] =	ssyncadd.s32 $0xFFFFFE00  }
0x4e: {  	[tilespmem:s19], [sflag:$0x2] =	stream.indirect.gather [hbm4b:s3+s17], $0x10, s17, s17, $0xb8;
	[tilespmem:$0x4400] =	vst v63  }
0x4f: {  	_ =	swait.ge [sflag:s20], $0x2000  }
0x50: {  	[sflag:s20] =	ssyncset.done $0x0  }
0x51: {  	[sflag:s20] =	ssyncadd.s32 $0xFFFFE000  }
0x52: {  	[hbm4b:s26+s1] =	stream.linear.scatter [tilespmem:s18], [sflag:$0x3], $0x2000, $0x38;
	[tilespmem:$0x4400] =	vst v63  }
0x53: {  	_ =	swait.ge [sflag:s21], $0x2000  }
0x54: {  	[sflag:s21] =	ssyncset.done $0x0  }
0x55: {  	s28 =	sadd.s32 s28, s13;
	[sflag:s21] =	ssyncadd.s32 $0xFFFFE000  }
0x56: {  	[tilespmem:s1], [sflag:$0x5] =	stream.linear.gather [hbm4b:s28+s1], $0x200, $0x38;
	[tilespmem:$0x4400] =	vst v63  }
0x57: {  	_ =	swait.ge [sflag:s16], $0x200  }
0x58: {  	[sflag:s16] =	ssyncset.done $0x0  }
.Ltmp0:
0x59: {  	[sflag:s16] =	ssyncadd.s32 $0xFFFFFE00;
	(pc) =	sbr.rel @p0 .LBB2_2-.Ltmp0, $4  }
0x5a: {  	[tilespmem:s18], [sflag:$0x1] =	stream.indirect.gather [hbm4b:s3+s17], $0x10, s1, s17, $0xb8;
	[tilespmem:$0x4400] =	vst v63  }
0x5b: {  	_ =	swait.ge [sflag:s22], $0x2000  }
0x5c: {  	[sflag:s22] =	ssyncset.done $0x0  }
0x5d: {  	s28 =	sadd.s32 $0x400, s26;
	s26 =	sadd.s32 $0x800, s26;
	[sflag:s22] =	ssyncadd.s32 $0xFFFFE000  }
0x5e: {  	[hbm4b:s28+s1] =	stream.linear.scatter [tilespmem:s19], [sflag:$0x4], $0x2000, $0x38;
	[tilespmem:$0x4400] =	vst v63  }
0x5f: {  	_ =	swait.ge [sflag:s23], $0x2000  }
0x60: {  	[sflag:s23] =	ssyncset.done $0x0  }
0x61: {  	[sflag:s23] =	ssyncadd.s32 $0xFFFFE000  }
0x62: {  	[tilespmem:s17], [sflag:$0x5] =	stream.linear.gather [hbm4b:s10+s1], $0x200, $0x38;
	[tilespmem:$0x4400] =	vst v63  }
0x63: {  	_ =	swait.ge [sflag:s16], $0x200  }
0x64: {  	[sflag:s16] =	ssyncset.done $0x0  }
0x65: {  	[sflag:s16] =	ssyncadd.s32 $0xFFFFFE00  }
0x66: {  	[tilespmem:s19], [sflag:$0x2] =	stream.indirect.gather [hbm4b:s3+s17], $0x10, s17, s17, $0xb8;
	[tilespmem:$0x4400] =	vst v63  }
0x67: {  	_ =	swait.ge [sflag:s20], $0x2000  }
0x68: {  	[sflag:s20] =	ssyncset.done $0x0  }
0x69: {  	[sflag:s20] =	ssyncadd.s32 $0xFFFFE000  }
0x6a: {  	[hbm4b:s11+s1] =	stream.linear.scatter [tilespmem:s18], [sflag:$0x3], $0x2000, $0x38;
	[tilespmem:$0x4400] =	vst v63  }
0x6b: {  	_ =	swait.ge [sflag:s22], $0x2000  }
0x6c: {  	[sflag:s22] =	ssyncset.done $0x0  }
0x6d: {  	s24 =	sadd.s32 $0x1, s24;
	[sflag:s22] =	ssyncadd.s32 $0xFFFFE000  }
0x6e: {  	[hbm4b:s12+s1] =	stream.linear.scatter [tilespmem:s19], [sflag:$0x4], $0x2000, $0x38;
	[tilespmem:$0x4400] =	vst v63  }
0x6f: {  	p0 =	sne.s32 s24, s6;
	_ =	swait.ge [sflag:s21], $0x2000  }
.Ltmp1:
0x70: {  	[sflag:s21] =	ssyncset.done $0x0;
	(pc) =	sbr.rel @p0 .LBB2_1-.Ltmp1, $4  }
0x71: {  	[sflag:s21] =	ssyncadd.s32 $0xFFFFE000  }
0x72: {  	_ =	swait.ge [sflag:s23], $0x2000  }
0x73: {  	[sflag:s23] =	ssyncset.done $0x0  }
0x74: {  	[sflag:s23] =	ssyncadd.s32 $0xFFFFE000  }
0x75: {  	_ =	sfence.sel $0x180000  }
0x76: {  	[bflag:$0x0] =	sbarrier.arrive $0xFFFF  }
0x77: {  	p0 =	sne.s32 s2, $0x0;
	_ =	strace $0x90000047  }
0x78: {  	s0 =	sadd.s32 @!p0 $0x100000, s0;
	[bflag:$0x2] =	sbarrier.arrive $0xFFFF  }
0x79: {  	[sflag:s0] =	ssyncadd.tile.s32 @!p0 $0x1;
	_ =	shalt  }
.Lfunc_end2:
_tile_overlayer_lowered:
.L_overlay_start_2:
0x7a: {  	(tag) =	ssettag $0x2  }
0x7b: {  	s0 =	rddreg [dreg:$0x0];
	s2 =	stileid.u32  }
0x7c: {  	s1 =	rddreg [dreg:$0x1];
	p0 =	sne.s32 s2, $0x0  }
0x7d: {  	s3 =	rddreg [dreg:$0x2];
	[bflag:$0x3] =	sbarrier.arrive $0xFFFF;
	s2 =	simm.s32 @!p0 $0x1C05  }
0x7e: {  	[timem:s3], [sflag:s2] =	dma.local @!p0 [hbm:s0], s1  }
0x7f: {  	s0 =	simm.s32 @!p0 $0x5  }
0x80: {  	_ =	swait.ge @!p0 [sflag:s0], s1  }
0x81: {  	s1 =	ssub.s32 @!p0 $0x0, s1;
	[sflag:s0] =	ssyncset.done @!p0 $0x0  }
0x82: {  	[sflag:s0] =	ssyncadd.s32 @!p0 s1  }
0x83: {  	[bflag:$0x3] =	sbarrier.arrive $0xFFFF  }
0x84: {  	_ =	shalt  }

// kernel: kernel.16.cloned.1.call-start
scs
__scs_entry_jumppad:
0x0: {  	(pc) =	sbr.rel $0x88, $3  }
0x1: {  	(tag) =	ssettag $0x0;
	lr =	simm.s32 $0x1  }
0x2: {  	[smem:$0x3F91] =	sst lr;
	_ =	strace $0xD0000000  }
0x3: {  	_ = 	snop  }
0x4: {  	_ = 	snop  }
0x5: {  	_ = 	snop  }
0x6: {  	_ = 	snop  }
0x7: {  	_ = 	snop  }
__scs_overlays_trampoline_lowered:
0x8: {  	[smem:$0x3FA0] =	sst s0  }
0x9: {  	[smem:$0x3FA1] =	sst s1  }
0xa: {  	[smem:$0x3FA2] =	sst s2  }
0xb: {  	[smem:$0x3FA3] =	sst s3  }
0xc: {  	[smem:$0x3FA4] =	sst s4  }
0xd: {  	[smem:$0x3FA5] =	sst s5  }
0xe: {  	[smem:$0x3FA6] =	sst s6  }
0xf: {  	[smem:$0x3FA7] =	sst s7  }
0x10: {  	[smem:$0x3FA8] =	sst s8  }
0x11: {  	[smem:$0x3FA9] =	sst s9;
	s0 =	simm.s32 @!p0 $0x0  }
0x12: {  	s1 =	sld [smem:$0x3F8F];
	s0 =	simm.s32 @p0 $0x1  }
0x13: {  	[smem:$0x3FAA] =	sst s0;
	s0 =	simm.s32 @!p1 $0x0  }
0x14: {  	s2 =	sld [smem:$0x3F8E];
	s0 =	simm.s32 @p1 $0x1  }
0x15: {  	[smem:$0x3FAB] =	sst s0;
	s0 =	simm.s32 @!p2 $0x0  }
0x16: {  	s3 =	sld [smem:$0x3FDB];
	s0 =	simm.s32 @p2 $0x1  }
0x17: {  	s4 =	simm.s32 $0x1BF5;
	[smem:$0x3FAD] =	sst s0  }
0x18: {  	s0 =	sld [smem:$0x3F90];
	_ =	swait.ge [sflag:s4], $0x0  }
0x19: {  	s7 =	sld [smem:$0x3F91]  }
0x1a: {  	s8 =	sadd.s32 $0xFFFFE003, lr  }
0x1b: {  	s9 =	sadd.s32 $0xFFFFFEF7, lr;
	s5 =	simm.s32 $0xFFFFFFFF;
	p2 =	slt.u32 s8, $0xFFFFF086  }
0x1c: {  	p1 =	slt.u32 s9, $0xF7A;
	s5 =	simm.s32 @!p2 $0x0  }
0x1d: {  	s5 =	simm.s32 @p1 $0x1;
	p0 =	seq.s32 s7, s2  }
0x1e: {  	s7 =	smul.u32 @!p0 $0xF7A, s2;
	p2 =	seq.s32 @!p0 s5, $0x0  }
0x1f: {  	s9 =	smul.u32 $0xF7A, s1;
	s8 =	simm.s32 @!p0 $0x1BF5;
	p2 =	por !p2, p0  }
0x20: {  	[sflag:s8] =	ssyncset.s32 @!p0 $0xFFFFF086;
	s6 =	sadd.s32 @!p0 s3, s7;
	s7 =	simm.s32 @!p0 $0x108  }
0x21: {  	s3 =	sadd.s32 s3, s9;
	s6 =	sadd.s32 @!p0 $0x88, s6;
	s7 =	simm.s32 @p2 $0x1082  }
0x22: {  	[simem:s7], [sflag:s8] =	dma.local @!p0 [hbm:s6], $0xF7A  }
0x23: {  	s9 =	sor.u32 $0xD0000000, s2;
	s6 =	simm.s32 $0x108;
	_ =	swait.ge @!p0 [sflag:s8], $0x0  }
0x24: {  	s3 =	sadd.s32 $0x88, s3;
	s6 =	simm.s32 @!p1 $0x1082;
	[sflag:s4] =	ssyncset.s32 $0xFFFFF086  }
0x25: {  	[simem:s6], [sflag:s4] =	dma.local [hbm:s3], $0xF7A  }
0x26: {  	[smem:$0x3F91] =	sst s1;
	(tag) =	ssettag s2;
	_ =	strace s9  }
0x27: {  	s1 =	sld [smem:$0x3FA1]  }
0x28: {  	s2 =	sld [smem:$0x3FA2]  }
0x29: {  	s4 =	sld [smem:$0x3FA4]  }
0x2a: {  	p0 =	seq.s32 s5, $0x0;
	s5 =	sld [smem:$0x3FA5]  }
0x2b: {  	s6 =	sld [smem:$0x3FA6]  }
0x2c: {  	s7 =	sld [smem:$0x3FA7]  }
0x2d: {  	s3 =	simm.s32 $0x108;
	s8 =	sld [smem:$0x3FA8]  }
0x2e: {  	s3 =	simm.s32 @!p0 $0x1082;
	s9 =	sld [smem:$0x3FA9]  }
0x2f: {  	lr =	sadd.s32 s0, s3;
	s0 =	sld [smem:$0x3FA0]  }
0x30: {  	s3 =	sld [smem:$0x3FA3]  }
0x31: {  	[smem:$0x3FAC] =	sst s10  }
0x32: {  	s10 =	sld [smem:$0x3FAA];
	_ =	sdelay $0x3  }
0x33: {  	p0 =	seq.s32 s10, $0x1;
	s10 =	sld [smem:$0x3FAC];
	_ =	sdelay $0x3  }
0x34: {  	[smem:$0x3FAC] =	sst s10  }
0x35: {  	s10 =	sld [smem:$0x3FAB];
	_ =	sdelay $0x3  }
0x36: {  	p1 =	seq.s32 s10, $0x1;
	s10 =	sld [smem:$0x3FAC];
	_ =	sdelay $0x3  }
0x37: {  	[smem:$0x3FAC] =	sst s10  }
0x38: {  	s10 =	sld [smem:$0x3FAD]  }
0x39: {  	_ = 	snop;
	(pc) =	sbr.ind lr, $3  }
0x3a: {  	_ = 	snop  }
0x3b: {  	_ = 	snop  }
0x3c: {  	p2 =	seq.s32 s10, $0x1;
	s10 =	sld [smem:$0x3FAC]  }
0x3d: {  	_ =	shalt  }
0x3e: {  	_ =	shalt  }
0x3f: {  	_ =	shalt  }
0x40: {  	_ =	shalt  }
0x41: {  	_ =	shalt  }
0x42: {  	_ =	shalt  }
0x43: {  	_ =	shalt  }
0x44: {  	_ =	shalt  }
0x45: {  	_ =	shalt  }
0x46: {  	_ =	shalt  }
0x47: {  	_ =	shalt  }
0x48: {  	_ =	shalt  }
0x49: {  	_ =	shalt  }
0x4a: {  	_ =	shalt  }
0x4b: {  	_ =	shalt  }
0x4c: {  	_ =	shalt  }
0x4d: {  	_ =	shalt  }
0x4e: {  	_ =	shalt  }
0x4f: {  	_ =	shalt  }
0x50: {  	_ =	shalt  }
0x51: {  	_ =	shalt  }
0x52: {  	_ =	shalt  }
0x53: {  	_ =	shalt  }
0x54: {  	_ =	shalt  }
0x55: {  	_ =	shalt  }
0x56: {  	_ =	shalt  }
0x57: {  	_ =	shalt  }
0x58: {  	_ =	shalt  }
0x59: {  	_ =	shalt  }
0x5a: {  	_ =	shalt  }
0x5b: {  	_ =	shalt  }
0x5c: {  	_ =	shalt  }
0x5d: {  	_ =	shalt  }
0x5e: {  	_ =	shalt  }
0x5f: {  	_ =	shalt  }
0x60: {  	_ =	shalt  }
0x61: {  	_ =	shalt  }
0x62: {  	_ =	shalt  }
0x63: {  	_ =	shalt  }
0x64: {  	_ =	shalt  }
0x65: {  	_ =	shalt  }
0x66: {  	_ =	shalt  }
0x67: {  	_ =	shalt  }
0x68: {  	_ =	shalt  }
0x69: {  	_ =	shalt  }
0x6a: {  	_ =	shalt  }
0x6b: {  	_ =	shalt  }
0x6c: {  	_ =	shalt  }
0x6d: {  	_ =	shalt  }
0x6e: {  	_ =	shalt  }
0x6f: {  	_ =	shalt  }
0x70: {  	_ =	shalt  }
0x71: {  	_ =	shalt  }
0x72: {  	_ =	shalt  }
0x73: {  	_ =	shalt  }
0x74: {  	_ =	shalt  }
0x75: {  	_ =	shalt  }
0x76: {  	_ =	shalt  }
0x77: {  	_ =	shalt  }
0x78: {  	_ =	shalt  }
0x79: {  	_ =	shalt  }
0x7a: {  	_ =	shalt  }
0x7b: {  	_ =	shalt  }
0x7c: {  	_ =	shalt  }
0x7d: {  	_ =	shalt  }
0x7e: {  	_ =	shalt  }
0x7f: {  	_ =	shalt  }
0x80: {  	_ =	shalt  }
0x81: {  	_ =	shalt  }
0x82: {  	_ =	shalt  }
0x83: {  	_ =	shalt  }
0x84: {  	_ =	shalt  }
0x85: {  	_ =	shalt  }
0x86: {  	_ =	shalt  }
0x87: {  	_ =	shalt  }
.Lfunc_end0:
.L_simem_size_0:
called_computation.1_lowered:
.L_overlay_start_0:
0x88: {  	s2 =	sld [smem:$0x3FD9]  }
0x89: {  	s3 =	sld [smem:$0x3FFE];
	_ =	sdelay $0x1  }
0x8a: {  	s1 =	srdreg.scid  }
0x8b: {  	s0 =	sand.u32 $0x1, s1  }
0x8c: {  	s16 =	sshll.u32 s0, $0xA;
	s2 =	sadd.s32 s3, s2  }
0x8d: {  	s2 =	sadd.s32 s2, s16  }
0x8e: {  	[smem:$0x3FB8] =	sst s2  }
0x8f: {  	_ = 	snop  }
0x90: {  	(tm) =	ssettm $0x1  }
0x91: {  	s17 =	sld [smem:$0x3FFB];
	_ =	sdelay $0x3  }
0x92: {  	_ =	strace s17  }
0x93: {  	s2 =	sld [smem:$0x3FFC];
	_ =	sdelay $0x3  }
0x94: {  	_ =	strace s2  }
0x95: {  	s2 =	sld [smem:$0x3FFD];
	_ =	sdelay $0x3  }
0x96: {  	_ =	strace s2  }
0x97: {  	_ =	strace $0x8FFFFFFF  }
0x98: {  	s18 =	sld [smem:$0x3FDB];
	_ =	sdelay $0x1  }
0x99: {  	s19 =	simm.s32 $_scs_section_size  }
0x9a: {  	s4 =	simm.s32 $_size__tile_overlayer_lowered;
	s5 =	simm.s32 $_tile_overlayer_lowered  }
0x9b: {  	s22 =	simm.s32 $0x1BFF;
	s21 =	sshll.u32 s5, $0x1;
	s2 =	sadd.s32 s19, s18  }
0x9c: {  	s6 =	simm.s32 $0x0;
	s20 =	sshll.u32 s4, $0x1;
	s4 =	sadd.s32 s21, s2  }
0x9d: {  	[timem:s6], [sflag:s22] =	dma.local [hbm:s4], s20  }
0x9e: {  	_ =	swait.ge [sflag:s22], s20  }
0x9f: {  	s3 =	ssub.s32 $0x0, s20;
	[sflag:s22] =	ssyncset.done $0x0  }
0xa0: {  	[sflag:s22] =	ssyncadd.s32 s3;
	_ =	sdelay $0x1  }
0xa1: {  	s23 =	simm.s32 $0x1B8B  }
0xa2: {  	_ =	swait.ge [sflag:s23], $0x1  }
0xa3: {  	[sflag:s23] =	ssyncset.done $0x0  }
0xa4: {  	s25 =	simm.s32 $0x1B8E;
	s24 =	sld [smem:$0x3FFE];
	[sflag:s23] =	ssyncadd.s32 $0xFFFFFFFF  }
0xa5: {  	s26 =	simm.s32 $execute0_lowered;
	[smem:$0x3FD2] =	sst s25  }
0xa6: {  	s4 =	sshll.u32 s26, $0x1;
	_ =	strace $0x80000049;
	[dreg:$0x1] =	wrdreg $0xFFFFFFFF  }
0xa7: {  	s28 =	simm.s32 $_size_execute0_lowered;
	s2 =	sadd.s32 s2, s4;
	[dreg:$0x0] =	wrdreg $0x0  }
0xa8: {  	s4 =	sshll.u32 s28, $0x1;
	[dreg:$0x2] =	wrdreg s2  }
0xa9: {  	[dreg:$0x3] =	wrdreg s4  }
0xaa: {  	[dreg:$0x4] =	wrdreg $0xC0  }
0xab: {  	_ =	task [dreg:s6], $0x5FFFF  }
0xac: {  	[dreg:$0x1] =	wrdreg $0xFFFFFFFF  }
0xad: {  	[dreg:$0x0] =	wrdreg $0x60  }
0xae: {  	[dreg:$0x2] =	wrdreg s24  }
0xaf: {  	[dreg:$0x3] =	wrdreg $0x9  }
0xb0: {  	_ =	task.clear_ibuf [dreg:s6], $0x4FFFF;
	_ =	strace $0x90000049  }
0xb1: {  	s29 =	simm.s32 $0x9;
	_ =	strace $0x8000004B  }
0xb2: {  	_ =	swait.ge [sflag:s29], $0x1  }
0xb3: {  	[sflag:s29] =	ssyncadd.s32 $0xFFFFFFFF  }
0xb4: {  	_ =	strace $0x9000004B  }
0xb5: {  	_ =	sfence  }
0xb6: {  	s30 =	sld [smem:$0x0];
	_ =	sdelay $0x2  }
0xb7: {  	s31 =	sshll.u32 s1, $0xD;
	s1 =	sshrl.u32 s1, $0x2  }
0xb8: {  	s3 =	sand.u32 $0x4000, s31;
	s1 =	sadd.s32 s1, s30  }
0xb9: {  	s0 =	sor.u32 s3, s0;
	s1 =	sshll.u32 s1, $0x11  }
0xba: {  	s0 =	sor.u32 s1, s0  }
0xbb: {  	s0 =	sadd.s32 $0x8F2B, s0  }
0xbc: {  	[sflag:s0] =	ssyncadd.remote.s32 $0x1  }
0xbd: {  	_ =	sfence.sel $0xFFFF  }
0xbe: {  	[dreg:$0x0] =	wrdreg $0xFFFFFFFF;
	(pc) =	sbr.abs _section_cstart, $3  }
0xbf: {  	[dreg:$0x1] =	wrdreg $0xFFFFFFFF  }
0xc0: {  	_ =	task.clear_ibuf [dreg:s6], $0x2FFFF;
	_ =	strace $0x9FFFFFFF  }
0xc1: {  	(tm) =	ssettm $0x7FFFFFFF  }
tec
execute0_lowered:
.L_overlay_start_1:
0x0: {  	(tag) =	ssettag $0x1  }
0x1: {  	s4 =	rddreg [dreg:$0x0]  }
0x2: {  	s0 =	rddreg [dreg:$0x1]  }
0x3: {  	s1 =	simm.s32 $0x0;
	s2 =	srdreg.scid;
	s19 =	simm.s32 $0x8200  }
0x4: {  	s20 =	simm.s32 $0x1;
	s21 =	simm.s32 $0x3;
	s22 =	simm.s32 $0x2  }
0x5: {  	s23 =	simm.s32 $0x4;
	s24 =	simm.s32 $0x0;
	[smem:$0x7FF] =	sst s1  }
0x6: {  	s3 =	sadd.s32 $0x412800, s4;
	s13 =	sand.u32 $0x1, s2;
	s15 =	sadd.s32 $0x40A800, s4  }
0x7: {  	s2 =	stileid.u32;
	s14 =	sadd.s32 $0x49EC00, s4;
	_ =	strace $0x8000004A  }
0x8: {  	s5 =	ssub.s32 $0x2, s13;
	s7 =	sshll.u32 s2, $0xE;
	s8 =	sshll.u32 s13, $0xD  }
0x9: {  	s18 =	sshll.u32 s2, $0x12;
	s6 =	sshrl.u32 s5, $0x1;
	s16 =	sor.u32 s8, s7  }
0xa: {  	s13 =	sshll.u32 s13, $0x11;
	s6 =	ssub.s32 s5, s6;
	s29 =	sshrl.u32 s16, $0x3  }
0xb: {  	s30 =	sshll.u32 s16, $0x4;
	s7 =	sor.u32 $0x200, s16;
	s17 =	sor.u32 $0x400, s16  }
0xc: {  	s16 =	sor.u32 $0x300, s16;
	s4 =	sadd.s32 s15, s29;
	s5 =	sadd.s32 s14, s30  }
0xd: {  	s31 =	sshrl.u32 s7, $0x3;
	s6 =	smax.u32 s6, $0x1;
	s14 =	sadd.s32 s18, s14  }
0xe: {  	s17 =	sshrl.u32 s17, $0x3;
	s16 =	sshrl.u32 s16, $0x3;
	s18 =	simm.s32 $0x200  }
0xf: {  	s7 =	sadd.s32 $0x20, s4;
	s8 =	sadd.s32 s15, s31;
	s9 =	sadd.s32 $0x1000, s5  }
0x10: {  	s10 =	sadd.s32 $0x3E0, s4;
	s11 =	sadd.s32 $0x1E000, s5;
	s12 =	sadd.s32 $0x1F000, s5  }
0x11: {  	s14 =	sadd.s32 s13, s14;
	s13 =	sadd.s32 s17, s15;
	s15 =	sadd.s32 s16, s15  }
0x12: {  	s16 =	simm.s32 $0x5;
	s17 =	simm.s32 $0x100;
	s14 =	sadd.s32 $0x2000, s14  }
.LBB2_1:
0x13: {  	[tilespmem:s1], [sflag:$0x5] =	stream.linear.gather [hbm4b:s4+s1], $0x100, $0x38;
	[tilespmem:$0x10200] =	vst v63  }
0x14: {  	_ =	swait.ge [sflag:s16], $0x100  }
0x15: {  	[sflag:s16] =	ssyncset.done $0x0  }
0x16: {  	[sflag:s16] =	ssyncadd.s32 $0xFFFFFF00  }
0x17: {  	[tilespmem:s18], [sflag:$0x1] =	stream.indirect.gather [hbm4b:s3+s17], $0x80, s1, s17, $0xb8;
	[tilespmem:$0x10200] =	vst v63  }
0x18: {  	_ = 	snop  }
0x19: {  	[tilespmem:s17], [sflag:$0x5] =	stream.linear.gather [hbm4b:s7+s1], $0x100, $0x38;
	[tilespmem:$0x10200] =	vst v63  }
0x1a: {  	_ =	swait.ge [sflag:s16], $0x100  }
0x1b: {  	[sflag:s16] =	ssyncset.done $0x0  }
0x1c: {  	[sflag:s16] =	ssyncadd.s32 $0xFFFFFF00  }
0x1d: {  	[tilespmem:s19], [sflag:$0x2] =	stream.indirect.gather [hbm4b:s3+s17], $0x80, s17, s17, $0xb8;
	[tilespmem:$0x10200] =	vst v63  }
0x1e: {  	_ =	swait.ge [sflag:s20], $0x8000  }
0x1f: {  	[sflag:s20] =	ssyncset.done $0x0  }
0x20: {  	[sflag:s20] =	ssyncadd.s32 $0xFFFF8000  }
0x21: {  	[hbm4b:s5+s1] =	stream.linear.scatter [tilespmem:s18], [sflag:$0x3], $0x8000, $0x38;
	[tilespmem:$0x10200] =	vst v63  }
0x22: {  	_ =	swait.ge [sflag:s21], $0x8000  }
0x23: {  	[sflag:s21] =	ssyncset.done $0x0  }
0x24: {  	[sflag:s21] =	ssyncadd.s32 $0xFFFF8000  }
0x25: {  	[tilespmem:s1], [sflag:$0x5] =	stream.linear.gather [hbm4b:s8+s1], $0x100, $0x38;
	[tilespmem:$0x10200] =	vst v63  }
0x26: {  	_ =	swait.ge [sflag:s16], $0x100  }
0x27: {  	[sflag:s16] =	ssyncset.done $0x0  }
0x28: {  	[sflag:s16] =	ssyncadd.s32 $0xFFFFFF00  }
0x29: {  	[tilespmem:s18], [sflag:$0x1] =	stream.indirect.gather [hbm4b:s3+s17], $0x80, s1, s17, $0xb8;
	[tilespmem:$0x10200] =	vst v63  }
0x2a: {  	_ =	swait.ge [sflag:s22], $0x8000  }
0x2b: {  	[sflag:s22] =	ssyncset.done $0x0  }
0x2c: {  	[sflag:s22] =	ssyncadd.s32 $0xFFFF8000  }
0x2d: {  	[hbm4b:s9+s1] =	stream.linear.scatter [tilespmem:s19], [sflag:$0x4], $0x8000, $0x38;
	[tilespmem:$0x10200] =	vst v63  }
0x2e: {  	_ =	swait.ge [sflag:s23], $0x8000  }
0x2f: {  	[sflag:s23] =	ssyncset.done $0x0  }
0x30: {  	s25 =	sadd.s32 $0x0, s15;
	[sflag:s23] =	ssyncadd.s32 $0xFFFF8000  }
0x31: {  	[tilespmem:s17], [sflag:$0x5] =	stream.linear.gather [hbm4b:s25+s1], $0x100, $0x38;
	[tilespmem:$0x10200] =	vst v63  }
0x32: {  	_ =	swait.ge [sflag:s16], $0x100  }
0x33: {  	[sflag:s16] =	ssyncset.done $0x0  }
0x34: {  	[sflag:s16] =	ssyncadd.s32 $0xFFFFFF00  }
0x35: {  	[tilespmem:s19], [sflag:$0x2] =	stream.indirect.gather [hbm4b:s3+s17], $0x80, s17, s17, $0xb8;
	[tilespmem:$0x10200] =	vst v63  }
0x36: {  	_ =	swait.ge [sflag:s20], $0x8000  }
0x37: {  	[sflag:s20] =	ssyncset.done $0x0  }
0x38: {  	[sflag:s20] =	ssyncadd.s32 $0xFFFF8000  }
0x39: {  	[hbm4b:s14+s1] =	stream.linear.scatter [tilespmem:s18], [sflag:$0x3], $0x8000, $0x38;
	[tilespmem:$0x10200] =	vst v63  }
0x3a: {  	_ =	swait.ge [sflag:s21], $0x8000  }
0x3b: {  	[sflag:s21] =	ssyncset.done $0x0  }
0x3c: {  	s31 =	sadd.s32 $0x0, s13;
	[sflag:s21] =	ssyncadd.s32 $0xFFFF8000  }
0x3d: {  	[tilespmem:s1], [sflag:$0x5] =	stream.linear.gather [hbm4b:s31+s1], $0x100, $0x38;
	[tilespmem:$0x10200] =	vst v63  }
0x3e: {  	_ =	swait.ge [sflag:s16], $0x100  }
0x3f: {  	[sflag:s16] =	ssyncset.done $0x0  }
0x40: {  	[sflag:s16] =	ssyncadd.s32 $0xFFFFFF00  }
0x41: {  	[tilespmem:s18], [sflag:$0x1] =	stream.indirect.gather [hbm4b:s3+s17], $0x80, s1, s17, $0xb8;
	[tilespmem:$0x10200] =	vst v63  }
0x42: {  	_ =	swait.ge [sflag:s22], $0x8000  }
0x43: {  	s28 =	sadd.s32 $0x1000, s14;
	[sflag:s22] =	ssyncset.done $0x0  }
0x44: {  	s26 =	sadd.s32 $0x2000, s14;
	s25 =	simm.s32 $0x40;
	[sflag:s22] =	ssyncadd.s32 $0xFFFF8000  }
.LBB2_2:
0x45: {  	[hbm4b:s28+s1] =	stream.linear.scatter [tilespmem:s19], [sflag:$0x4], $0x8000, $0x38;
	[tilespmem:$0x10200] =	vst v63  }
0x46: {  	s28 =	smov.u32 s25  }
0x47: {  	p0 =	sne.s32 s25, $0x340;
	s25 =	sadd.s32 $0x40, s25;
	_ =	swait.ge [sflag:s23], $0x8000  }
0x48: {  	[sflag:s23] =	ssyncset.done $0x0  }
0x49: {  	s29 =	sadd.s32 s28, s15;
	[sflag:s23] =	ssyncadd.s32 $0xFFFF8000  }
0x4a: {  	[tilespmem:s17], [sflag:$0x5] =	stream.linear.gather [hbm4b:s29+s1], $0x100, $0x38;
	[tilespmem:$0x10200] =	vst v63  }
0x4b: {  	_ =	swait.ge [sflag:s16], $0x100  }
0x4c: {  	[sflag:s16] =	ssyncset.done $0x0  }
0x4d: {  	[sflag:s16] =	ssyncadd.s32 $0xFFFFFF00  }
0x4e: {  	[tilespmem:s19], [sflag:$0x2] =	stream.indirect.gather [hbm4b:s3+s17], $0x80, s17, s17, $0xb8;
	[tilespmem:$0x10200] =	vst v63  }
0x4f: {  	_ =	swait.ge [sflag:s20], $0x8000  }
0x50: {  	[sflag:s20] =	ssyncset.done $0x0  }
0x51: {  	[sflag:s20] =	ssyncadd.s32 $0xFFFF8000  }
0x52: {  	[hbm4b:s26+s1] =	stream.linear.scatter [tilespmem:s18], [sflag:$0x3], $0x8000, $0x38;
	[tilespmem:$0x10200] =	vst v63  }
0x53: {  	_ =	swait.ge [sflag:s21], $0x8000  }
0x54: {  	[sflag:s21] =	ssyncset.done $0x0  }
0x55: {  	s28 =	sadd.s32 s28, s13;
	[sflag:s21] =	ssyncadd.s32 $0xFFFF8000  }
0x56: {  	[tilespmem:s1], [sflag:$0x5] =	stream.linear.gather [hbm4b:s28+s1], $0x100, $0x38;
	[tilespmem:$0x10200] =	vst v63  }
0x57: {  	_ =	swait.ge [sflag:s16], $0x100  }
0x58: {  	[sflag:s16] =	ssyncset.done $0x0  }
.Ltmp0:
0x59: {  	[sflag:s16] =	ssyncadd.s32 $0xFFFFFF00;
	(pc) =	sbr.rel @p0 .LBB2_2-.Ltmp0, $4  }
0x5a: {  	[tilespmem:s18], [sflag:$0x1] =	stream.indirect.gather [hbm4b:s3+s17], $0x80, s1, s17, $0xb8;
	[tilespmem:$0x10200] =	vst v63  }
0x5b: {  	_ =	swait.ge [sflag:s22], $0x8000  }
0x5c: {  	[sflag:s22] =	ssyncset.done $0x0  }
0x5d: {  	s28 =	sadd.s32 $0x1000, s26;
	s26 =	sadd.s32 $0x2000, s26;
	[sflag:s22] =	ssyncadd.s32 $0xFFFF8000  }
0x5e: {  	[hbm4b:s28+s1] =	stream.linear.scatter [tilespmem:s19], [sflag:$0x4], $0x8000, $0x38;
	[tilespmem:$0x10200] =	vst v63  }
0x5f: {  	_ =	swait.ge [sflag:s23], $0x8000  }
0x60: {  	[sflag:s23] =	ssyncset.done $0x0  }
0x61: {  	[sflag:s23] =	ssyncadd.s32 $0xFFFF8000  }
0x62: {  	[tilespmem:s17], [sflag:$0x5] =	stream.linear.gather [hbm4b:s10+s1], $0x100, $0x38;
	[tilespmem:$0x10200] =	vst v63  }
0x63: {  	_ =	swait.ge [sflag:s16], $0x100  }
0x64: {  	[sflag:s16] =	ssyncset.done $0x0  }
0x65: {  	[sflag:s16] =	ssyncadd.s32 $0xFFFFFF00  }
0x66: {  	[tilespmem:s19], [sflag:$0x2] =	stream.indirect.gather [hbm4b:s3+s17], $0x80, s17, s17, $0xb8;
	[tilespmem:$0x10200] =	vst v63  }
0x67: {  	_ =	swait.ge [sflag:s20], $0x8000  }
0x68: {  	[sflag:s20] =	ssyncset.done $0x0  }
0x69: {  	[sflag:s20] =	ssyncadd.s32 $0xFFFF8000  }
0x6a: {  	[hbm4b:s11+s1] =	stream.linear.scatter [tilespmem:s18], [sflag:$0x3], $0x8000, $0x38;
	[tilespmem:$0x10200] =	vst v63  }
0x6b: {  	_ =	swait.ge [sflag:s22], $0x8000  }
0x6c: {  	[sflag:s22] =	ssyncset.done $0x0  }
0x6d: {  	s24 =	sadd.s32 $0x1, s24;
	[sflag:s22] =	ssyncadd.s32 $0xFFFF8000  }
0x6e: {  	[hbm4b:s12+s1] =	stream.linear.scatter [tilespmem:s19], [sflag:$0x4], $0x8000, $0x38;
	[tilespmem:$0x10200] =	vst v63  }
0x6f: {  	p0 =	sne.s32 s24, s6;
	_ =	swait.ge [sflag:s21], $0x8000  }
.Ltmp1:
0x70: {  	[sflag:s21] =	ssyncset.done $0x0;
	(pc) =	sbr.rel @p0 .LBB2_1-.Ltmp1, $4  }
0x71: {  	[sflag:s21] =	ssyncadd.s32 $0xFFFF8000  }
0x72: {  	_ =	swait.ge [sflag:s23], $0x8000  }
0x73: {  	[sflag:s23] =	ssyncset.done $0x0  }
0x74: {  	[sflag:s23] =	ssyncadd.s32 $0xFFFF8000  }
0x75: {  	_ =	sfence.sel $0x180000  }
0x76: {  	[bflag:$0x0] =	sbarrier.arrive $0xFFFF  }
0x77: {  	p0 =	sne.s32 s2, $0x0;
	_ =	strace $0x9000004A  }
0x78: {  	s0 =	sadd.s32 @!p0 $0x100000, s0;
	[bflag:$0x2] =	sbarrier.arrive $0xFFFF  }
0x79: {  	[sflag:s0] =	ssyncadd.tile.s32 @!p0 $0x1;
	_ =	shalt  }
.Lfunc_end2:
_tile_overlayer_lowered:
.L_overlay_start_2:
0x7a: {  	(tag) =	ssettag $0x2  }
0x7b: {  	s0 =	rddreg [dreg:$0x0];
	s2 =	stileid.u32  }
0x7c: {  	s1 =	rddreg [dreg:$0x1];
	p0 =	sne.s32 s2, $0x0  }
0x7d: {  	s3 =	rddreg [dreg:$0x2];
	[bflag:$0x3] =	sbarrier.arrive $0xFFFF;
	s2 =	simm.s32 @!p0 $0x1C05  }
0x7e: {  	[timem:s3], [sflag:s2] =	dma.local @!p0 [hbm:s0], s1  }
0x7f: {  	s0 =	simm.s32 @!p0 $0x5  }
0x80: {  	_ =	swait.ge @!p0 [sflag:s0], s1  }
0x81: {  	s1 =	ssub.s32 @!p0 $0x0, s1;
	[sflag:s0] =	ssyncset.done @!p0 $0x0  }
0x82: {  	[sflag:s0] =	ssyncadd.s32 @!p0 s1  }
0x83: {  	[bflag:$0x3] =	sbarrier.arrive $0xFFFF  }
0x84: {  	_ =	shalt  }

// kernel: kernel.19.cloned.1.call-start
scs
__scs_entry_jumppad:
0x0: {  	(pc) =	sbr.rel $0x88, $3  }
0x1: {  	(tag) =	ssettag $0x0;
	lr =	simm.s32 $0x1  }
0x2: {  	[smem:$0x3F91] =	sst lr;
	_ =	strace $0xD0000000  }
0x3: {  	_ = 	snop  }
0x4: {  	_ = 	snop  }
0x5: {  	_ = 	snop  }
0x6: {  	_ = 	snop  }
0x7: {  	_ = 	snop  }
__scs_overlays_trampoline_lowered:
0x8: {  	[smem:$0x3FA0] =	sst s0  }
0x9: {  	[smem:$0x3FA1] =	sst s1  }
0xa: {  	[smem:$0x3FA2] =	sst s2  }
0xb: {  	[smem:$0x3FA3] =	sst s3  }
0xc: {  	[smem:$0x3FA4] =	sst s4  }
0xd: {  	[smem:$0x3FA5] =	sst s5  }
0xe: {  	[smem:$0x3FA6] =	sst s6  }
0xf: {  	[smem:$0x3FA7] =	sst s7  }
0x10: {  	[smem:$0x3FA8] =	sst s8  }
0x11: {  	[smem:$0x3FA9] =	sst s9;
	s0 =	simm.s32 @!p0 $0x0  }
0x12: {  	s1 =	sld [smem:$0x3F8F];
	s0 =	simm.s32 @p0 $0x1  }
0x13: {  	[smem:$0x3FAA] =	sst s0;
	s0 =	simm.s32 @!p1 $0x0  }
0x14: {  	s2 =	sld [smem:$0x3F8E];
	s0 =	simm.s32 @p1 $0x1  }
0x15: {  	[smem:$0x3FAB] =	sst s0;
	s0 =	simm.s32 @!p2 $0x0  }
0x16: {  	s3 =	sld [smem:$0x3FDB];
	s0 =	simm.s32 @p2 $0x1  }
0x17: {  	s4 =	simm.s32 $0x1BF5;
	[smem:$0x3FAD] =	sst s0  }
0x18: {  	s0 =	sld [smem:$0x3F90];
	_ =	swait.ge [sflag:s4], $0x0  }
0x19: {  	s7 =	sld [smem:$0x3F91]  }
0x1a: {  	s8 =	sadd.s32 $0xFFFFE003, lr  }
0x1b: {  	s9 =	sadd.s32 $0xFFFFFEF7, lr;
	s5 =	simm.s32 $0xFFFFFFFF;
	p2 =	slt.u32 s8, $0xFFFFF086  }
0x1c: {  	p1 =	slt.u32 s9, $0xF7A;
	s5 =	simm.s32 @!p2 $0x0  }
0x1d: {  	s5 =	simm.s32 @p1 $0x1;
	p0 =	seq.s32 s7, s2  }
0x1e: {  	s7 =	smul.u32 @!p0 $0xF7A, s2;
	p2 =	seq.s32 @!p0 s5, $0x0  }
0x1f: {  	s9 =	smul.u32 $0xF7A, s1;
	s8 =	simm.s32 @!p0 $0x1BF5;
	p2 =	por !p2, p0  }
0x20: {  	[sflag:s8] =	ssyncset.s32 @!p0 $0xFFFFF086;
	s6 =	sadd.s32 @!p0 s3, s7;
	s7 =	simm.s32 @!p0 $0x108  }
0x21: {  	s3 =	sadd.s32 s3, s9;
	s6 =	sadd.s32 @!p0 $0x88, s6;
	s7 =	simm.s32 @p2 $0x1082  }
0x22: {  	[simem:s7], [sflag:s8] =	dma.local @!p0 [hbm:s6], $0xF7A  }
0x23: {  	s9 =	sor.u32 $0xD0000000, s2;
	s6 =	simm.s32 $0x108;
	_ =	swait.ge @!p0 [sflag:s8], $0x0  }
0x24: {  	s3 =	sadd.s32 $0x88, s3;
	s6 =	simm.s32 @!p1 $0x1082;
	[sflag:s4] =	ssyncset.s32 $0xFFFFF086  }
0x25: {  	[simem:s6], [sflag:s4] =	dma.local [hbm:s3], $0xF7A  }
0x26: {  	[smem:$0x3F91] =	sst s1;
	(tag) =	ssettag s2;
	_ =	strace s9  }
0x27: {  	s1 =	sld [smem:$0x3FA1]  }
0x28: {  	s2 =	sld [smem:$0x3FA2]  }
0x29: {  	s4 =	sld [smem:$0x3FA4]  }
0x2a: {  	p0 =	seq.s32 s5, $0x0;
	s5 =	sld [smem:$0x3FA5]  }
0x2b: {  	s6 =	sld [smem:$0x3FA6]  }
0x2c: {  	s7 =	sld [smem:$0x3FA7]  }
0x2d: {  	s3 =	simm.s32 $0x108;
	s8 =	sld [smem:$0x3FA8]  }
0x2e: {  	s3 =	simm.s32 @!p0 $0x1082;
	s9 =	sld [smem:$0x3FA9]  }
0x2f: {  	lr =	sadd.s32 s0, s3;
	s0 =	sld [smem:$0x3FA0]  }
0x30: {  	s3 =	sld [smem:$0x3FA3]  }
0x31: {  	[smem:$0x3FAC] =	sst s10  }
0x32: {  	s10 =	sld [smem:$0x3FAA];
	_ =	sdelay $0x3  }
0x33: {  	p0 =	seq.s32 s10, $0x1;
	s10 =	sld [smem:$0x3FAC];
	_ =	sdelay $0x3  }
0x34: {  	[smem:$0x3FAC] =	sst s10  }
0x35: {  	s10 =	sld [smem:$0x3FAB];
	_ =	sdelay $0x3  }
0x36: {  	p1 =	seq.s32 s10, $0x1;
	s10 =	sld [smem:$0x3FAC];
	_ =	sdelay $0x3  }
0x37: {  	[smem:$0x3FAC] =	sst s10  }
0x38: {  	s10 =	sld [smem:$0x3FAD]  }
0x39: {  	_ = 	snop;
	(pc) =	sbr.ind lr, $3  }
0x3a: {  	_ = 	snop  }
0x3b: {  	_ = 	snop  }
0x3c: {  	p2 =	seq.s32 s10, $0x1;
	s10 =	sld [smem:$0x3FAC]  }
0x3d: {  	_ =	shalt  }
0x3e: {  	_ =	shalt  }
0x3f: {  	_ =	shalt  }
0x40: {  	_ =	shalt  }
0x41: {  	_ =	shalt  }
0x42: {  	_ =	shalt  }
0x43: {  	_ =	shalt  }
0x44: {  	_ =	shalt  }
0x45: {  	_ =	shalt  }
0x46: {  	_ =	shalt  }
0x47: {  	_ =	shalt  }
0x48: {  	_ =	shalt  }
0x49: {  	_ =	shalt  }
0x4a: {  	_ =	shalt  }
0x4b: {  	_ =	shalt  }
0x4c: {  	_ =	shalt  }
0x4d: {  	_ =	shalt  }
0x4e: {  	_ =	shalt  }
0x4f: {  	_ =	shalt  }
0x50: {  	_ =	shalt  }
0x51: {  	_ =	shalt  }
0x52: {  	_ =	shalt  }
0x53: {  	_ =	shalt  }
0x54: {  	_ =	shalt  }
0x55: {  	_ =	shalt  }
0x56: {  	_ =	shalt  }
0x57: {  	_ =	shalt  }
0x58: {  	_ =	shalt  }
0x59: {  	_ =	shalt  }
0x5a: {  	_ =	shalt  }
0x5b: {  	_ =	shalt  }
0x5c: {  	_ =	shalt  }
0x5d: {  	_ =	shalt  }
0x5e: {  	_ =	shalt  }
0x5f: {  	_ =	shalt  }
0x60: {  	_ =	shalt  }
0x61: {  	_ =	shalt  }
0x62: {  	_ =	shalt  }
0x63: {  	_ =	shalt  }
0x64: {  	_ =	shalt  }
0x65: {  	_ =	shalt  }
0x66: {  	_ =	shalt  }
0x67: {  	_ =	shalt  }
0x68: {  	_ =	shalt  }
0x69: {  	_ =	shalt  }
0x6a: {  	_ =	shalt  }
0x6b: {  	_ =	shalt  }
0x6c: {  	_ =	shalt  }
0x6d: {  	_ =	shalt  }
0x6e: {  	_ =	shalt  }
0x6f: {  	_ =	shalt  }
0x70: {  	_ =	shalt  }
0x71: {  	_ =	shalt  }
0x72: {  	_ =	shalt  }
0x73: {  	_ =	shalt  }
0x74: {  	_ =	shalt  }
0x75: {  	_ =	shalt  }
0x76: {  	_ =	shalt  }
0x77: {  	_ =	shalt  }
0x78: {  	_ =	shalt  }
0x79: {  	_ =	shalt  }
0x7a: {  	_ =	shalt  }
0x7b: {  	_ =	shalt  }
0x7c: {  	_ =	shalt  }
0x7d: {  	_ =	shalt  }
0x7e: {  	_ =	shalt  }
0x7f: {  	_ =	shalt  }
0x80: {  	_ =	shalt  }
0x81: {  	_ =	shalt  }
0x82: {  	_ =	shalt  }
0x83: {  	_ =	shalt  }
0x84: {  	_ =	shalt  }
0x85: {  	_ =	shalt  }
0x86: {  	_ =	shalt  }
0x87: {  	_ =	shalt  }
.Lfunc_end0:
.L_simem_size_0:
called_computation.2_lowered:
.L_overlay_start_0:
0x88: {  	s2 =	sld [smem:$0x3FD9]  }
0x89: {  	s3 =	sld [smem:$0x3FFE];
	_ =	sdelay $0x1  }
0x8a: {  	s1 =	srdreg.scid  }
0x8b: {  	s0 =	sand.u32 $0x1, s1  }
0x8c: {  	s16 =	sshll.u32 s0, $0xA;
	s2 =	sadd.s32 s3, s2  }
0x8d: {  	s2 =	sadd.s32 s2, s16  }
0x8e: {  	[smem:$0x3FB8] =	sst s2  }
0x8f: {  	_ = 	snop  }
0x90: {  	(tm) =	ssettm $0x1  }
0x91: {  	s17 =	sld [smem:$0x3FFB];
	_ =	sdelay $0x3  }
0x92: {  	_ =	strace s17  }
0x93: {  	s2 =	sld [smem:$0x3FFC];
	_ =	sdelay $0x3  }
0x94: {  	_ =	strace s2  }
0x95: {  	s2 =	sld [smem:$0x3FFD];
	_ =	sdelay $0x3  }
0x96: {  	_ =	strace s2  }
0x97: {  	_ =	strace $0x8FFFFFFF  }
0x98: {  	s18 =	sld [smem:$0x3FDB];
	_ =	sdelay $0x1  }
0x99: {  	s19 =	simm.s32 $_scs_section_size  }
0x9a: {  	s4 =	simm.s32 $_size__tile_overlayer_lowered;
	s5 =	simm.s32 $_tile_overlayer_lowered  }
0x9b: {  	s22 =	simm.s32 $0x1BFF;
	s21 =	sshll.u32 s5, $0x1;
	s2 =	sadd.s32 s19, s18  }
0x9c: {  	s6 =	simm.s32 $0x0;
	s20 =	sshll.u32 s4, $0x1;
	s4 =	sadd.s32 s21, s2  }
0x9d: {  	[timem:s6], [sflag:s22] =	dma.local [hbm:s4], s20  }
0x9e: {  	_ =	swait.ge [sflag:s22], s20  }
0x9f: {  	s3 =	ssub.s32 $0x0, s20;
	[sflag:s22] =	ssyncset.done $0x0  }
0xa0: {  	[sflag:s22] =	ssyncadd.s32 s3;
	_ =	sdelay $0x1  }
0xa1: {  	s23 =	simm.s32 $0x1B8B  }
0xa2: {  	_ =	swait.ge [sflag:s23], $0x1  }
0xa3: {  	[sflag:s23] =	ssyncset.done $0x0  }
0xa4: {  	s25 =	simm.s32 $0x1B8E;
	s24 =	sld [smem:$0x3FFE];
	[sflag:s23] =	ssyncadd.s32 $0xFFFFFFFF  }
0xa5: {  	s26 =	simm.s32 $execute0_lowered;
	[smem:$0x3FD2] =	sst s25  }
0xa6: {  	s4 =	sshll.u32 s26, $0x1;
	_ =	strace $0x8000004C;
	[dreg:$0x1] =	wrdreg $0xFFFFFFFF  }
0xa7: {  	s28 =	simm.s32 $_size_execute0_lowered;
	s2 =	sadd.s32 s2, s4;
	[dreg:$0x0] =	wrdreg $0x0  }
0xa8: {  	s4 =	sshll.u32 s28, $0x1;
	[dreg:$0x2] =	wrdreg s2  }
0xa9: {  	[dreg:$0x3] =	wrdreg s4  }
0xaa: {  	[dreg:$0x4] =	wrdreg $0xC0  }
0xab: {  	_ =	task [dreg:s6], $0x5FFFF  }
0xac: {  	[dreg:$0x1] =	wrdreg $0xFFFFFFFF  }
0xad: {  	[dreg:$0x0] =	wrdreg $0x60  }
0xae: {  	[dreg:$0x2] =	wrdreg s24  }
0xaf: {  	[dreg:$0x3] =	wrdreg $0x9  }
0xb0: {  	_ =	task.clear_ibuf [dreg:s6], $0x4FFFF;
	_ =	strace $0x9000004C  }
0xb1: {  	s29 =	simm.s32 $0x9;
	_ =	strace $0x8000004E  }
0xb2: {  	_ =	swait.ge [sflag:s29], $0x1  }
0xb3: {  	[sflag:s29] =	ssyncadd.s32 $0xFFFFFFFF  }
0xb4: {  	_ =	strace $0x9000004E  }
0xb5: {  	_ =	sfence  }
0xb6: {  	s30 =	sld [smem:$0x0];
	_ =	sdelay $0x2  }
0xb7: {  	s31 =	sshll.u32 s1, $0xD;
	s1 =	sshrl.u32 s1, $0x2  }
0xb8: {  	s3 =	sand.u32 $0x4000, s31;
	s1 =	sadd.s32 s1, s30  }
0xb9: {  	s0 =	sor.u32 s3, s0;
	s1 =	sshll.u32 s1, $0x11  }
0xba: {  	s0 =	sor.u32 s1, s0  }
0xbb: {  	s0 =	sadd.s32 $0x8F2B, s0  }
0xbc: {  	[sflag:s0] =	ssyncadd.remote.s32 $0x1  }
0xbd: {  	_ =	sfence.sel $0xFFFF  }
0xbe: {  	[dreg:$0x0] =	wrdreg $0xFFFFFFFF;
	(pc) =	sbr.abs _section_cstart, $3  }
0xbf: {  	[dreg:$0x1] =	wrdreg $0xFFFFFFFF  }
0xc0: {  	_ =	task.clear_ibuf [dreg:s6], $0x2FFFF;
	_ =	strace $0x9FFFFFFF  }
0xc1: {  	(tm) =	ssettm $0x7FFFFFFF  }
tec
execute0_lowered:
.L_overlay_start_1:
0x0: {  	(tag) =	ssettag $0x1  }
0x1: {  	s4 =	rddreg [dreg:$0x0]  }
0x2: {  	s0 =	rddreg [dreg:$0x1]  }
0x3: {  	s1 =	simm.s32 $0x0;
	s2 =	srdreg.scid;
	s19 =	simm.s32 $0x8200  }
0x4: {  	s20 =	simm.s32 $0x1;
	s21 =	simm.s32 $0x3;
	s22 =	simm.s32 $0x2  }
0x5: {  	s23 =	simm.s32 $0x4;
	s24 =	simm.s32 $0x0;
	[smem:$0x7FF] =	sst s1  }
0x6: {  	s3 =	sadd.s32 $0x412800, s4;
	s13 =	sand.u32 $0x1, s2;
	s15 =	sadd.s32 $0x40A800, s4  }
0x7: {  	s2 =	stileid.u32;
	s14 =	sadd.s32 $0x49EC00, s4;
	_ =	strace $0x8000004D  }
0x8: {  	s5 =	ssub.s32 $0x2, s13;
	s7 =	sshll.u32 s2, $0xE;
	s8 =	sshll.u32 s13, $0xD  }
0x9: {  	s18 =	sshll.u32 s2, $0x12;
	s6 =	sshrl.u32 s5, $0x1;
	s16 =	sor.u32 s8, s7  }
0xa: {  	s13 =	sshll.u32 s13, $0x11;
	s6 =	ssub.s32 s5, s6;
	s29 =	sshrl.u32 s16, $0x3  }
0xb: {  	s30 =	sshll.u32 s16, $0x4;
	s7 =	sor.u32 $0x200, s16;
	s17 =	sor.u32 $0x400, s16  }
0xc: {  	s16 =	sor.u32 $0x300, s16;
	s4 =	sadd.s32 s15, s29;
	s5 =	sadd.s32 s14, s30  }
0xd: {  	s31 =	sshrl.u32 s7, $0x3;
	s6 =	smax.u32 s6, $0x1;
	s14 =	sadd.s32 s18, s14  }
0xe: {  	s17 =	sshrl.u32 s17, $0x3;
	s16 =	sshrl.u32 s16, $0x3;
	s18 =	simm.s32 $0x200  }
0xf: {  	s7 =	sadd.s32 $0x20, s4;
	s8 =	sadd.s32 s15, s31;
	s9 =	sadd.s32 $0x1000, s5  }
0x10: {  	s10 =	sadd.s32 $0x3E0, s4;
	s11 =	sadd.s32 $0x1E000, s5;
	s12 =	sadd.s32 $0x1F000, s5  }
0x11: {  	s14 =	sadd.s32 s13, s14;
	s13 =	sadd.s32 s17, s15;
	s15 =	sadd.s32 s16, s15  }
0x12: {  	s16 =	simm.s32 $0x5;
	s17 =	simm.s32 $0x100;
	s14 =	sadd.s32 $0x2000, s14  }
.LBB2_1:
0x13: {  	[tilespmem:s1], [sflag:$0x5] =	stream.linear.gather [hbm4b:s4+s1], $0x100, $0x38;
	[tilespmem:$0x10200] =	vst v63  }
0x14: {  	_ =	swait.ge [sflag:s16], $0x100  }
0x15: {  	[sflag:s16] =	ssyncset.done $0x0  }
0x16: {  	[sflag:s16] =	ssyncadd.s32 $0xFFFFFF00  }
0x17: {  	[tilespmem:s18], [sflag:$0x1] =	stream.indirect.gather [hbm4b:s3+s17], $0x80, s1, s17, $0xb8;
	[tilespmem:$0x10200] =	vst v63  }
0x18: {  	_ = 	snop  }
0x19: {  	[tilespmem:s17], [sflag:$0x5] =	stream.linear.gather [hbm4b:s7+s1], $0x100, $0x38;
	[tilespmem:$0x10200] =	vst v63  }
0x1a: {  	_ =	swait.ge [sflag:s16], $0x100  }
0x1b: {  	[sflag:s16] =	ssyncset.done $0x0  }
0x1c: {  	[sflag:s16] =	ssyncadd.s32 $0xFFFFFF00  }
0x1d: {  	[tilespmem:s19], [sflag:$0x2] =	stream.indirect.gather [hbm4b:s3+s17], $0x80, s17, s17, $0xb8;
	[tilespmem:$0x10200] =	vst v63  }
0x1e: {  	_ =	swait.ge [sflag:s20], $0x8000  }
0x1f: {  	[sflag:s20] =	ssyncset.done $0x0  }
0x20: {  	[sflag:s20] =	ssyncadd.s32 $0xFFFF8000  }
0x21: {  	[hbm4b:s5+s1] =	stream.linear.scatter [tilespmem:s18], [sflag:$0x3], $0x8000, $0x38;
	[tilespmem:$0x10200] =	vst v63  }
0x22: {  	_ =	swait.ge [sflag:s21], $0x8000  }
0x23: {  	[sflag:s21] =	ssyncset.done $0x0  }
0x24: {  	[sflag:s21] =	ssyncadd.s32 $0xFFFF8000  }
0x25: {  	[tilespmem:s1], [sflag:$0x5] =	stream.linear.gather [hbm4b:s8+s1], $0x100, $0x38;
	[tilespmem:$0x10200] =	vst v63  }
0x26: {  	_ =	swait.ge [sflag:s16], $0x100  }
0x27: {  	[sflag:s16] =	ssyncset.done $0x0  }
0x28: {  	[sflag:s16] =	ssyncadd.s32 $0xFFFFFF00  }
0x29: {  	[tilespmem:s18], [sflag:$0x1] =	stream.indirect.gather [hbm4b:s3+s17], $0x80, s1, s17, $0xb8;
	[tilespmem:$0x10200] =	vst v63  }
0x2a: {  	_ =	swait.ge [sflag:s22], $0x8000  }
0x2b: {  	[sflag:s22] =	ssyncset.done $0x0  }
0x2c: {  	[sflag:s22] =	ssyncadd.s32 $0xFFFF8000  }
0x2d: {  	[hbm4b:s9+s1] =	stream.linear.scatter [tilespmem:s19], [sflag:$0x4], $0x8000, $0x38;
	[tilespmem:$0x10200] =	vst v63  }
0x2e: {  	_ =	swait.ge [sflag:s23], $0x8000  }
0x2f: {  	[sflag:s23] =	ssyncset.done $0x0  }
0x30: {  	s25 =	sadd.s32 $0x0, s15;
	[sflag:s23] =	ssyncadd.s32 $0xFFFF8000  }
0x31: {  	[tilespmem:s17], [sflag:$0x5] =	stream.linear.gather [hbm4b:s25+s1], $0x100, $0x38;
	[tilespmem:$0x10200] =	vst v63  }
0x32: {  	_ =	swait.ge [sflag:s16], $0x100  }
0x33: {  	[sflag:s16] =	ssyncset.done $0x0  }
0x34: {  	[sflag:s16] =	ssyncadd.s32 $0xFFFFFF00  }
0x35: {  	[tilespmem:s19], [sflag:$0x2] =	stream.indirect.gather [hbm4b:s3+s17], $0x80, s17, s17, $0xb8;
	[tilespmem:$0x10200] =	vst v63  }
0x36: {  	_ =	swait.ge [sflag:s20], $0x8000  }
0x37: {  	[sflag:s20] =	ssyncset.done $0x0  }
0x38: {  	[sflag:s20] =	ssyncadd.s32 $0xFFFF8000  }
0x39: {  	[hbm4b:s14+s1] =	stream.linear.scatter [tilespmem:s18], [sflag:$0x3], $0x8000, $0x38;
	[tilespmem:$0x10200] =	vst v63  }
0x3a: {  	_ =	swait.ge [sflag:s21], $0x8000  }
0x3b: {  	[sflag:s21] =	ssyncset.done $0x0  }
0x3c: {  	s31 =	sadd.s32 $0x0, s13;
	[sflag:s21] =	ssyncadd.s32 $0xFFFF8000  }
0x3d: {  	[tilespmem:s1], [sflag:$0x5] =	stream.linear.gather [hbm4b:s31+s1], $0x100, $0x38;
	[tilespmem:$0x10200] =	vst v63  }
0x3e: {  	_ =	swait.ge [sflag:s16], $0x100  }
0x3f: {  	[sflag:s16] =	ssyncset.done $0x0  }
0x40: {  	[sflag:s16] =	ssyncadd.s32 $0xFFFFFF00  }
0x41: {  	[tilespmem:s18], [sflag:$0x1] =	stream.indirect.gather [hbm4b:s3+s17], $0x80, s1, s17, $0xb8;
	[tilespmem:$0x10200] =	vst v63  }
0x42: {  	_ =	swait.ge [sflag:s22], $0x8000  }
0x43: {  	s28 =	sadd.s32 $0x1000, s14;
	[sflag:s22] =	ssyncset.done $0x0  }
0x44: {  	s26 =	sadd.s32 $0x2000, s14;
	s25 =	simm.s32 $0x40;
	[sflag:s22] =	ssyncadd.s32 $0xFFFF8000  }
.LBB2_2:
0x45: {  	[hbm4b:s28+s1] =	stream.linear.scatter [tilespmem:s19], [sflag:$0x4], $0x8000, $0x38;
	[tilespmem:$0x10200] =	vst v63  }
0x46: {  	s28 =	smov.u32 s25  }
0x47: {  	p0 =	sne.s32 s25, $0x340;
	s25 =	sadd.s32 $0x40, s25;
	_ =	swait.ge [sflag:s23], $0x8000  }
0x48: {  	[sflag:s23] =	ssyncset.done $0x0  }
0x49: {  	s29 =	sadd.s32 s28, s15;
	[sflag:s23] =	ssyncadd.s32 $0xFFFF8000  }
0x4a: {  	[tilespmem:s17], [sflag:$0x5] =	stream.linear.gather [hbm4b:s29+s1], $0x100, $0x38;
	[tilespmem:$0x10200] =	vst v63  }
0x4b: {  	_ =	swait.ge [sflag:s16], $0x100  }
0x4c: {  	[sflag:s16] =	ssyncset.done $0x0  }
0x4d: {  	[sflag:s16] =	ssyncadd.s32 $0xFFFFFF00  }
0x4e: {  	[tilespmem:s19], [sflag:$0x2] =	stream.indirect.gather [hbm4b:s3+s17], $0x80, s17, s17, $0xb8;
	[tilespmem:$0x10200] =	vst v63  }
0x4f: {  	_ =	swait.ge [sflag:s20], $0x8000  }
0x50: {  	[sflag:s20] =	ssyncset.done $0x0  }
0x51: {  	[sflag:s20] =	ssyncadd.s32 $0xFFFF8000  }
0x52: {  	[hbm4b:s26+s1] =	stream.linear.scatter [tilespmem:s18], [sflag:$0x3], $0x8000, $0x38;
	[tilespmem:$0x10200] =	vst v63  }
0x53: {  	_ =	swait.ge [sflag:s21], $0x8000  }
0x54: {  	[sflag:s21] =	ssyncset.done $0x0  }
0x55: {  	s28 =	sadd.s32 s28, s13;
	[sflag:s21] =	ssyncadd.s32 $0xFFFF8000  }
0x56: {  	[tilespmem:s1], [sflag:$0x5] =	stream.linear.gather [hbm4b:s28+s1], $0x100, $0x38;
	[tilespmem:$0x10200] =	vst v63  }
0x57: {  	_ =	swait.ge [sflag:s16], $0x100  }
0x58: {  	[sflag:s16] =	ssyncset.done $0x0  }
.Ltmp0:
0x59: {  	[sflag:s16] =	ssyncadd.s32 $0xFFFFFF00;
	(pc) =	sbr.rel @p0 .LBB2_2-.Ltmp0, $4  }
0x5a: {  	[tilespmem:s18], [sflag:$0x1] =	stream.indirect.gather [hbm4b:s3+s17], $0x80, s1, s17, $0xb8;
	[tilespmem:$0x10200] =	vst v63  }
0x5b: {  	_ =	swait.ge [sflag:s22], $0x8000  }
0x5c: {  	[sflag:s22] =	ssyncset.done $0x0  }
0x5d: {  	s28 =	sadd.s32 $0x1000, s26;
	s26 =	sadd.s32 $0x2000, s26;
	[sflag:s22] =	ssyncadd.s32 $0xFFFF8000  }
0x5e: {  	[hbm4b:s28+s1] =	stream.linear.scatter [tilespmem:s19], [sflag:$0x4], $0x8000, $0x38;
	[tilespmem:$0x10200] =	vst v63  }
0x5f: {  	_ =	swait.ge [sflag:s23], $0x8000  }
0x60: {  	[sflag:s23] =	ssyncset.done $0x0  }
0x61: {  	[sflag:s23] =	ssyncadd.s32 $0xFFFF8000  }
0x62: {  	[tilespmem:s17], [sflag:$0x5] =	stream.linear.gather [hbm4b:s10+s1], $0x100, $0x38;
	[tilespmem:$0x10200] =	vst v63  }
0x63: {  	_ =	swait.ge [sflag:s16], $0x100  }
0x64: {  	[sflag:s16] =	ssyncset.done $0x0  }
0x65: {  	[sflag:s16] =	ssyncadd.s32 $0xFFFFFF00  }
0x66: {  	[tilespmem:s19], [sflag:$0x2] =	stream.indirect.gather [hbm4b:s3+s17], $0x80, s17, s17, $0xb8;
	[tilespmem:$0x10200] =	vst v63  }
0x67: {  	_ =	swait.ge [sflag:s20], $0x8000  }
0x68: {  	[sflag:s20] =	ssyncset.done $0x0  }
0x69: {  	[sflag:s20] =	ssyncadd.s32 $0xFFFF8000  }
0x6a: {  	[hbm4b:s11+s1] =	stream.linear.scatter [tilespmem:s18], [sflag:$0x3], $0x8000, $0x38;
	[tilespmem:$0x10200] =	vst v63  }
0x6b: {  	_ =	swait.ge [sflag:s22], $0x8000  }
0x6c: {  	[sflag:s22] =	ssyncset.done $0x0  }
0x6d: {  	s24 =	sadd.s32 $0x1, s24;
	[sflag:s22] =	ssyncadd.s32 $0xFFFF8000  }
0x6e: {  	[hbm4b:s12+s1] =	stream.linear.scatter [tilespmem:s19], [sflag:$0x4], $0x8000, $0x38;
	[tilespmem:$0x10200] =	vst v63  }
0x6f: {  	p0 =	sne.s32 s24, s6;
	_ =	swait.ge [sflag:s21], $0x8000  }
.Ltmp1:
0x70: {  	[sflag:s21] =	ssyncset.done $0x0;
	(pc) =	sbr.rel @p0 .LBB2_1-.Ltmp1, $4  }
0x71: {  	[sflag:s21] =	ssyncadd.s32 $0xFFFF8000  }
0x72: {  	_ =	swait.ge [sflag:s23], $0x8000  }
0x73: {  	[sflag:s23] =	ssyncset.done $0x0  }
0x74: {  	[sflag:s23] =	ssyncadd.s32 $0xFFFF8000  }
0x75: {  	_ =	sfence.sel $0x180000  }
0x76: {  	[bflag:$0x0] =	sbarrier.arrive $0xFFFF  }
0x77: {  	p0 =	sne.s32 s2, $0x0;
	_ =	strace $0x9000004D  }
0x78: {  	s0 =	sadd.s32 @!p0 $0x100000, s0;
	[bflag:$0x2] =	sbarrier.arrive $0xFFFF  }
0x79: {  	[sflag:s0] =	ssyncadd.tile.s32 @!p0 $0x1;
	_ =	shalt  }
.Lfunc_end2:
_tile_overlayer_lowered:
.L_overlay_start_2:
0x7a: {  	(tag) =	ssettag $0x2  }
0x7b: {  	s0 =	rddreg [dreg:$0x0];
	s2 =	stileid.u32  }
0x7c: {  	s1 =	rddreg [dreg:$0x1];
	p0 =	sne.s32 s2, $0x0  }
0x7d: {  	s3 =	rddreg [dreg:$0x2];
	[bflag:$0x3] =	sbarrier.arrive $0xFFFF;
	s2 =	simm.s32 @!p0 $0x1C05  }
0x7e: {  	[timem:s3], [sflag:s2] =	dma.local @!p0 [hbm:s0], s1  }
0x7f: {  	s0 =	simm.s32 @!p0 $0x5  }
0x80: {  	_ =	swait.ge @!p0 [sflag:s0], s1  }
0x81: {  	s1 =	ssub.s32 @!p0 $0x0, s1;
	[sflag:s0] =	ssyncset.done @!p0 $0x0  }
0x82: {  	[sflag:s0] =	ssyncadd.s32 @!p0 s1  }
0x83: {  	[bflag:$0x3] =	sbarrier.arrive $0xFFFF  }
0x84: {  	_ =	shalt  }

// kernel: kernel.22.cloned.1.call-start
scs
__scs_entry_jumppad:
0x0: {  	(pc) =	sbr.rel $0x88, $3  }
0x1: {  	(tag) =	ssettag $0x0;
	lr =	simm.s32 $0x1  }
0x2: {  	[smem:$0x3F91] =	sst lr;
	_ =	strace $0xD0000000  }
0x3: {  	_ = 	snop  }
0x4: {  	_ = 	snop  }
0x5: {  	_ = 	snop  }
0x6: {  	_ = 	snop  }
0x7: {  	_ = 	snop  }
__scs_overlays_trampoline_lowered:
0x8: {  	[smem:$0x3FA0] =	sst s0  }
0x9: {  	[smem:$0x3FA1] =	sst s1  }
0xa: {  	[smem:$0x3FA2] =	sst s2  }
0xb: {  	[smem:$0x3FA3] =	sst s3  }
0xc: {  	[smem:$0x3FA4] =	sst s4  }
0xd: {  	[smem:$0x3FA5] =	sst s5  }
0xe: {  	[smem:$0x3FA6] =	sst s6  }
0xf: {  	[smem:$0x3FA7] =	sst s7  }
0x10: {  	[smem:$0x3FA8] =	sst s8  }
0x11: {  	[smem:$0x3FA9] =	sst s9;
	s0 =	simm.s32 @!p0 $0x0  }
0x12: {  	s1 =	sld [smem:$0x3F8F];
	s0 =	simm.s32 @p0 $0x1  }
0x13: {  	[smem:$0x3FAA] =	sst s0;
	s0 =	simm.s32 @!p1 $0x0  }
0x14: {  	s2 =	sld [smem:$0x3F8E];
	s0 =	simm.s32 @p1 $0x1  }
0x15: {  	[smem:$0x3FAB] =	sst s0;
	s0 =	simm.s32 @!p2 $0x0  }
0x16: {  	s3 =	sld [smem:$0x3FDB];
	s0 =	simm.s32 @p2 $0x1  }
0x17: {  	s4 =	simm.s32 $0x1BF5;
	[smem:$0x3FAD] =	sst s0  }
0x18: {  	s0 =	sld [smem:$0x3F90];
	_ =	swait.ge [sflag:s4], $0x0  }
0x19: {  	s7 =	sld [smem:$0x3F91]  }
0x1a: {  	s8 =	sadd.s32 $0xFFFFE003, lr  }
0x1b: {  	s9 =	sadd.s32 $0xFFFFFEF7, lr;
	s5 =	simm.s32 $0xFFFFFFFF;
	p2 =	slt.u32 s8, $0xFFFFF086  }
0x1c: {  	p1 =	slt.u32 s9, $0xF7A;
	s5 =	simm.s32 @!p2 $0x0  }
0x1d: {  	s5 =	simm.s32 @p1 $0x1;
	p0 =	seq.s32 s7, s2  }
0x1e: {  	s7 =	smul.u32 @!p0 $0xF7A, s2;
	p2 =	seq.s32 @!p0 s5, $0x0  }
0x1f: {  	s9 =	smul.u32 $0xF7A, s1;
	s8 =	simm.s32 @!p0 $0x1BF5;
	p2 =	por !p2, p0  }
0x20: {  	[sflag:s8] =	ssyncset.s32 @!p0 $0xFFFFF086;
	s6 =	sadd.s32 @!p0 s3, s7;
	s7 =	simm.s32 @!p0 $0x108  }
0x21: {  	s3 =	sadd.s32 s3, s9;
	s6 =	sadd.s32 @!p0 $0x88, s6;
	s7 =	simm.s32 @p2 $0x1082  }
0x22: {  	[simem:s7], [sflag:s8] =	dma.local @!p0 [hbm:s6], $0xF7A  }
0x23: {  	s9 =	sor.u32 $0xD0000000, s2;
	s6 =	simm.s32 $0x108;
	_ =	swait.ge @!p0 [sflag:s8], $0x0  }
0x24: {  	s3 =	sadd.s32 $0x88, s3;
	s6 =	simm.s32 @!p1 $0x1082;
	[sflag:s4] =	ssyncset.s32 $0xFFFFF086  }
0x25: {  	[simem:s6], [sflag:s4] =	dma.local [hbm:s3], $0xF7A  }
0x26: {  	[smem:$0x3F91] =	sst s1;
	(tag) =	ssettag s2;
	_ =	strace s9  }
0x27: {  	s1 =	sld [smem:$0x3FA1]  }
0x28: {  	s2 =	sld [smem:$0x3FA2]  }
0x29: {  	s4 =	sld [smem:$0x3FA4]  }
0x2a: {  	p0 =	seq.s32 s5, $0x0;
	s5 =	sld [smem:$0x3FA5]  }
0x2b: {  	s6 =	sld [smem:$0x3FA6]  }
0x2c: {  	s7 =	sld [smem:$0x3FA7]  }
0x2d: {  	s3 =	simm.s32 $0x108;
	s8 =	sld [smem:$0x3FA8]  }
0x2e: {  	s3 =	simm.s32 @!p0 $0x1082;
	s9 =	sld [smem:$0x3FA9]  }
0x2f: {  	lr =	sadd.s32 s0, s3;
	s0 =	sld [smem:$0x3FA0]  }
0x30: {  	s3 =	sld [smem:$0x3FA3]  }
0x31: {  	[smem:$0x3FAC] =	sst s10  }
0x32: {  	s10 =	sld [smem:$0x3FAA];
	_ =	sdelay $0x3  }
0x33: {  	p0 =	seq.s32 s10, $0x1;
	s10 =	sld [smem:$0x3FAC];
	_ =	sdelay $0x3  }
0x34: {  	[smem:$0x3FAC] =	sst s10  }
0x35: {  	s10 =	sld [smem:$0x3FAB];
	_ =	sdelay $0x3  }
0x36: {  	p1 =	seq.s32 s10, $0x1;
	s10 =	sld [smem:$0x3FAC];
	_ =	sdelay $0x3  }
0x37: {  	[smem:$0x3FAC] =	sst s10  }
0x38: {  	s10 =	sld [smem:$0x3FAD]  }
0x39: {  	_ = 	snop;
	(pc) =	sbr.ind lr, $3  }
0x3a: {  	_ = 	snop  }
0x3b: {  	_ = 	snop  }
0x3c: {  	p2 =	seq.s32 s10, $0x1;
	s10 =	sld [smem:$0x3FAC]  }
0x3d: {  	_ =	shalt  }
0x3e: {  	_ =	shalt  }
0x3f: {  	_ =	shalt  }
0x40: {  	_ =	shalt  }
0x41: {  	_ =	shalt  }
0x42: {  	_ =	shalt  }
0x43: {  	_ =	shalt  }
0x44: {  	_ =	shalt  }
0x45: {  	_ =	shalt  }
0x46: {  	_ =	shalt  }
0x47: {  	_ =	shalt  }
0x48: {  	_ =	shalt  }
0x49: {  	_ =	shalt  }
0x4a: {  	_ =	shalt  }
0x4b: {  	_ =	shalt  }
0x4c: {  	_ =	shalt  }
0x4d: {  	_ =	shalt  }
0x4e: {  	_ =	shalt  }
0x4f: {  	_ =	shalt  }
0x50: {  	_ =	shalt  }
0x51: {  	_ =	shalt  }
0x52: {  	_ =	shalt  }
0x53: {  	_ =	shalt  }
0x54: {  	_ =	shalt  }
0x55: {  	_ =	shalt  }
0x56: {  	_ =	shalt  }
0x57: {  	_ =	shalt  }
0x58: {  	_ =	shalt  }
0x59: {  	_ =	shalt  }
0x5a: {  	_ =	shalt  }
0x5b: {  	_ =	shalt  }
0x5c: {  	_ =	shalt  }
0x5d: {  	_ =	shalt  }
0x5e: {  	_ =	shalt  }
0x5f: {  	_ =	shalt  }
0x60: {  	_ =	shalt  }
0x61: {  	_ =	shalt  }
0x62: {  	_ =	shalt  }
0x63: {  	_ =	shalt  }
0x64: {  	_ =	shalt  }
0x65: {  	_ =	shalt  }
0x66: {  	_ =	shalt  }
0x67: {  	_ =	shalt  }
0x68: {  	_ =	shalt  }
0x69: {  	_ =	shalt  }
0x6a: {  	_ =	shalt  }
0x6b: {  	_ =	shalt  }
0x6c: {  	_ =	shalt  }
0x6d: {  	_ =	shalt  }
0x6e: {  	_ =	shalt  }
0x6f: {  	_ =	shalt  }
0x70: {  	_ =	shalt  }
0x71: {  	_ =	shalt  }
0x72: {  	_ =	shalt  }
0x73: {  	_ =	shalt  }
0x74: {  	_ =	shalt  }
0x75: {  	_ =	shalt  }
0x76: {  	_ =	shalt  }
0x77: {  	_ =	shalt  }
0x78: {  	_ =	shalt  }
0x79: {  	_ =	shalt  }
0x7a: {  	_ =	shalt  }
0x7b: {  	_ =	shalt  }
0x7c: {  	_ =	shalt  }
0x7d: {  	_ =	shalt  }
0x7e: {  	_ =	shalt  }
0x7f: {  	_ =	shalt  }
0x80: {  	_ =	shalt  }
0x81: {  	_ =	shalt  }
0x82: {  	_ =	shalt  }
0x83: {  	_ =	shalt  }
0x84: {  	_ =	shalt  }
0x85: {  	_ =	shalt  }
0x86: {  	_ =	shalt  }
0x87: {  	_ =	shalt  }
.Lfunc_end0:
.L_simem_size_0:
called_computation.3_lowered:
.L_overlay_start_0:
0x88: {  	s2 =	sld [smem:$0x3FD9]  }
0x89: {  	s3 =	sld [smem:$0x3FFE];
	_ =	sdelay $0x1  }
0x8a: {  	s1 =	srdreg.scid  }
0x8b: {  	s0 =	sand.u32 $0x1, s1  }
0x8c: {  	s16 =	sshll.u32 s0, $0xA;
	s2 =	sadd.s32 s3, s2  }
0x8d: {  	s2 =	sadd.s32 s2, s16  }
0x8e: {  	[smem:$0x3FB8] =	sst s2  }
0x8f: {  	_ = 	snop  }
0x90: {  	(tm) =	ssettm $0x1  }
0x91: {  	s17 =	sld [smem:$0x3FFB];
	_ =	sdelay $0x3  }
0x92: {  	_ =	strace s17  }
0x93: {  	s2 =	sld [smem:$0x3FFC];
	_ =	sdelay $0x3  }
0x94: {  	_ =	strace s2  }
0x95: {  	s2 =	sld [smem:$0x3FFD];
	_ =	sdelay $0x3  }
0x96: {  	_ =	strace s2  }
0x97: {  	_ =	strace $0x8FFFFFFF  }
0x98: {  	s18 =	sld [smem:$0x3FDB];
	_ =	sdelay $0x1  }
0x99: {  	s19 =	simm.s32 $_scs_section_size  }
0x9a: {  	s4 =	simm.s32 $_size__tile_overlayer_lowered;
	s5 =	simm.s32 $_tile_overlayer_lowered  }
0x9b: {  	s22 =	simm.s32 $0x1BFF;
	s21 =	sshll.u32 s5, $0x1;
	s2 =	sadd.s32 s19, s18  }
0x9c: {  	s6 =	simm.s32 $0x0;
	s20 =	sshll.u32 s4, $0x1;
	s4 =	sadd.s32 s21, s2  }
0x9d: {  	[timem:s6], [sflag:s22] =	dma.local [hbm:s4], s20  }
0x9e: {  	_ =	swait.ge [sflag:s22], s20  }
0x9f: {  	s3 =	ssub.s32 $0x0, s20;
	[sflag:s22] =	ssyncset.done $0x0  }
0xa0: {  	[sflag:s22] =	ssyncadd.s32 s3;
	_ =	sdelay $0x1  }
0xa1: {  	s23 =	simm.s32 $0x1B8B  }
0xa2: {  	_ =	swait.ge [sflag:s23], $0x1  }
0xa3: {  	[sflag:s23] =	ssyncset.done $0x0  }
0xa4: {  	s25 =	simm.s32 $0x1B8E;
	s24 =	sld [smem:$0x3FFE];
	[sflag:s23] =	ssyncadd.s32 $0xFFFFFFFF  }
0xa5: {  	s26 =	simm.s32 $execute0_lowered;
	[smem:$0x3FD2] =	sst s25  }
0xa6: {  	s4 =	sshll.u32 s26, $0x1;
	_ =	strace $0x8000004F;
	[dreg:$0x1] =	wrdreg $0xFFFFFFFF  }
0xa7: {  	s28 =	simm.s32 $_size_execute0_lowered;
	s2 =	sadd.s32 s2, s4;
	[dreg:$0x0] =	wrdreg $0x0  }
0xa8: {  	s4 =	sshll.u32 s28, $0x1;
	[dreg:$0x2] =	wrdreg s2  }
0xa9: {  	[dreg:$0x3] =	wrdreg s4  }
0xaa: {  	[dreg:$0x4] =	wrdreg $0xC0  }
0xab: {  	_ =	task [dreg:s6], $0x5FFFF  }
0xac: {  	[dreg:$0x1] =	wrdreg $0xFFFFFFFF  }
0xad: {  	[dreg:$0x0] =	wrdreg $0x60  }
0xae: {  	[dreg:$0x2] =	wrdreg s24  }
0xaf: {  	[dreg:$0x3] =	wrdreg $0x9  }
0xb0: {  	_ =	task.clear_ibuf [dreg:s6], $0x4FFFF;
	_ =	strace $0x9000004F  }
0xb1: {  	s29 =	simm.s32 $0x9;
	_ =	strace $0x80000051  }
0xb2: {  	_ =	swait.ge [sflag:s29], $0x1  }
0xb3: {  	[sflag:s29] =	ssyncadd.s32 $0xFFFFFFFF  }
0xb4: {  	_ =	strace $0x90000051  }
0xb5: {  	_ =	sfence  }
0xb6: {  	s30 =	sld [smem:$0x0];
	_ =	sdelay $0x2  }
0xb7: {  	s31 =	sshll.u32 s1, $0xD;
	s1 =	sshrl.u32 s1, $0x2  }
0xb8: {  	s3 =	sand.u32 $0x4000, s31;
	s1 =	sadd.s32 s1, s30  }
0xb9: {  	s0 =	sor.u32 s3, s0;
	s1 =	sshll.u32 s1, $0x11  }
0xba: {  	s0 =	sor.u32 s1, s0  }
0xbb: {  	s0 =	sadd.s32 $0x8F2B, s0  }
0xbc: {  	[sflag:s0] =	ssyncadd.remote.s32 $0x1  }
0xbd: {  	_ =	sfence.sel $0xFFFF  }
0xbe: {  	[dreg:$0x0] =	wrdreg $0xFFFFFFFF;
	(pc) =	sbr.abs _section_cstart, $3  }
0xbf: {  	[dreg:$0x1] =	wrdreg $0xFFFFFFFF  }
0xc0: {  	_ =	task.clear_ibuf [dreg:s6], $0x2FFFF;
	_ =	strace $0x9FFFFFFF  }
0xc1: {  	(tm) =	ssettm $0x7FFFFFFF  }
tec
execute0_lowered:
.L_overlay_start_1:
0x0: {  	(tag) =	ssettag $0x1  }
0x1: {  	s4 =	rddreg [dreg:$0x0]  }
0x2: {  	s0 =	rddreg [dreg:$0x1]  }
0x3: {  	s1 =	simm.s32 $0x0;
	s2 =	srdreg.scid;
	s19 =	simm.s32 $0x8200  }
0x4: {  	s20 =	simm.s32 $0x1;
	s21 =	simm.s32 $0x3;
	s22 =	simm.s32 $0x2  }
0x5: {  	s23 =	simm.s32 $0x4;
	s24 =	simm.s32 $0x0;
	[smem:$0x7FF] =	sst s1  }
0x6: {  	s3 =	sadd.s32 $0x412800, s4;
	s13 =	sand.u32 $0x1, s2;
	s15 =	sadd.s32 $0x40A800, s4  }
0x7: {  	s2 =	stileid.u32;
	s14 =	sadd.s32 $0x49EC00, s4;
	_ =	strace $0x80000050  }
0x8: {  	s5 =	ssub.s32 $0x2, s13;
	s7 =	sshll.u32 s2, $0xE;
	s8 =	sshll.u32 s13, $0xD  }
0x9: {  	s18 =	sshll.u32 s2, $0x12;
	s6 =	sshrl.u32 s5, $0x1;
	s16 =	sor.u32 s8, s7  }
0xa: {  	s13 =	sshll.u32 s13, $0x11;
	s6 =	ssub.s32 s5, s6;
	s29 =	sshrl.u32 s16, $0x3  }
0xb: {  	s30 =	sshll.u32 s16, $0x4;
	s7 =	sor.u32 $0x200, s16;
	s17 =	sor.u32 $0x400, s16  }
0xc: {  	s16 =	sor.u32 $0x300, s16;
	s4 =	sadd.s32 s15, s29;
	s5 =	sadd.s32 s14, s30  }
0xd: {  	s31 =	sshrl.u32 s7, $0x3;
	s6 =	smax.u32 s6, $0x1;
	s14 =	sadd.s32 s18, s14  }
0xe: {  	s17 =	sshrl.u32 s17, $0x3;
	s16 =	sshrl.u32 s16, $0x3;
	s18 =	simm.s32 $0x200  }
0xf: {  	s7 =	sadd.s32 $0x20, s4;
	s8 =	sadd.s32 s15, s31;
	s9 =	sadd.s32 $0x1000, s5  }
0x10: {  	s10 =	sadd.s32 $0x3E0, s4;
	s11 =	sadd.s32 $0x1E000, s5;
	s12 =	sadd.s32 $0x1F000, s5  }
0x11: {  	s14 =	sadd.s32 s13, s14;
	s13 =	sadd.s32 s17, s15;
	s15 =	sadd.s32 s16, s15  }
0x12: {  	s16 =	simm.s32 $0x5;
	s17 =	simm.s32 $0x100;
	s14 =	sadd.s32 $0x2000, s14  }
.LBB2_1:
0x13: {  	[tilespmem:s1], [sflag:$0x5] =	stream.linear.gather [hbm4b:s4+s1], $0x100, $0x38;
	[tilespmem:$0x10200] =	vst v63  }
0x14: {  	_ =	swait.ge [sflag:s16], $0x100  }
0x15: {  	[sflag:s16] =	ssyncset.done $0x0  }
0x16: {  	[sflag:s16] =	ssyncadd.s32 $0xFFFFFF00  }
0x17: {  	[tilespmem:s18], [sflag:$0x1] =	stream.indirect.gather [hbm4b:s3+s17], $0x80, s1, s17, $0xb8;
	[tilespmem:$0x10200] =	vst v63  }
0x18: {  	_ = 	snop  }
0x19: {  	[tilespmem:s17], [sflag:$0x5] =	stream.linear.gather [hbm4b:s7+s1], $0x100, $0x38;
	[tilespmem:$0x10200] =	vst v63  }
0x1a: {  	_ =	swait.ge [sflag:s16], $0x100  }
0x1b: {  	[sflag:s16] =	ssyncset.done $0x0  }
0x1c: {  	[sflag:s16] =	ssyncadd.s32 $0xFFFFFF00  }
0x1d: {  	[tilespmem:s19], [sflag:$0x2] =	stream.indirect.gather [hbm4b:s3+s17], $0x80, s17, s17, $0xb8;
	[tilespmem:$0x10200] =	vst v63  }
0x1e: {  	_ =	swait.ge [sflag:s20], $0x8000  }
0x1f: {  	[sflag:s20] =	ssyncset.done $0x0  }
0x20: {  	[sflag:s20] =	ssyncadd.s32 $0xFFFF8000  }
0x21: {  	[hbm4b:s5+s1] =	stream.linear.scatter [tilespmem:s18], [sflag:$0x3], $0x8000, $0x38;
	[tilespmem:$0x10200] =	vst v63  }
0x22: {  	_ =	swait.ge [sflag:s21], $0x8000  }
0x23: {  	[sflag:s21] =	ssyncset.done $0x0  }
0x24: {  	[sflag:s21] =	ssyncadd.s32 $0xFFFF8000  }
0x25: {  	[tilespmem:s1], [sflag:$0x5] =	stream.linear.gather [hbm4b:s8+s1], $0x100, $0x38;
	[tilespmem:$0x10200] =	vst v63  }
0x26: {  	_ =	swait.ge [sflag:s16], $0x100  }
0x27: {  	[sflag:s16] =	ssyncset.done $0x0  }
0x28: {  	[sflag:s16] =	ssyncadd.s32 $0xFFFFFF00  }
0x29: {  	[tilespmem:s18], [sflag:$0x1] =	stream.indirect.gather [hbm4b:s3+s17], $0x80, s1, s17, $0xb8;
	[tilespmem:$0x10200] =	vst v63  }
0x2a: {  	_ =	swait.ge [sflag:s22], $0x8000  }
0x2b: {  	[sflag:s22] =	ssyncset.done $0x0  }
0x2c: {  	[sflag:s22] =	ssyncadd.s32 $0xFFFF8000  }
0x2d: {  	[hbm4b:s9+s1] =	stream.linear.scatter [tilespmem:s19], [sflag:$0x4], $0x8000, $0x38;
	[tilespmem:$0x10200] =	vst v63  }
0x2e: {  	_ =	swait.ge [sflag:s23], $0x8000  }
0x2f: {  	[sflag:s23] =	ssyncset.done $0x0  }
0x30: {  	s25 =	sadd.s32 $0x0, s15;
	[sflag:s23] =	ssyncadd.s32 $0xFFFF8000  }
0x31: {  	[tilespmem:s17], [sflag:$0x5] =	stream.linear.gather [hbm4b:s25+s1], $0x100, $0x38;
	[tilespmem:$0x10200] =	vst v63  }
0x32: {  	_ =	swait.ge [sflag:s16], $0x100  }
0x33: {  	[sflag:s16] =	ssyncset.done $0x0  }
0x34: {  	[sflag:s16] =	ssyncadd.s32 $0xFFFFFF00  }
0x35: {  	[tilespmem:s19], [sflag:$0x2] =	stream.indirect.gather [hbm4b:s3+s17], $0x80, s17, s17, $0xb8;
	[tilespmem:$0x10200] =	vst v63  }
0x36: {  	_ =	swait.ge [sflag:s20], $0x8000  }
0x37: {  	[sflag:s20] =	ssyncset.done $0x0  }
0x38: {  	[sflag:s20] =	ssyncadd.s32 $0xFFFF8000  }
0x39: {  	[hbm4b:s14+s1] =	stream.linear.scatter [tilespmem:s18], [sflag:$0x3], $0x8000, $0x38;
	[tilespmem:$0x10200] =	vst v63  }
0x3a: {  	_ =	swait.ge [sflag:s21], $0x8000  }
0x3b: {  	[sflag:s21] =	ssyncset.done $0x0  }
0x3c: {  	s31 =	sadd.s32 $0x0, s13;
	[sflag:s21] =	ssyncadd.s32 $0xFFFF8000  }
0x3d: {  	[tilespmem:s1], [sflag:$0x5] =	stream.linear.gather [hbm4b:s31+s1], $0x100, $0x38;
	[tilespmem:$0x10200] =	vst v63  }
0x3e: {  	_ =	swait.ge [sflag:s16], $0x100  }
0x3f: {  	[sflag:s16] =	ssyncset.done $0x0  }
0x40: {  	[sflag:s16] =	ssyncadd.s32 $0xFFFFFF00  }
0x41: {  	[tilespmem:s18], [sflag:$0x1] =	stream.indirect.gather [hbm4b:s3+s17], $0x80, s1, s17, $0xb8;
	[tilespmem:$0x10200] =	vst v63  }
0x42: {  	_ =	swait.ge [sflag:s22], $0x8000  }
0x43: {  	s28 =	sadd.s32 $0x1000, s14;
	[sflag:s22] =	ssyncset.done $0x0  }
0x44: {  	s26 =	sadd.s32 $0x2000, s14;
	s25 =	simm.s32 $0x40;
	[sflag:s22] =	ssyncadd.s32 $0xFFFF8000  }
.LBB2_2:
0x45: {  	[hbm4b:s28+s1] =	stream.linear.scatter [tilespmem:s19], [sflag:$0x4], $0x8000, $0x38;
	[tilespmem:$0x10200] =	vst v63  }
0x46: {  	s28 =	smov.u32 s25  }
0x47: {  	p0 =	sne.s32 s25, $0x340;
	s25 =	sadd.s32 $0x40, s25;
	_ =	swait.ge [sflag:s23], $0x8000  }
0x48: {  	[sflag:s23] =	ssyncset.done $0x0  }
0x49: {  	s29 =	sadd.s32 s28, s15;
	[sflag:s23] =	ssyncadd.s32 $0xFFFF8000  }
0x4a: {  	[tilespmem:s17], [sflag:$0x5] =	stream.linear.gather [hbm4b:s29+s1], $0x100, $0x38;
	[tilespmem:$0x10200] =	vst v63  }
0x4b: {  	_ =	swait.ge [sflag:s16], $0x100  }
0x4c: {  	[sflag:s16] =	ssyncset.done $0x0  }
0x4d: {  	[sflag:s16] =	ssyncadd.s32 $0xFFFFFF00  }
0x4e: {  	[tilespmem:s19], [sflag:$0x2] =	stream.indirect.gather [hbm4b:s3+s17], $0x80, s17, s17, $0xb8;
	[tilespmem:$0x10200] =	vst v63  }
0x4f: {  	_ =	swait.ge [sflag:s20], $0x8000  }
0x50: {  	[sflag:s20] =	ssyncset.done $0x0  }
0x51: {  	[sflag:s20] =	ssyncadd.s32 $0xFFFF8000  }
0x52: {  	[hbm4b:s26+s1] =	stream.linear.scatter [tilespmem:s18], [sflag:$0x3], $0x8000, $0x38;
	[tilespmem:$0x10200] =	vst v63  }
0x53: {  	_ =	swait.ge [sflag:s21], $0x8000  }
0x54: {  	[sflag:s21] =	ssyncset.done $0x0  }
0x55: {  	s28 =	sadd.s32 s28, s13;
	[sflag:s21] =	ssyncadd.s32 $0xFFFF8000  }
0x56: {  	[tilespmem:s1], [sflag:$0x5] =	stream.linear.gather [hbm4b:s28+s1], $0x100, $0x38;
	[tilespmem:$0x10200] =	vst v63  }
0x57: {  	_ =	swait.ge [sflag:s16], $0x100  }
0x58: {  	[sflag:s16] =	ssyncset.done $0x0  }
.Ltmp0:
0x59: {  	[sflag:s16] =	ssyncadd.s32 $0xFFFFFF00;
	(pc) =	sbr.rel @p0 .LBB2_2-.Ltmp0, $4  }
0x5a: {  	[tilespmem:s18], [sflag:$0x1] =	stream.indirect.gather [hbm4b:s3+s17], $0x80, s1, s17, $0xb8;
	[tilespmem:$0x10200] =	vst v63  }
0x5b: {  	_ =	swait.ge [sflag:s22], $0x8000  }
0x5c: {  	[sflag:s22] =	ssyncset.done $0x0  }
0x5d: {  	s28 =	sadd.s32 $0x1000, s26;
	s26 =	sadd.s32 $0x2000, s26;
	[sflag:s22] =	ssyncadd.s32 $0xFFFF8000  }
0x5e: {  	[hbm4b:s28+s1] =	stream.linear.scatter [tilespmem:s19], [sflag:$0x4], $0x8000, $0x38;
	[tilespmem:$0x10200] =	vst v63  }
0x5f: {  	_ =	swait.ge [sflag:s23], $0x8000  }
0x60: {  	[sflag:s23] =	ssyncset.done $0x0  }
0x61: {  	[sflag:s23] =	ssyncadd.s32 $0xFFFF8000  }
0x62: {  	[tilespmem:s17], [sflag:$0x5] =	stream.linear.gather [hbm4b:s10+s1], $0x100, $0x38;
	[tilespmem:$0x10200] =	vst v63  }
0x63: {  	_ =	swait.ge [sflag:s16], $0x100  }
0x64: {  	[sflag:s16] =	ssyncset.done $0x0  }
0x65: {  	[sflag:s16] =	ssyncadd.s32 $0xFFFFFF00  }
0x66: {  	[tilespmem:s19], [sflag:$0x2] =	stream.indirect.gather [hbm4b:s3+s17], $0x80, s17, s17, $0xb8;
	[tilespmem:$0x10200] =	vst v63  }
0x67: {  	_ =	swait.ge [sflag:s20], $0x8000  }
0x68: {  	[sflag:s20] =	ssyncset.done $0x0  }
0x69: {  	[sflag:s20] =	ssyncadd.s32 $0xFFFF8000  }
0x6a: {  	[hbm4b:s11+s1] =	stream.linear.scatter [tilespmem:s18], [sflag:$0x3], $0x8000, $0x38;
	[tilespmem:$0x10200] =	vst v63  }
0x6b: {  	_ =	swait.ge [sflag:s22], $0x8000  }
0x6c: {  	[sflag:s22] =	ssyncset.done $0x0  }
0x6d: {  	s24 =	sadd.s32 $0x1, s24;
	[sflag:s22] =	ssyncadd.s32 $0xFFFF8000  }
0x6e: {  	[hbm4b:s12+s1] =	stream.linear.scatter [tilespmem:s19], [sflag:$0x4], $0x8000, $0x38;
	[tilespmem:$0x10200] =	vst v63  }
0x6f: {  	p0 =	sne.s32 s24, s6;
	_ =	swait.ge [sflag:s21], $0x8000  }
.Ltmp1:
0x70: {  	[sflag:s21] =	ssyncset.done $0x0;
	(pc) =	sbr.rel @p0 .LBB2_1-.Ltmp1, $4  }
0x71: {  	[sflag:s21] =	ssyncadd.s32 $0xFFFF8000  }
0x72: {  	_ =	swait.ge [sflag:s23], $0x8000  }
0x73: {  	[sflag:s23] =	ssyncset.done $0x0  }
0x74: {  	[sflag:s23] =	ssyncadd.s32 $0xFFFF8000  }
0x75: {  	_ =	sfence.sel $0x180000  }
0x76: {  	[bflag:$0x0] =	sbarrier.arrive $0xFFFF  }
0x77: {  	p0 =	sne.s32 s2, $0x0;
	_ =	strace $0x90000050  }
0x78: {  	s0 =	sadd.s32 @!p0 $0x100000, s0;
	[bflag:$0x2] =	sbarrier.arrive $0xFFFF  }
0x79: {  	[sflag:s0] =	ssyncadd.tile.s32 @!p0 $0x1;
	_ =	shalt  }
.Lfunc_end2:
_tile_overlayer_lowered:
.L_overlay_start_2:
0x7a: {  	(tag) =	ssettag $0x2  }
0x7b: {  	s0 =	rddreg [dreg:$0x0];
	s2 =	stileid.u32  }
0x7c: {  	s1 =	rddreg [dreg:$0x1];
	p0 =	sne.s32 s2, $0x0  }
0x7d: {  	s3 =	rddreg [dreg:$0x2];
	[bflag:$0x3] =	sbarrier.arrive $0xFFFF;
	s2 =	simm.s32 @!p0 $0x1C05  }
0x7e: {  	[timem:s3], [sflag:s2] =	dma.local @!p0 [hbm:s0], s1  }
0x7f: {  	s0 =	simm.s32 @!p0 $0x5  }
0x80: {  	_ =	swait.ge @!p0 [sflag:s0], s1  }
0x81: {  	s1 =	ssub.s32 @!p0 $0x0, s1;
	[sflag:s0] =	ssyncset.done @!p0 $0x0  }
0x82: {  	[sflag:s0] =	ssyncadd.s32 @!p0 s1  }
0x83: {  	[bflag:$0x3] =	sbarrier.arrive $0xFFFF  }
0x84: {  	_ =	shalt  }

</sc_bundles>
